<compile_context>
chip_gen: v7x
topology: tpu7x:2x2x1
jax: 0.10.2.dev20260603
libtpu: 0.0.44.dev20260713+nightly
codegen_flags: <defaults>
</compile_context>

<pallas_src>
import dataclasses
import functools

import jax
import jax.numpy as jnp
from jax import lax
from jax.experimental import pallas as pl
from jax.experimental.pallas import tpu as pltpu
from jax.experimental.pallas import tpu_sc as plsc

NC = 2
NS = 16
NW = NC * NS
WIN = 128
LANES = 16
IDX_CHUNK = 16


def _round_up(a, m):
    return (a + m - 1) // m * m


@functools.partial(jax.jit, static_argnames=("n", "np_", "steps", "d"))
def _sc_accumulate(x, src_t, dst_t, *, n, np_, steps, d):
    rows_per_tile = np_ // NS
    zchunks = rows_per_tile // WIN
    zrem = rows_per_tile % WIN
    ichunks = steps // IDX_CHUNK

    mesh = plsc.VectorSubcoreMesh(core_axis_name="c", subcore_axis_name="s")
    cp = pltpu.CompilerParams()
    if "needs_layout_passes" in pltpu.CompilerParams.__dataclass_fields__:
        cp = dataclasses.replace(cp, needs_layout_passes=False)

    @functools.partial(
        pl.kernel,
        mesh=mesh,
        compiler_params=cp,
        out_type=[
            jax.ShapeDtypeStruct((NC, np_, d), jnp.float32),
            jax.ShapeDtypeStruct((NW, np_), jnp.float32),
        ],
        scratch_types=[
            pltpu.VMEM_SHARED((np_, d), jnp.float32),
            pltpu.VMEM((WIN, d), jnp.float32),
            pltpu.VMEM((WIN, d), jnp.float32),
            pltpu.VMEM((np_,), jnp.float32),
            pltpu.VMEM((IDX_CHUNK, WIN), jnp.int32),
            pltpu.VMEM((IDX_CHUNK, WIN), jnp.int32),
            pltpu.SemaphoreType.DMA,
            pltpu.SemaphoreType.DMA,
            pltpu.SemaphoreType.DMA,
            pltpu.SemaphoreType.DMA,
        ],
    )
    def sc_kernel(x_hbm, src_hbm, dst_hbm, ah_out, deg_out,
                  ah_sh, rows_v, rows_w, deg_v, sidx, didx,
                  sem0, sem1, sem2, sem3):
        c = lax.axis_index("c")
        s = lax.axis_index("s")
        wid = c * NS + s
        row0 = s * rows_per_tile

        zeros16 = jnp.zeros((LANES,), jnp.float32)
        ones16 = jnp.ones((LANES,), jnp.float32)

        @pl.loop(0, WIN)
        def _(i):
            @pl.loop(0, d // LANES)
            def _(j):
                rows_v[i, pl.ds(j * LANES, LANES)] = zeros16

        @pl.loop(0, np_ // LANES)
        def _(i):
            deg_v[pl.ds(i * LANES, LANES)] = zeros16

        @pl.loop(0, zchunks)
        def _(i):
            pltpu.sync_copy(rows_v, ah_sh.at[pl.ds(row0 + i * WIN, WIN)])
        if zrem:
            pltpu.sync_copy(rows_v.at[pl.ds(0, zrem)],
                            ah_sh.at[pl.ds(row0 + zchunks * WIN, zrem)])

        plsc.subcore_barrier()

        slots = (rows_v, rows_w)
        sems = ((sem0, sem1), (sem2, sem3))
        half = WIN // 2

        def fire_gather(t):
            dst = slots[t % 2]
            sa, sb = sems[t % 2]
            ha = pltpu.async_copy(x_hbm.at[sidx.at[t].at[pl.ds(0, half)]],
                                 dst.at[pl.ds(0, half)], sa)
            hb = pltpu.async_copy(x_hbm.at[sidx.at[t].at[pl.ds(half, half)]],
                                 dst.at[pl.ds(half, half)], sb)
            return (ha, hb)

        @pl.loop(0, ichunks)
        def _(cc):
            pltpu.sync_copy(src_hbm.at[wid, pl.ds(cc * IDX_CHUNK, IDX_CHUNK)],
                            sidx)
            pltpu.sync_copy(dst_hbm.at[wid, pl.ds(cc * IDX_CHUNK, IDX_CHUNK)],
                            didx)

            handles = fire_gather(0)
            for t in range(IDX_CHUNK):
                cur = slots[t % 2]
                handles[0].wait()
                handles[1].wait()
                if t + 1 < IDX_CHUNK:
                    handles = fire_gather(t + 1)
                for k in range(WIN // LANES):
                    idx = didx[t, pl.ds(k * LANES, LANES)]
                    plsc.addupdate_scatter(deg_v, [idx], ones16)
                pltpu.sync_copy(cur, ah_sh.at[didx.at[t]], add=True)

        plsc.subcore_barrier()

        @pl.loop(0, zchunks)
        def _(i):
            base = row0 + i * WIN
            pltpu.sync_copy(ah_sh.at[pl.ds(base, WIN)],
                            ah_out.at[c, pl.ds(base, WIN)])
        if zrem:
            base = row0 + zchunks * WIN
            pltpu.sync_copy(ah_sh.at[pl.ds(base, zrem)],
                            ah_out.at[c, pl.ds(base, zrem)])
        pltpu.sync_copy(deg_v, deg_out.at[wid])

    return sc_kernel(x, src_t, dst_t)


def _tc_body(ah_ref, deg_ref, w_ref, b_ref, g_ref, be_ref, o_ref):
    ah = ah_ref[0] + ah_ref[1]
    deg = jnp.sum(deg_ref[...], axis=1, keepdims=True)
    norm = jnp.where(deg > 0.0, 1.0 / deg, 0.0)
    h = jnp.dot(ah * norm, w_ref[...], preferred_element_type=jnp.float32)
    h = h + b_ref[...]
    mean = jnp.mean(h, axis=1, keepdims=True)
    zc = h - mean
    var = jnp.mean(zc * zc, axis=1, keepdims=True)
    h = zc / jnp.sqrt(var + 1e-5) * g_ref[...] + be_ref[...]
    o_ref[...] = jnp.maximum(h, 0.0)


def kernel(x, edge_index, W, b, gamma, beta):
    n, din = x.shape
    dout = W.shape[1]
    e = edge_index.shape[1]

    steps = _round_up(-(-e // (NW * WIN)), IDX_CHUNK)
    ep = steps * NW * WIN
    np_ = _round_up(n + 1, NS * 8)

    src = edge_index[0].astype(jnp.int32)
    dst = edge_index[1].astype(jnp.int32)
    pad = ep - e
    src_p = jnp.concatenate([src, jnp.zeros((pad,), jnp.int32)])
    dst_p = jnp.concatenate([dst, jnp.full((pad,), n, jnp.int32)])
    src_t = src_p.reshape(steps, NW, WIN).transpose(1, 0, 2)
    dst_t = dst_p.reshape(steps, NW, WIN).transpose(1, 0, 2)

    ah_p, deg_p = _sc_accumulate(x, src_t, dst_t,
                                 n=n, np_=np_, steps=steps, d=din)
    deg_p = deg_p.T

    rblk = 1000 if n % 1000 == 0 else n
    grid = n // rblk
    out = pl.pallas_call(
        _tc_body,
        grid=(grid,),
        in_specs=[
            pl.BlockSpec((NC, rblk, din), lambda i: (0, i, 0)),
            pl.BlockSpec((rblk, NW), lambda i: (i, 0)),
            pl.BlockSpec((din, dout), lambda i: (0, 0)),
            pl.BlockSpec((1, dout), lambda i: (0, 0)),
            pl.BlockSpec((1, dout), lambda i: (0, 0)),
            pl.BlockSpec((1, dout), lambda i: (0, 0)),
        ],
        out_specs=pl.BlockSpec((rblk, dout), lambda i: (i, 0)),
        out_shape=jax.ShapeDtypeStruct((n, dout), jnp.float32),
    )(ah_p, deg_p, W, b.reshape(1, dout), gamma.reshape(1, dout),
      beta.reshape(1, dout))
    return out

# --- scband reference (transcript-rebuilt; emitter-appended) ---
"""Pipeline reference for scband-gcnlayer-8985071583979 (READ-ONLY COPY).

The authoritative reference and input builder live on the scoring server;
editing this copy changes nothing except your own understanding.
"""

import jax, jax.numpy as jnp
import numpy as np


def setup_inputs(seed: int = 0) -> dict:
    key = jax.random.key(seed)
    k1, k2, k3, k4 = jax.random.split(key, 4)
    N, E, Din, Dout = 10000, 320000, 128, 128
    x = jax.random.normal(k1, (N, Din), dtype=jnp.float32)
    edge_index = jax.random.randint(k2, (2, E), 0, N)
    stdv = 1.0 / np.sqrt(Dout)
    W = jax.random.uniform(k3, (Din, Dout), minval=-stdv, maxval=stdv, dtype=jnp.float32)
    b = jax.random.uniform(k4, (Dout,), minval=-stdv, maxval=stdv, dtype=jnp.float32)
    gamma = jnp.ones((Dout,), dtype=jnp.float32)
    beta = jnp.zeros((Dout,), dtype=jnp.float32)
    return {"x": x, "edge_index": edge_index, "W": W, "b": b, "gamma": gamma, "beta": beta}


def reference(x, edge_index, W, b, gamma, beta):
    # DGL GCNLayer.forward (eval mode, use_pp=False, dropout=0):
    #   ah = sum of neighbor (src) features at each dst node  (copy_src + fn.sum)
    #   norm = 1 / in_degree (0 where in_degree == 0)
    #   h = concat(h, ah, norm) = ah * norm   (original h discarded by concat impl)
    #   h = h @ W + b; h = LayerNorm(h); h = activation(h)
    N = x.shape[0]
    src = edge_index[0]
    dst = edge_index[1]
    msgs = jnp.take(x, src, axis=0)
    ah = jax.ops.segment_sum(msgs, dst, num_segments=N)
    deg = jax.ops.segment_sum(jnp.ones((edge_index.shape[1],), dtype=jnp.float32), dst, num_segments=N)
    norm = jnp.where(deg > 0, 1.0 / deg, 0.0)[:, None]
    h = ah * norm
    h = h @ W + b
    mean = jnp.mean(h, axis=-1, keepdims=True)
    var = jnp.mean((h - mean) ** 2, axis=-1, keepdims=True)
    h = (h - mean) / jnp.sqrt(var + 1e-5) * gamma + beta
    return jax.nn.relu(h)

if __name__ == "__main__":
    import jax
    _d = setup_inputs()
    print(jax.jit(kernel)(*tuple(_d.values())))

</pallas_src>

<mosaic_0001>
#map = affine_map<(d0, d1) -> (0, 0)>
#map1 = affine_map<(d0, d1) -> (0, 0, 0)>
module attributes {stable_mosaic.version = 14 : i64} {
  func.func @sc_kernel(%arg0: i32, %arg1: i32, %arg2: memref<10000x128xf32, #tpu.memory_space<hbm>>, %arg3: memref<32x80x128xi32, #tpu.memory_space<hbm>>, %arg4: memref<32x80x128xi32, #tpu.memory_space<hbm>>, %arg5: memref<2x10112x128xf32, #tpu.memory_space<hbm>>, %arg6: memref<32x10112xf32, #tpu.memory_space<hbm>>, %arg7: memref<10112x128xf32, #tpu.memory_space<vmem_shared>>, %arg8: memref<128x128xf32, #tpu.memory_space<vmem>>, %arg9: memref<128x128xf32, #tpu.memory_space<vmem>>, %arg10: memref<10112xf32, #tpu.memory_space<vmem>>, %arg11: memref<16x128xi32, #tpu.memory_space<vmem>>, %arg12: memref<16x128xi32, #tpu.memory_space<vmem>>, %arg13: memref<!tpu.dma_semaphore, #tpu.memory_space<semaphore_mem>>, %arg14: memref<!tpu.dma_semaphore, #tpu.memory_space<semaphore_mem>>, %arg15: memref<!tpu.dma_semaphore, #tpu.memory_space<semaphore_mem>>, %arg16: memref<!tpu.dma_semaphore, #tpu.memory_space<semaphore_mem>>) attributes {dimension_semantics = [#tpu.dimension_semantics<core_parallel>, #tpu.dimension_semantics<subcore_parallel>], iteration_bounds = array<i64: 2, 16>, scalar_prefetch = 0 : i64, scratch_operands = 10 : i64, tpu.core_type = #tpu.core_type<sc_vector_subcore>, window_params = [{transform_indices = #map}, {transform_indices = #map1}, {transform_indices = #map1}, {transform_indices = #map1}, {transform_indices = #map}]} {
    %mul3A = arith.constant 16 : i32
    %mul3A_0 = arith.muli %arg0, %mul3A : i32
    %add3A = arith.addi %mul3A_0, %arg1 : i32
    %mul3A_1 = arith.constant 632 : i32
    %mul3A_2 = arith.muli %arg1, %mul3A_1 : i32
    %broadcast_in_dim3A = arith.constant 0.000000e+00 : f32
    %broadcast_in_dim3A_3 = vector.broadcast %broadcast_in_dim3A : f32 to vector<16xf32>
    %broadcast_in_dim3A_4 = arith.constant 1.000000e+00 : f32
    %broadcast_in_dim3A_5 = vector.broadcast %broadcast_in_dim3A_4 : f32 to vector<16xf32>
    %scan3A = arith.constant 0 : i32
    %scan3A_6 = arith.constant 128 : i32
    %scan3A_7 = arith.addi %scan3A, %scan3A_6 : i32
    %scan3A_8 = arith.constant 1 : i32
    scf.for %scan3A_35 = %scan3A to %scan3A_7 step %scan3A_8  : i32 {
      %mul3A_36 = arith.constant 1 : i32
      %mul3A_37 = arith.muli %scan3A_35, %mul3A_36 : i32
      %add3A_38 = arith.constant 0 : i32
      %add3A_39 = arith.addi %add3A_38, %mul3A_37 : i32
      %scan3A_40 = arith.constant 0 : i32
      %scan3A_41 = arith.constant 8 : i32
      %scan3A_42 = arith.addi %scan3A_40, %scan3A_41 : i32
      %scan3A_43 = arith.constant 1 : i32
      scf.for %scan3A_45 = %scan3A_40 to %scan3A_42 step %scan3A_43  : i32 {
        %mul3A_46 = arith.constant 1 : i32
        %mul3A_47 = arith.muli %scan3A_45, %mul3A_46 : i32
        %add3A_48 = arith.constant 0 : i32
        %add3A_49 = arith.addi %add3A_48, %mul3A_47 : i32
        %mul3A_50 = arith.constant 16 : i32
        %mul3A_51 = arith.muli %add3A_49, %mul3A_50 : i32
        %swap3A = arith.index_cast %add3A_39 : i32 to index
        %swap3A_52 = arith.index_cast %mul3A_51 : i32 to index
        %swap3A_53 = tpu.vector_load %arg8[%swap3A, %swap3A_52] {strides = array<i32>} : memref<128x128xf32, #tpu.memory_space<vmem>>, vector<16xf32>,
        tpu.vector_store %arg8[%swap3A, %swap3A_52], %broadcast_in_dim3A_3 {strides = array<i32>} : memref<128x128xf32, #tpu.memory_space<vmem>>, vector<16xf32>,
      }
      %scan3A_44 = arith.constant 8 : i32
    }
    %scan3A_9 = arith.constant 128 : i32
    %scan3A_10 = arith.constant 0 : i32
    %scan3A_11 = arith.constant 632 : i32
    %scan3A_12 = arith.addi %scan3A_10, %scan3A_11 : i32
    %scan3A_13 = arith.constant 1 : i32
    scf.for %scan3A_35 = %scan3A_10 to %scan3A_12 step %scan3A_13  : i32 {
      %mul3A_36 = arith.constant 1 : i32
      %mul3A_37 = arith.muli %scan3A_35, %mul3A_36 : i32
      %add3A_38 = arith.constant 0 : i32
      %add3A_39 = arith.addi %add3A_38, %mul3A_37 : i32
      %mul3A_40 = arith.constant 16 : i32
      %mul3A_41 = arith.muli %add3A_39, %mul3A_40 : i32
      %swap3A = arith.index_cast %mul3A_41 : i32 to index
      %swap3A_42 = tpu.vector_load %arg10[%swap3A] {strides = array<i32>} : memref<10112xf32, #tpu.memory_space<vmem>>, vector<16xf32>,
      tpu.vector_store %arg10[%swap3A], %broadcast_in_dim3A_3 {strides = array<i32>} : memref<10112xf32, #tpu.memory_space<vmem>>, vector<16xf32>,
    }
    %scan3A_14 = arith.constant 632 : i32
    %scan3A_15 = arith.constant 0 : i32
    %scan3A_16 = arith.constant 4 : i32
    %scan3A_17 = arith.addi %scan3A_15, %scan3A_16 : i32
    %scan3A_18 = arith.constant 1 : i32
    scf.for %scan3A_35 = %scan3A_15 to %scan3A_17 step %scan3A_18  : i32 {
      %mul3A_36 = arith.constant 1 : i32
      %mul3A_37 = arith.muli %scan3A_35, %mul3A_36 : i32
      %add3A_38 = arith.constant 0 : i32
      %add3A_39 = arith.addi %add3A_38, %mul3A_37 : i32
      %mul3A_40 = arith.constant 128 : i32
      %mul3A_41 = arith.muli %add3A_39, %mul3A_40 : i32
      %add3A_42 = arith.addi %mul3A_2, %mul3A_41 : i32
      "tpu.region"() ({
        %run_scoped3A = tpu.sem_alloc : memref<!tpu.dma_semaphore, #tpu.memory_space<semaphore_mem>>
        %dma_start3A = arith.constant 0 : i32
        %dma_start3A_43 = tpu.memref_slice %arg7[%add3A_42, %dma_start3A] : memref<10112x128xf32, #tpu.memory_space<vmem_shared>> -> memref<128x128xf32, #tpu.memory_space<vmem_shared>>
        %dma_start3A_44 = arith.constant 0 : i32
        %dma_start3A_45 = tpu.memref_slice %arg7[%add3A_42, %dma_start3A_44] : memref<10112x128xf32, #tpu.memory_space<vmem_shared>> -> memref<128x128xf32, #tpu.memory_space<vmem_shared>>
        tpu.enqueue_dma source(%arg8 : memref<128x128xf32, #tpu.memory_space<vmem>>) target(%dma_start3A_45 : memref<128x128xf32, #tpu.memory_space<vmem_shared>>) target_semaphore(%run_scoped3A : memref<!tpu.dma_semaphore, #tpu.memory_space<semaphore_mem>>)
        %dma_wait3A = arith.constant 0 : i32
        %dma_wait3A_46 = tpu.memref_slice %arg7[%add3A_42, %dma_wait3A] : memref<10112x128xf32, #tpu.memory_space<vmem_shared>> -> memref<128x128xf32, #tpu.memory_space<vmem_shared>>
        %dma_wait3A_47 = arith.constant 0 : i32
        %dma_wait3A_48 = tpu.memref_slice %arg7[%add3A_42, %dma_wait3A_47] : memref<10112x128xf32, #tpu.memory_space<vmem_shared>> -> memref<128x128xf32, #tpu.memory_space<vmem_shared>>
        tpu.wait_dma2 semaphore(%run_scoped3A : memref<!tpu.dma_semaphore, #tpu.memory_space<semaphore_mem>>) src(%arg8 : memref<128x128xf32, #tpu.memory_space<vmem>>) dst(%dma_wait3A_48 : memref<128x128xf32, #tpu.memory_space<vmem_shared>>)
        tpu.yield
      }) : () -> ()
    }
    %scan3A_19 = arith.constant 4 : i32
    %add3A_20 = arith.constant 512 : i32
    %add3A_21 = arith.addi %mul3A_2, %add3A_20 : i32
    "tpu.region"() ({
      %run_scoped3A = tpu.sem_alloc : memref<!tpu.dma_semaphore, #tpu.memory_space<semaphore_mem>>
      %dma_start3A = arith.constant 0 : i32
      %dma_start3A_35 = arith.constant 0 : i32
      %dma_start3A_36 = tpu.memref_slice %arg8[%dma_start3A, %dma_start3A_35] : memref<128x128xf32, #tpu.memory_space<vmem>> -> memref<120x128xf32, #tpu.memory_space<vmem>>
      %dma_start3A_37 = arith.constant 0 : i32
      %dma_start3A_38 = tpu.memref_slice %arg7[%add3A_21, %dma_start3A_37] : memref<10112x128xf32, #tpu.memory_space<vmem_shared>> -> memref<120x128xf32, #tpu.memory_space<vmem_shared>>
      %dma_start3A_39 = arith.constant 0 : i32
      %dma_start3A_40 = tpu.memref_slice %arg7[%add3A_21, %dma_start3A_39] : memref<10112x128xf32, #tpu.memory_space<vmem_shared>> -> memref<120x128xf32, #tpu.memory_space<vmem_shared>>
      %dma_start3A_41 = arith.constant 0 : i32
      %dma_start3A_42 = arith.constant 0 : i32
      %dma_start3A_43 = tpu.memref_slice %arg8[%dma_start3A_41, %dma_start3A_42] : memref<128x128xf32, #tpu.memory_space<vmem>> -> memref<120x128xf32, #tpu.memory_space<vmem>>
      tpu.enqueue_dma source(%dma_start3A_43 : memref<120x128xf32, #tpu.memory_space<vmem>>) target(%dma_start3A_40 : memref<120x128xf32, #tpu.memory_space<vmem_shared>>) target_semaphore(%run_scoped3A : memref<!tpu.dma_semaphore, #tpu.memory_space<semaphore_mem>>)
      %dma_wait3A = arith.constant 0 : i32
      %dma_wait3A_44 = arith.constant 0 : i32
      %dma_wait3A_45 = tpu.memref_slice %arg8[%dma_wait3A, %dma_wait3A_44] : memref<128x128xf32, #tpu.memory_space<vmem>> -> memref<120x128xf32, #tpu.memory_space<vmem>>
      %dma_wait3A_46 = arith.constant 0 : i32
      %dma_wait3A_47 = tpu.memref_slice %arg7[%add3A_21, %dma_wait3A_46] : memref<10112x128xf32, #tpu.memory_space<vmem_shared>> -> memref<120x128xf32, #tpu.memory_space<vmem_shared>>
      %dma_wait3A_48 = arith.constant 0 : i32
      %dma_wait3A_49 = tpu.memref_slice %arg7[%add3A_21, %dma_wait3A_48] : memref<10112x128xf32, #tpu.memory_space<vmem_shared>> -> memref<120x128xf32, #tpu.memory_space<vmem_shared>>
      %dma_wait3A_50 = arith.constant 0 : i32
      %dma_wait3A_51 = arith.constant 0 : i32
      %dma_wait3A_52 = tpu.memref_slice %arg8[%dma_wait3A_50, %dma_wait3A_51] : memref<128x128xf32, #tpu.memory_space<vmem>> -> memref<120x128xf32, #tpu.memory_space<vmem>>
      tpu.wait_dma2 semaphore(%run_scoped3A : memref<!tpu.dma_semaphore, #tpu.memory_space<semaphore_mem>>) src(%dma_wait3A_52 : memref<120x128xf32, #tpu.memory_space<vmem>>) dst(%dma_wait3A_49 : memref<120x128xf32, #tpu.memory_space<vmem_shared>>)
      tpu.yield
    }) : () -> ()
    %barrier3A = arith.constant 0 : index
    tpu.barrier barrier_id(%barrier3A)
    %scan3A_22 = arith.constant 0 : i32
    %scan3A_23 = arith.constant 5 : i32
    %scan3A_24 = arith.addi %scan3A_22, %scan3A_23 : i32
    %scan3A_25 = arith.constant 1 : i32
    scf.for %scan3A_35 = %scan3A_22 to %scan3A_24 step %scan3A_25  : i32 {
      %mul3A_36 = arith.constant 1 : i32
      %mul3A_37 = arith.muli %scan3A_35, %mul3A_36 : i32
      %add3A_38 = arith.constant 0 : i32
      %add3A_39 = arith.addi %add3A_38, %mul3A_37 : i32
      %mul3A_40 = arith.constant 16 : i32
      %mul3A_41 = arith.muli %add3A_39, %mul3A_40 : i32
      "tpu.region"() ({
        %run_scoped3A_1336 = tpu.sem_alloc : memref<!tpu.dma_semaphore, #tpu.memory_space<semaphore_mem>>
        %dma_start3A_1337 = arith.constant 0 : i32
        %dma_start3A_1338 = tpu.memref_slice %arg3[%add3A, %mul3A_41, %dma_start3A_1337] : memref<32x80x128xi32, #tpu.memory_space<hbm>> -> memref<1x16x128xi32, #tpu.memory_space<hbm>>
        %dma_start3A_1339 = tpu.memref_squeeze %dma_start3A_1338 : memref<1x16x128xi32, #tpu.memory_space<hbm>> -> memref<16x128xi32, #tpu.memory_space<hbm>>
        %dma_start3A_1340 = arith.constant 0 : i32
        %dma_start3A_1341 = tpu.memref_slice %arg3[%add3A, %mul3A_41, %dma_start3A_1340] : memref<32x80x128xi32, #tpu.memory_space<hbm>> -> memref<1x16x128xi32, #tpu.memory_space<hbm>>
        %dma_start3A_1342 = tpu.memref_squeeze %dma_start3A_1341 : memref<1x16x128xi32, #tpu.memory_space<hbm>> -> memref<16x128xi32, #tpu.memory_space<hbm>>
        tpu.enqueue_dma source(%dma_start3A_1342 : memref<16x128xi32, #tpu.memory_space<hbm>>) target(%arg11 : memref<16x128xi32, #tpu.memory_space<vmem>>) target_semaphore(%run_scoped3A_1336 : memref<!tpu.dma_semaphore, #tpu.memory_space<semaphore_mem>>)
        %dma_wait3A_1343 = arith.constant 0 : i32
        %dma_wait3A_1344 = tpu.memref_slice %arg3[%add3A, %mul3A_41, %dma_wait3A_1343] : memref<32x80x128xi32, #tpu.memory_space<hbm>> -> memref<1x16x128xi32, #tpu.memory_space<hbm>>
        %dma_wait3A_1345 = tpu.memref_squeeze %dma_wait3A_1344 : memref<1x16x128xi32, #tpu.memory_space<hbm>> -> memref<16x128xi32, #tpu.memory_space<hbm>>
        %dma_wait3A_1346 = arith.constant 0 : i32
        %dma_wait3A_1347 = tpu.memref_slice %arg3[%add3A, %mul3A_41, %dma_wait3A_1346] : memref<32x80x128xi32, #tpu.memory_space<hbm>> -> memref<1x16x128xi32, #tpu.memory_space<hbm>>
        %dma_wait3A_1348 = tpu.memref_squeeze %dma_wait3A_1347 : memref<1x16x128xi32, #tpu.memory_space<hbm>> -> memref<16x128xi32, #tpu.memory_space<hbm>>
        tpu.wait_dma2 semaphore(%run_scoped3A_1336 : memref<!tpu.dma_semaphore, #tpu.memory_space<semaphore_mem>>) src(%dma_wait3A_1348 : memref<16x128xi32, #tpu.memory_space<hbm>>) dst(%arg11 : memref<16x128xi32, #tpu.memory_space<vmem>>)
        tpu.yield
      }) : () -> ()
      %mul3A_42 = arith.constant 16 : i32
      %mul3A_43 = arith.muli %add3A_39, %mul3A_42 : i32
      "tpu.region"() ({
        %run_scoped3A_1336 = tpu.sem_alloc : memref<!tpu.dma_semaphore, #tpu.memory_space<semaphore_mem>>
        %dma_start3A_1337 = arith.constant 0 : i32
        %dma_start3A_1338 = tpu.memref_slice %arg4[%add3A, %mul3A_43, %dma_start3A_1337] : memref<32x80x128xi32, #tpu.memory_space<hbm>> -> memref<1x16x128xi32, #tpu.memory_space<hbm>>
        %dma_start3A_1339 = tpu.memref_squeeze %dma_start3A_1338 : memref<1x16x128xi32, #tpu.memory_space<hbm>> -> memref<16x128xi32, #tpu.memory_space<hbm>>
        %dma_start3A_1340 = arith.constant 0 : i32
        %dma_start3A_1341 = tpu.memref_slice %arg4[%add3A, %mul3A_43, %dma_start3A_1340] : memref<32x80x128xi32, #tpu.memory_space<hbm>> -> memref<1x16x128xi32, #tpu.memory_space<hbm>>
        %dma_start3A_1342 = tpu.memref_squeeze %dma_start3A_1341 : memref<1x16x128xi32, #tpu.memory_space<hbm>> -> memref<16x128xi32, #tpu.memory_space<hbm>>
        tpu.enqueue_dma source(%dma_start3A_1342 : memref<16x128xi32, #tpu.memory_space<hbm>>) target(%arg12 : memref<16x128xi32, #tpu.memory_space<vmem>>) target_semaphore(%run_scoped3A_1336 : memref<!tpu.dma_semaphore, #tpu.memory_space<semaphore_mem>>)
        %dma_wait3A_1343 = arith.constant 0 : i32
        %dma_wait3A_1344 = tpu.memref_slice %arg4[%add3A, %mul3A_43, %dma_wait3A_1343] : memref<32x80x128xi32, #tpu.memory_space<hbm>> -> memref<1x16x128xi32, #tpu.memory_space<hbm>>
        %dma_wait3A_1345 = tpu.memref_squeeze %dma_wait3A_1344 : memref<1x16x128xi32, #tpu.memory_space<hbm>> -> memref<16x128xi32, #tpu.memory_space<hbm>>
        %dma_wait3A_1346 = arith.constant 0 : i32
        %dma_wait3A_1347 = tpu.memref_slice %arg4[%add3A, %mul3A_43, %dma_wait3A_1346] : memref<32x80x128xi32, #tpu.memory_space<hbm>> -> memref<1x16x128xi32, #tpu.memory_space<hbm>>
        %dma_wait3A_1348 = tpu.memref_squeeze %dma_wait3A_1347 : memref<1x16x128xi32, #tpu.memory_space<hbm>> -> memref<16x128xi32, #tpu.memory_space<hbm>>
        tpu.wait_dma2 semaphore(%run_scoped3A_1336 : memref<!tpu.dma_semaphore, #tpu.memory_space<semaphore_mem>>) src(%dma_wait3A_1348 : memref<16x128xi32, #tpu.memory_space<hbm>>) dst(%arg12 : memref<16x128xi32, #tpu.memory_space<vmem>>)
        tpu.yield
      }) : () -> ()
      %dma_start3A = arith.constant 0 : i32
      %dma_start3A_44 = arith.constant 0 : i32
      %dma_start3A_45 = arith.constant 0 : i32
      %dma_start3A_46 = tpu.memref_slice %arg8[%dma_start3A_44, %dma_start3A_45] : memref<128x128xf32, #tpu.memory_space<vmem>> -> memref<64x128xf32, #tpu.memory_space<vmem>>
      %dma_start3A_47 = arith.constant 0 : i32
      %dma_start3A_48 = tpu.memref_slice %arg11[%dma_start3A, %dma_start3A_47] : memref<16x128xi32, #tpu.memory_space<vmem>> -> memref<1x128xi32, #tpu.memory_space<vmem>>
      %dma_start3A_49 = tpu.memref_squeeze %dma_start3A_48 : memref<1x128xi32, #tpu.memory_space<vmem>> -> memref<128xi32, #tpu.memory_space<vmem>>
      %dma_start3A_50 = arith.constant 0 : i32
      %dma_start3A_51 = tpu.memref_slice %dma_start3A_49[%dma_start3A_50] : memref<128xi32, #tpu.memory_space<vmem>> -> memref<64xi32, #tpu.memory_space<vmem>>
      %dma_start3A_52 = arith.constant 0 : i32
      %dma_start3A_53 = arith.constant 0 : i32
      %dma_start3A_54 = tpu.memref_slice %arg2[%dma_start3A_52, %dma_start3A_53] : memref<10000x128xf32, #tpu.memory_space<hbm>> -> memref<10000x128xf32, #tpu.memory_space<hbm>>
      tpu.enqueue_indirect_dma source(%dma_start3A_54 : memref<10000x128xf32, #tpu.memory_space<hbm>>) target(%dma_start3A_46 : memref<64x128xf32, #tpu.memory_space<vmem>>) offsets(%dma_start3A_51 : memref<64xi32, #tpu.memory_space<vmem>>) semaphore(%arg13 : memref<!tpu.dma_semaphore, #tpu.memory_space<semaphore_mem>>)
      %dma_start3A_55 = arith.constant 0 : i32
      %dma_start3A_56 = arith.constant 64 : i32
      %dma_start3A_57 = arith.constant 0 : i32
      %dma_start3A_58 = tpu.memref_slice %arg8[%dma_start3A_56, %dma_start3A_57] : memref<128x128xf32, #tpu.memory_space<vmem>> -> memref<64x128xf32, #tpu.memory_space<vmem>>
      %dma_start3A_59 = arith.constant 0 : i32
      %dma_start3A_60 = tpu.memref_slice %arg11[%dma_start3A_55, %dma_start3A_59] : memref<16x128xi32, #tpu.memory_space<vmem>> -> memref<1x128xi32, #tpu.memory_space<vmem>>
      %dma_start3A_61 = tpu.memref_squeeze %dma_start3A_60 : memref<1x128xi32, #tpu.memory_space<vmem>> -> memref<128xi32, #tpu.memory_space<vmem>>
      %dma_start3A_62 = arith.constant 64 : i32
      %dma_start3A_63 = tpu.memref_slice %dma_start3A_61[%dma_start3A_62] : memref<128xi32, #tpu.memory_space<vmem>> -> memref<64xi32, #tpu.memory_space<vmem>>
      %dma_start3A_64 = arith.constant 0 : i32
      %dma_start3A_65 = arith.constant 0 : i32
      %dma_start3A_66 = tpu.memref_slice %arg2[%dma_start3A_64, %dma_start3A_65] : memref<10000x128xf32, #tpu.memory_space<hbm>> -> memref<10000x128xf32, #tpu.memory_space<hbm>>
      tpu.enqueue_indirect_dma source(%dma_start3A_66 : memref<10000x128xf32, #tpu.memory_space<hbm>>) target(%dma_start3A_58 : memref<64x128xf32, #tpu.memory_space<vmem>>) offsets(%dma_start3A_63 : memref<64xi32, #tpu.memory_space<vmem>>) semaphore(%arg14 : memref<!tpu.dma_semaphore, #tpu.memory_space<semaphore_mem>>)
      %dma_wait3A = arith.constant 0 : i32
      %dma_wait3A_67 = arith.constant 0 : i32
      %dma_wait3A_68 = arith.constant 0 : i32
      %dma_wait3A_69 = tpu.memref_slice %arg8[%dma_wait3A_67, %dma_wait3A_68] : memref<128x128xf32, #tpu.memory_space<vmem>> -> memref<64x128xf32, #tpu.memory_space<vmem>>
      %dma_wait3A_70 = arith.constant 0 : i32
      %dma_wait3A_71 = tpu.memref_slice %arg11[%dma_wait3A, %dma_wait3A_70] : memref<16x128xi32, #tpu.memory_space<vmem>> -> memref<1x128xi32, #tpu.memory_space<vmem>>
      %dma_wait3A_72 = tpu.memref_squeeze %dma_wait3A_71 : memref<1x128xi32, #tpu.memory_space<vmem>> -> memref<128xi32, #tpu.memory_space<vmem>>
      %dma_wait3A_73 = arith.constant 0 : i32
      %dma_wait3A_74 = tpu.memref_slice %dma_wait3A_72[%dma_wait3A_73] : memref<128xi32, #tpu.memory_space<vmem>> -> memref<64xi32, #tpu.memory_space<vmem>>
      %dma_wait3A_75 = arith.constant 0 : i32
      %dma_wait3A_76 = arith.constant 0 : i32
      %dma_wait3A_77 = tpu.memref_slice %arg2[%dma_wait3A_75, %dma_wait3A_76] : memref<10000x128xf32, #tpu.memory_space<hbm>> -> memref<10000x128xf32, #tpu.memory_space<hbm>>
      tpu.wait_indirect_dma semaphore(%arg13 : memref<!tpu.dma_semaphore, #tpu.memory_space<semaphore_mem>>) src(%dma_wait3A_77 : memref<10000x128xf32, #tpu.memory_space<hbm>>) dst(%dma_wait3A_69 : memref<64x128xf32, #tpu.memory_space<vmem>>)
      %dma_wait3A_78 = arith.constant 0 : i32
      %dma_wait3A_79 = arith.constant 64 : i32
      %dma_wait3A_80 = arith.constant 0 : i32
      %dma_wait3A_81 = tpu.memref_slice %arg8[%dma_wait3A_79, %dma_wait3A_80] : memref<128x128xf32, #tpu.memory_space<vmem>> -> memref<64x128xf32, #tpu.memory_space<vmem>>
      %dma_wait3A_82 = arith.constant 0 : i32
      %dma_wait3A_83 = tpu.memref_slice %arg11[%dma_wait3A_78, %dma_wait3A_82] : memref<16x128xi32, #tpu.memory_space<vmem>> -> memref<1x128xi32, #tpu.memory_space<vmem>>
      %dma_wait3A_84 = tpu.memref_squeeze %dma_wait3A_83 : memref<1x128xi32, #tpu.memory_space<vmem>> -> memref<128xi32, #tpu.memory_space<vmem>>
      %dma_wait3A_85 = arith.constant 64 : i32
      %dma_wait3A_86 = tpu.memref_slice %dma_wait3A_84[%dma_wait3A_85] : memref<128xi32, #tpu.memory_space<vmem>> -> memref<64xi32, #tpu.memory_space<vmem>>
      %dma_wait3A_87 = arith.constant 0 : i32
      %dma_wait3A_88 = arith.constant 0 : i32
      %dma_wait3A_89 = tpu.memref_slice %arg2[%dma_wait3A_87, %dma_wait3A_88] : memref<10000x128xf32, #tpu.memory_space<hbm>> -> memref<10000x128xf32, #tpu.memory_space<hbm>>
      tpu.wait_indirect_dma semaphore(%arg14 : memref<!tpu.dma_semaphore, #tpu.memory_space<semaphore_mem>>) src(%dma_wait3A_89 : memref<10000x128xf32, #tpu.memory_space<hbm>>) dst(%dma_wait3A_81 : memref<64x128xf32, #tpu.memory_space<vmem>>)
      %dma_start3A_90 = arith.constant 1 : i32
      %dma_start3A_91 = arith.constant 0 : i32
      %dma_start3A_92 = arith.constant 0 : i32
      %dma_start3A_93 = tpu.memref_slice %arg9[%dma_start3A_91, %dma_start3A_92] : memref<128x128xf32, #tpu.memory_space<vmem>> -> memref<64x128xf32, #tpu.memory_space<vmem>>
      %dma_start3A_94 = arith.constant 0 : i32
      %dma_start3A_95 = tpu.memref_slice %arg11[%dma_start3A_90, %dma_start3A_94] : memref<16x128xi32, #tpu.memory_space<vmem>> -> memref<1x128xi32, #tpu.memory_space<vmem>>
      %dma_start3A_96 = tpu.memref_squeeze %dma_start3A_95 : memref<1x128xi32, #tpu.memory_space<vmem>> -> memref<128xi32, #tpu.memory_space<vmem>>
      %dma_start3A_97 = arith.constant 0 : i32
      %dma_start3A_98 = tpu.memref_slice %dma_start3A_96[%dma_start3A_97] : memref<128xi32, #tpu.memory_space<vmem>> -> memref<64xi32, #tpu.memory_space<vmem>>
      %dma_start3A_99 = arith.constant 0 : i32
      %dma_start3A_100 = arith.constant 0 : i32
      %dma_start3A_101 = tpu.memref_slice %arg2[%dma_start3A_99, %dma_start3A_100] : memref<10000x128xf32, #tpu.memory_space<hbm>> -> memref<10000x128xf32, #tpu.memory_space<hbm>>
      tpu.enqueue_indirect_dma source(%dma_start3A_101 : memref<10000x128xf32, #tpu.memory_space<hbm>>) target(%dma_start3A_93 : memref<64x128xf32, #tpu.memory_space<vmem>>) offsets(%dma_start3A_98 : memref<64xi32, #tpu.memory_space<vmem>>) semaphore(%arg15 : memref<!tpu.dma_semaphore, #tpu.memory_space<semaphore_mem>>)
      %dma_start3A_102 = arith.constant 1 : i32
      %dma_start3A_103 = arith.constant 64 : i32
      %dma_start3A_104 = arith.constant 0 : i32
      %dma_start3A_105 = tpu.memref_slice %arg9[%dma_start3A_103, %dma_start3A_104] : memref<128x128xf32, #tpu.memory_space<vmem>> -> memref<64x128xf32, #tpu.memory_space<vmem>>
      %dma_start3A_106 = arith.constant 0 : i32
      %dma_start3A_107 = tpu.memref_slice %arg11[%dma_start3A_102, %dma_start3A_106] : memref<16x128xi32, #tpu.memory_space<vmem>> -> memref<1x128xi32, #tpu.memory_space<vmem>>
      %dma_start3A_108 = tpu.memref_squeeze %dma_start3A_107 : memref<1x128xi32, #tpu.memory_space<vmem>> -> memref<128xi32, #tpu.memory_space<vmem>>
      %dma_start3A_109 = arith.constant 64 : i32
      %dma_start3A_110 = tpu.memref_slice %dma_start3A_108[%dma_start3A_109] : memref<128xi32, #tpu.memory_space<vmem>> -> memref<64xi32, #tpu.memory_space<vmem>>
      %dma_start3A_111 = arith.constant 0 : i32
      %dma_start3A_112 = arith.constant 0 : i32
      %dma_start3A_113 = tpu.memref_slice %arg2[%dma_start3A_111, %dma_start3A_112] : memref<10000x128xf32, #tpu.memory_space<hbm>> -> memref<10000x128xf32, #tpu.memory_space<hbm>>
      tpu.enqueue_indirect_dma source(%dma_start3A_113 : memref<10000x128xf32, #tpu.memory_space<hbm>>) target(%dma_start3A_105 : memref<64x128xf32, #tpu.memory_space<vmem>>) offsets(%dma_start3A_110 : memref<64xi32, #tpu.memory_space<vmem>>) semaphore(%arg16 : memref<!tpu.dma_semaphore, #tpu.memory_space<semaphore_mem>>)
      %get3A = arith.constant 0 : i32
      %get3A_114 = arith.index_cast %get3A : i32 to index
      %get3A_115 = arith.constant 0 : index
      %get3A_116 = tpu.vector_load %arg12[%get3A_114, %get3A_115] {strides = array<i32>} : memref<16x128xi32, #tpu.memory_space<vmem>>, vector<16xi32>,
      tpu.vector_store_idx %arg10[%get3A_116], %broadcast_in_dim3A_5 {add = true} : memref<10112xf32, #tpu.memory_space<vmem>>[vector<16xi32>], vector<16xf32>,
      %get3A_117 = arith.constant 0 : i32
      %get3A_118 = arith.index_cast %get3A_117 : i32 to index
      %get3A_119 = arith.constant 16 : index
      %get3A_120 = tpu.vector_load %arg12[%get3A_118, %get3A_119] {strides = array<i32>} : memref<16x128xi32, #tpu.memory_space<vmem>>, vector<16xi32>,
      tpu.vector_store_idx %arg10[%get3A_120], %broadcast_in_dim3A_5 {add = true} : memref<10112xf32, #tpu.memory_space<vmem>>[vector<16xi32>], vector<16xf32>,
      %get3A_121 = arith.constant 0 : i32
      %get3A_122 = arith.index_cast %get3A_121 : i32 to index
      %get3A_123 = arith.constant 32 : index
      %get3A_124 = tpu.vector_load %arg12[%get3A_122, %get3A_123] {strides = array<i32>} : memref<16x128xi32, #tpu.memory_space<vmem>>, vector<16xi32>,
      tpu.vector_store_idx %arg10[%get3A_124], %broadcast_in_dim3A_5 {add = true} : memref<10112xf32, #tpu.memory_space<vmem>>[vector<16xi32>], vector<16xf32>,
      %get3A_125 = arith.constant 0 : i32
      %get3A_126 = arith.index_cast %get3A_125 : i32 to index
      %get3A_127 = arith.constant 48 : index
      %get3A_128 = tpu.vector_load %arg12[%get3A_126, %get3A_127] {strides = array<i32>} : memref<16x128xi32, #tpu.memory_space<vmem>>, vector<16xi32>,
      tpu.vector_store_idx %arg10[%get3A_128], %broadcast_in_dim3A_5 {add = true} : memref<10112xf32, #tpu.memory_space<vmem>>[vector<16xi32>], vector<16xf32>,
      %get3A_129 = arith.constant 0 : i32
      %get3A_130 = arith.index_cast %get3A_129 : i32 to index
      %get3A_131 = arith.constant 64 : index
      %get3A_132 = tpu.vector_load %arg12[%get3A_130, %get3A_131] {strides = array<i32>} : memref<16x128xi32, #tpu.memory_space<vmem>>, vector<16xi32>,
      tpu.vector_store_idx %arg10[%get3A_132], %broadcast_in_dim3A_5 {add = true} : memref<10112xf32, #tpu.memory_space<vmem>>[vector<16xi32>], vector<16xf32>,
      %get3A_133 = arith.constant 0 : i32
      %get3A_134 = arith.index_cast %get3A_133 : i32 to index
      %get3A_135 = arith.constant 80 : index
      %get3A_136 = tpu.vector_load %arg12[%get3A_134, %get3A_135] {strides = array<i32>} : memref<16x128xi32, #tpu.memory_space<vmem>>, vector<16xi32>,
      tpu.vector_store_idx %arg10[%get3A_136], %broadcast_in_dim3A_5 {add = true} : memref<10112xf32, #tpu.memory_space<vmem>>[vector<16xi32>], vector<16xf32>,
      %get3A_137 = arith.constant 0 : i32
      %get3A_138 = arith.index_cast %get3A_137 : i32 to index
      %get3A_139 = arith.constant 96 : index
      %get3A_140 = tpu.vector_load %arg12[%get3A_138, %get3A_139] {strides = array<i32>} : memref<16x128xi32, #tpu.memory_space<vmem>>, vector<16xi32>,
      tpu.vector_store_idx %arg10[%get3A_140], %broadcast_in_dim3A_5 {add = true} : memref<10112xf32, #tpu.memory_space<vmem>>[vector<16xi32>], vector<16xf32>,
      %get3A_141 = arith.constant 0 : i32
      %get3A_142 = arith.index_cast %get3A_141 : i32 to index
      %get3A_143 = arith.constant 112 : index
      %get3A_144 = tpu.vector_load %arg12[%get3A_142, %get3A_143] {strides = array<i32>} : memref<16x128xi32, #tpu.memory_space<vmem>>, vector<16xi32>,
      tpu.vector_store_idx %arg10[%get3A_144], %broadcast_in_dim3A_5 {add = true} : memref<10112xf32, #tpu.memory_space<vmem>>[vector<16xi32>], vector<16xf32>,
      %run_scoped3A = arith.constant 0 : i32
      "tpu.region"() ({
        %run_scoped3A_1336 = tpu.sem_alloc : memref<!tpu.dma_semaphore, #tpu.memory_space<semaphore_mem>>
        %dma_start3A_1337 = arith.constant 0 : i32
        %dma_start3A_1338 = tpu.memref_slice %arg12[%run_scoped3A, %dma_start3A_1337] : memref<16x128xi32, #tpu.memory_space<vmem>> -> memref<1x128xi32, #tpu.memory_space<vmem>>
        %dma_start3A_1339 = tpu.memref_squeeze %dma_start3A_1338 : memref<1x128xi32, #tpu.memory_space<vmem>> -> memref<128xi32, #tpu.memory_space<vmem>>
        %dma_start3A_1340 = arith.constant 0 : i32
        %dma_start3A_1341 = arith.constant 0 : i32
        %dma_start3A_1342 = tpu.memref_slice %arg7[%dma_start3A_1340, %dma_start3A_1341] : memref<10112x128xf32, #tpu.memory_space<vmem_shared>> -> memref<10112x128xf32, #tpu.memory_space<vmem_shared>>
        tpu.enqueue_indirect_dma source(%arg8 : memref<128x128xf32, #tpu.memory_space<vmem>>) target(%dma_start3A_1342 : memref<10112x128xf32, #tpu.memory_space<vmem_shared>>) offsets(%dma_start3A_1339 : memref<128xi32, #tpu.memory_space<vmem>>) semaphore(%run_scoped3A_1336 : memref<!tpu.dma_semaphore, #tpu.memory_space<semaphore_mem>>) {add = true}
        %dma_wait3A_1343 = arith.constant 0 : i32
        %dma_wait3A_1344 = tpu.memref_slice %arg12[%run_scoped3A, %dma_wait3A_1343] : memref<16x128xi32, #tpu.memory_space<vmem>> -> memref<1x128xi32, #tpu.memory_space<vmem>>
        %dma_wait3A_1345 = tpu.memref_squeeze %dma_wait3A_1344 : memref<1x128xi32, #tpu.memory_space<vmem>> -> memref<128xi32, #tpu.memory_space<vmem>>
        %dma_wait3A_1346 = arith.constant 0 : i32
        %dma_wait3A_1347 = arith.constant 0 : i32
        %dma_wait3A_1348 = tpu.memref_slice %arg7[%dma_wait3A_1346, %dma_wait3A_1347] : memref<10112x128xf32, #tpu.memory_space<vmem_shared>> -> memref<10112x128xf32, #tpu.memory_space<vmem_shared>>
        tpu.wait_indirect_dma semaphore(%run_scoped3A_1336 : memref<!tpu.dma_semaphore, #tpu.memory_space<semaphore_mem>>) src(%arg8 : memref<128x128xf32, #tpu.memory_space<vmem>>) dst(%dma_wait3A_1348 : memref<10112x128xf32, #tpu.memory_space<vmem_shared>>)
        tpu.yield
      }) : () -> ()
      %dma_wait3A_145 = arith.constant 1 : i32
      %dma_wait3A_146 = arith.constant 0 : i32
      %dma_wait3A_147 = arith.constant 0 : i32
      %dma_wait3A_148 = tpu.memref_slice %arg9[%dma_wait3A_146, %dma_wait3A_147] : memref<128x128xf32, #tpu.memory_space<vmem>> -> memref<64x128xf32, #tpu.memory_space<vmem>>
      %dma_wait3A_149 = arith.constant 0 : i32
      %dma_wait3A_150 = tpu.memref_slice %arg11[%dma_wait3A_145, %dma_wait3A_149] : memref<16x128xi32, #tpu.memory_space<vmem>> -> memref<1x128xi32, #tpu.memory_space<vmem>>
      %dma_wait3A_151 = tpu.memref_squeeze %dma_wait3A_150 : memref<1x128xi32, #tpu.memory_space<vmem>> -> memref<128xi32, #tpu.memory_space<vmem>>
      %dma_wait3A_152 = arith.constant 0 : i32
      %dma_wait3A_153 = tpu.memref_slice %dma_wait3A_151[%dma_wait3A_152] : memref<128xi32, #tpu.memory_space<vmem>> -> memref<64xi32, #tpu.memory_space<vmem>>
      %dma_wait3A_154 = arith.constant 0 : i32
      %dma_wait3A_155 = arith.constant 0 : i32
      %dma_wait3A_156 = tpu.memref_slice %arg2[%dma_wait3A_154, %dma_wait3A_155] : memref<10000x128xf32, #tpu.memory_space<hbm>> -> memref<10000x128xf32, #tpu.memory_space<hbm>>
      tpu.wait_indirect_dma semaphore(%arg15 : memref<!tpu.dma_semaphore, #tpu.memory_space<semaphore_mem>>) src(%dma_wait3A_156 : memref<10000x128xf32, #tpu.memory_space<hbm>>) dst(%dma_wait3A_148 : memref<64x128xf32, #tpu.memory_space<vmem>>)
      %dma_wait3A_157 = arith.constant 1 : i32
      %dma_wait3A_158 = arith.constant 64 : i32
      %dma_wait3A_159 = arith.constant 0 : i32
      %dma_wait3A_160 = tpu.memref_slice %arg9[%dma_wait3A_158, %dma_wait3A_159] : memref<128x128xf32, #tpu.memory_space<vmem>> -> memref<64x128xf32, #tpu.memory_space<vmem>>
      %dma_wait3A_161 = arith.constant 0 : i32
      %dma_wait3A_162 = tpu.memref_slice %arg11[%dma_wait3A_157, %dma_wait3A_161] : memref<16x128xi32, #tpu.memory_space<vmem>> -> memref<1x128xi32, #tpu.memory_space<vmem>>
      %dma_wait3A_163 = tpu.memref_squeeze %dma_wait3A_162 : memref<1x128xi32, #tpu.memory_space<vmem>> -> memref<128xi32, #tpu.memory_space<vmem>>
      %dma_wait3A_164 = arith.constant 64 : i32
      %dma_wait3A_165 = tpu.memref_slice %dma_wait3A_163[%dma_wait3A_164] : memref<128xi32, #tpu.memory_space<vmem>> -> memref<64xi32, #tpu.memory_space<vmem>>
      %dma_wait3A_166 = arith.constant 0 : i32
      %dma_wait3A_167 = arith.constant 0 : i32
      %dma_wait3A_168 = tpu.memref_slice %arg2[%dma_wait3A_166, %dma_wait3A_167] : memref<10000x128xf32, #tpu.memory_space<hbm>> -> memref<10000x128xf32, #tpu.memory_space<hbm>>
      tpu.wait_indirect_dma semaphore(%arg16 : memref<!tpu.dma_semaphore, #tpu.memory_space<semaphore_mem>>) src(%dma_wait3A_168 : memref<10000x128xf32, #tpu.memory_space<hbm>>) dst(%dma_wait3A_160 : memref<64x128xf32, #tpu.memory_space<vmem>>)
      %dma_start3A_169 = arith.constant 2 : i32
      %dma_start3A_170 = arith.constant 0 : i32
      %dma_start3A_171 = arith.constant 0 : i32
      %dma_start3A_172 = tpu.memref_slice %arg8[%dma_start3A_170, %dma_start3A_171] : memref<128x128xf32, #tpu.memory_space<vmem>> -> memref<64x128xf32, #tpu.memory_space<vmem>>
      %dma_start3A_173 = arith.constant 0 : i32
      %dma_start3A_174 = tpu.memref_slice %arg11[%dma_start3A_169, %dma_start3A_173] : memref<16x128xi32, #tpu.memory_space<vmem>> -> memref<1x128xi32, #tpu.memory_space<vmem>>
      %dma_start3A_175 = tpu.memref_squeeze %dma_start3A_174 : memref<1x128xi32, #tpu.memory_space<vmem>> -> memref<128xi32, #tpu.memory_space<vmem>>
      %dma_start3A_176 = arith.constant 0 : i32
      %dma_start3A_177 = tpu.memref_slice %dma_start3A_175[%dma_start3A_176] : memref<128xi32, #tpu.memory_space<vmem>> -> memref<64xi32, #tpu.memory_space<vmem>>
      %dma_start3A_178 = arith.constant 0 : i32
      %dma_start3A_179 = arith.constant 0 : i32
      %dma_start3A_180 = tpu.memref_slice %arg2[%dma_start3A_178, %dma_start3A_179] : memref<10000x128xf32, #tpu.memory_space<hbm>> -> memref<10000x128xf32, #tpu.memory_space<hbm>>
      tpu.enqueue_indirect_dma source(%dma_start3A_180 : memref<10000x128xf32, #tpu.memory_space<hbm>>) target(%dma_start3A_172 : memref<64x128xf32, #tpu.memory_space<vmem>>) offsets(%dma_start3A_177 : memref<64xi32, #tpu.memory_space<vmem>>) semaphore(%arg13 : memref<!tpu.dma_semaphore, #tpu.memory_space<semaphore_mem>>)
      %dma_start3A_181 = arith.constant 2 : i32
      %dma_start3A_182 = arith.constant 64 : i32
      %dma_start3A_183 = arith.constant 0 : i32
      %dma_start3A_184 = tpu.memref_slice %arg8[%dma_start3A_182, %dma_start3A_183] : memref<128x128xf32, #tpu.memory_space<vmem>> -> memref<64x128xf32, #tpu.memory_space<vmem>>
      %dma_start3A_185 = arith.constant 0 : i32
      %dma_start3A_186 = tpu.memref_slice %arg11[%dma_start3A_181, %dma_start3A_185] : memref<16x128xi32, #tpu.memory_space<vmem>> -> memref<1x128xi32, #tpu.memory_space<vmem>>
      %dma_start3A_187 = tpu.memref_squeeze %dma_start3A_186 : memref<1x128xi32, #tpu.memory_space<vmem>> -> memref<128xi32, #tpu.memory_space<vmem>>
      %dma_start3A_188 = arith.constant 64 : i32
      %dma_start3A_189 = tpu.memref_slice %dma_start3A_187[%dma_start3A_188] : memref<128xi32, #tpu.memory_space<vmem>> -> memref<64xi32, #tpu.memory_space<vmem>>
      %dma_start3A_190 = arith.constant 0 : i32
      %dma_start3A_191 = arith.constant 0 : i32
      %dma_start3A_192 = tpu.memref_slice %arg2[%dma_start3A_190, %dma_start3A_191] : memref<10000x128xf32, #tpu.memory_space<hbm>> -> memref<10000x128xf32, #tpu.memory_space<hbm>>
      tpu.enqueue_indirect_dma source(%dma_start3A_192 : memref<10000x128xf32, #tpu.memory_space<hbm>>) target(%dma_start3A_184 : memref<64x128xf32, #tpu.memory_space<vmem>>) offsets(%dma_start3A_189 : memref<64xi32, #tpu.memory_space<vmem>>) semaphore(%arg14 : memref<!tpu.dma_semaphore, #tpu.memory_space<semaphore_mem>>)
      %get3A_193 = arith.constant 1 : i32
      %get3A_194 = arith.index_cast %get3A_193 : i32 to index
      %get3A_195 = arith.constant 0 : index
      %get3A_196 = tpu.vector_load %arg12[%get3A_194, %get3A_195] {strides = array<i32>} : memref<16x128xi32, #tpu.memory_space<vmem>>, vector<16xi32>,
      tpu.vector_store_idx %arg10[%get3A_196], %broadcast_in_dim3A_5 {add = true} : memref<10112xf32, #tpu.memory_space<vmem>>[vector<16xi32>], vector<16xf32>,
      %get3A_197 = arith.constant 1 : i32
      %get3A_198 = arith.index_cast %get3A_197 : i32 to index
      %get3A_199 = arith.constant 16 : index
      %get3A_200 = tpu.vector_load %arg12[%get3A_198, %get3A_199] {strides = array<i32>} : memref<16x128xi32, #tpu.memory_space<vmem>>, vector<16xi32>,
      tpu.vector_store_idx %arg10[%get3A_200], %broadcast_in_dim3A_5 {add = true} : memref<10112xf32, #tpu.memory_space<vmem>>[vector<16xi32>], vector<16xf32>,
      %get3A_201 = arith.constant 1 : i32
      %get3A_202 = arith.index_cast %get3A_201 : i32 to index
      %get3A_203 = arith.constant 32 : index
      %get3A_204 = tpu.vector_load %arg12[%get3A_202, %get3A_203] {strides = array<i32>} : memref<16x128xi32, #tpu.memory_space<vmem>>, vector<16xi32>,
      tpu.vector_store_idx %arg10[%get3A_204], %broadcast_in_dim3A_5 {add = true} : memref<10112xf32, #tpu.memory_space<vmem>>[vector<16xi32>], vector<16xf32>,
      %get3A_205 = arith.constant 1 : i32
      %get3A_206 = arith.index_cast %get3A_205 : i32 to index
      %get3A_207 = arith.constant 48 : index
      %get3A_208 = tpu.vector_load %arg12[%get3A_206, %get3A_207] {strides = array<i32>} : memref<16x128xi32, #tpu.memory_space<vmem>>, vector<16xi32>,
      tpu.vector_store_idx %arg10[%get3A_208], %broadcast_in_dim3A_5 {add = true} : memref<10112xf32, #tpu.memory_space<vmem>>[vector<16xi32>], vector<16xf32>,
      %get3A_209 = arith.constant 1 : i32
      %get3A_210 = arith.index_cast %get3A_209 : i32 to index
      %get3A_211 = arith.constant 64 : index
      %get3A_212 = tpu.vector_load %arg12[%get3A_210, %get3A_211] {strides = array<i32>} : memref<16x128xi32, #tpu.memory_space<vmem>>, vector<16xi32>,
      tpu.vector_store_idx %arg10[%get3A_212], %broadcast_in_dim3A_5 {add = true} : memref<10112xf32, #tpu.memory_space<vmem>>[vector<16xi32>], vector<16xf32>,
      %get3A_213 = arith.constant 1 : i32
      %get3A_214 = arith.index_cast %get3A_213 : i32 to index
      %get3A_215 = arith.constant 80 : index
      %get3A_216 = tpu.vector_load %arg12[%get3A_214, %get3A_215] {strides = array<i32>} : memref<16x128xi32, #tpu.memory_space<vmem>>, vector<16xi32>,
      tpu.vector_store_idx %arg10[%get3A_216], %broadcast_in_dim3A_5 {add = true} : memref<10112xf32, #tpu.memory_space<vmem>>[vector<16xi32>], vector<16xf32>,
      %get3A_217 = arith.constant 1 : i32
      %get3A_218 = arith.index_cast %get3A_217 : i32 to index
      %get3A_219 = arith.constant 96 : index
      %get3A_220 = tpu.vector_load %arg12[%get3A_218, %get3A_219] {strides = array<i32>} : memref<16x128xi32, #tpu.memory_space<vmem>>, vector<16xi32>,
      tpu.vector_store_idx %arg10[%get3A_220], %broadcast_in_dim3A_5 {add = true} : memref<10112xf32, #tpu.memory_space<vmem>>[vector<16xi32>], vector<16xf32>,
      %get3A_221 = arith.constant 1 : i32
      %get3A_222 = arith.index_cast %get3A_221 : i32 to index
      %get3A_223 = arith.constant 112 : index
      %get3A_224 = tpu.vector_load %arg12[%get3A_222, %get3A_223] {strides = array<i32>} : memref<16x128xi32, #tpu.memory_space<vmem>>, vector<16xi32>,
      tpu.vector_store_idx %arg10[%get3A_224], %broadcast_in_dim3A_5 {add = true} : memref<10112xf32, #tpu.memory_space<vmem>>[vector<16xi32>], vector<16xf32>,
      %run_scoped3A_225 = arith.constant 1 : i32
      "tpu.region"() ({
        %run_scoped3A_1336 = tpu.sem_alloc : memref<!tpu.dma_semaphore, #tpu.memory_space<semaphore_mem>>
        %dma_start3A_1337 = arith.constant 0 : i32
        %dma_start3A_1338 = tpu.memref_slice %arg12[%run_scoped3A_225, %dma_start3A_1337] : memref<16x128xi32, #tpu.memory_space<vmem>> -> memref<1x128xi32, #tpu.memory_space<vmem>>
        %dma_start3A_1339 = tpu.memref_squeeze %dma_start3A_1338 : memref<1x128xi32, #tpu.memory_space<vmem>> -> memref<128xi32, #tpu.memory_space<vmem>>
        %dma_start3A_1340 = arith.constant 0 : i32
        %dma_start3A_1341 = arith.constant 0 : i32
        %dma_start3A_1342 = tpu.memref_slice %arg7[%dma_start3A_1340, %dma_start3A_1341] : memref<10112x128xf32, #tpu.memory_space<vmem_shared>> -> memref<10112x128xf32, #tpu.memory_space<vmem_shared>>
        tpu.enqueue_indirect_dma source(%arg9 : memref<128x128xf32, #tpu.memory_space<vmem>>) target(%dma_start3A_1342 : memref<10112x128xf32, #tpu.memory_space<vmem_shared>>) offsets(%dma_start3A_1339 : memref<128xi32, #tpu.memory_space<vmem>>) semaphore(%run_scoped3A_1336 : memref<!tpu.dma_semaphore, #tpu.memory_space<semaphore_mem>>) {add = true}
        %dma_wait3A_1343 = arith.constant 0 : i32
        %dma_wait3A_1344 = tpu.memref_slice %arg12[%run_scoped3A_225, %dma_wait3A_1343] : memref<16x128xi32, #tpu.memory_space<vmem>> -> memref<1x128xi32, #tpu.memory_space<vmem>>
        %dma_wait3A_1345 = tpu.memref_squeeze %dma_wait3A_1344 : memref<1x128xi32, #tpu.memory_space<vmem>> -> memref<128xi32, #tpu.memory_space<vmem>>
        %dma_wait3A_1346 = arith.constant 0 : i32
        %dma_wait3A_1347 = arith.constant 0 : i32
        %dma_wait3A_1348 = tpu.memref_slice %arg7[%dma_wait3A_1346, %dma_wait3A_1347] : memref<10112x128xf32, #tpu.memory_space<vmem_shared>> -> memref<10112x128xf32, #tpu.memory_space<vmem_shared>>
        tpu.wait_indirect_dma semaphore(%run_scoped3A_1336 : memref<!tpu.dma_semaphore, #tpu.memory_space<semaphore_mem>>) src(%arg9 : memref<128x128xf32, #tpu.memory_space<vmem>>) dst(%dma_wait3A_1348 : memref<10112x128xf32, #tpu.memory_space<vmem_shared>>)
        tpu.yield
      }) : () -> ()
      %dma_wait3A_226 = arith.constant 2 : i32
      %dma_wait3A_227 = arith.constant 0 : i32
      %dma_wait3A_228 = arith.constant 0 : i32
      %dma_wait3A_229 = tpu.memref_slice %arg8[%dma_wait3A_227, %dma_wait3A_228] : memref<128x128xf32, #tpu.memory_space<vmem>> -> memref<64x128xf32, #tpu.memory_space<vmem>>
      %dma_wait3A_230 = arith.constant 0 : i32
      %dma_wait3A_231 = tpu.memref_slice %arg11[%dma_wait3A_226, %dma_wait3A_230] : memref<16x128xi32, #tpu.memory_space<vmem>> -> memref<1x128xi32, #tpu.memory_space<vmem>>
      %dma_wait3A_232 = tpu.memref_squeeze %dma_wait3A_231 : memref<1x128xi32, #tpu.memory_space<vmem>> -> memref<128xi32, #tpu.memory_space<vmem>>
      %dma_wait3A_233 = arith.constant 0 : i32
      %dma_wait3A_234 = tpu.memref_slice %dma_wait3A_232[%dma_wait3A_233] : memref<128xi32, #tpu.memory_space<vmem>> -> memref<64xi32, #tpu.memory_space<vmem>>
      %dma_wait3A_235 = arith.constant 0 : i32
      %dma_wait3A_236 = arith.constant 0 : i32
      %dma_wait3A_237 = tpu.memref_slice %arg2[%dma_wait3A_235, %dma_wait3A_236] : memref<10000x128xf32, #tpu.memory_space<hbm>> -> memref<10000x128xf32, #tpu.memory_space<hbm>>
      tpu.wait_indirect_dma semaphore(%arg13 : memref<!tpu.dma_semaphore, #tpu.memory_space<semaphore_mem>>) src(%dma_wait3A_237 : memref<10000x128xf32, #tpu.memory_space<hbm>>) dst(%dma_wait3A_229 : memref<64x128xf32, #tpu.memory_space<vmem>>)
      %dma_wait3A_238 = arith.constant 2 : i32
      %dma_wait3A_239 = arith.constant 64 : i32
      %dma_wait3A_240 = arith.constant 0 : i32
      %dma_wait3A_241 = tpu.memref_slice %arg8[%dma_wait3A_239, %dma_wait3A_240] : memref<128x128xf32, #tpu.memory_space<vmem>> -> memref<64x128xf32, #tpu.memory_space<vmem>>
      %dma_wait3A_242 = arith.constant 0 : i32
      %dma_wait3A_243 = tpu.memref_slice %arg11[%dma_wait3A_238, %dma_wait3A_242] : memref<16x128xi32, #tpu.memory_space<vmem>> -> memref<1x128xi32, #tpu.memory_space<vmem>>
      %dma_wait3A_244 = tpu.memref_squeeze %dma_wait3A_243 : memref<1x128xi32, #tpu.memory_space<vmem>> -> memref<128xi32, #tpu.memory_space<vmem>>
      %dma_wait3A_245 = arith.constant 64 : i32
      %dma_wait3A_246 = tpu.memref_slice %dma_wait3A_244[%dma_wait3A_245] : memref<128xi32, #tpu.memory_space<vmem>> -> memref<64xi32, #tpu.memory_space<vmem>>
      %dma_wait3A_247 = arith.constant 0 : i32
      %dma_wait3A_248 = arith.constant 0 : i32
      %dma_wait3A_249 = tpu.memref_slice %arg2[%dma_wait3A_247, %dma_wait3A_248] : memref<10000x128xf32, #tpu.memory_space<hbm>> -> memref<10000x128xf32, #tpu.memory_space<hbm>>
      tpu.wait_indirect_dma semaphore(%arg14 : memref<!tpu.dma_semaphore, #tpu.memory_space<semaphore_mem>>) src(%dma_wait3A_249 : memref<10000x128xf32, #tpu.memory_space<hbm>>) dst(%dma_wait3A_241 : memref<64x128xf32, #tpu.memory_space<vmem>>)
      %dma_start3A_250 = arith.constant 3 : i32
      %dma_start3A_251 = arith.constant 0 : i32
      %dma_start3A_252 = arith.constant 0 : i32
      %dma_start3A_253 = tpu.memref_slice %arg9[%dma_start3A_251, %dma_start3A_252] : memref<128x128xf32, #tpu.memory_space<vmem>> -> memref<64x128xf32, #tpu.memory_space<vmem>>
      %dma_start3A_254 = arith.constant 0 : i32
      %dma_start3A_255 = tpu.memref_slice %arg11[%dma_start3A_250, %dma_start3A_254] : memref<16x128xi32, #tpu.memory_space<vmem>> -> memref<1x128xi32, #tpu.memory_space<vmem>>
      %dma_start3A_256 = tpu.memref_squeeze %dma_start3A_255 : memref<1x128xi32, #tpu.memory_space<vmem>> -> memref<128xi32, #tpu.memory_space<vmem>>
      %dma_start3A_257 = arith.constant 0 : i32
      %dma_start3A_258 = tpu.memref_slice %dma_start3A_256[%dma_start3A_257] : memref<128xi32, #tpu.memory_space<vmem>> -> memref<64xi32, #tpu.memory_space<vmem>>
      %dma_start3A_259 = arith.constant 0 : i32
      %dma_start3A_260 = arith.constant 0 : i32
      %dma_start3A_261 = tpu.memref_slice %arg2[%dma_start3A_259, %dma_start3A_260] : memref<10000x128xf32, #tpu.memory_space<hbm>> -> memref<10000x128xf32, #tpu.memory_space<hbm>>
      tpu.enqueue_indirect_dma source(%dma_start3A_261 : memref<10000x128xf32, #tpu.memory_space<hbm>>) target(%dma_start3A_253 : memref<64x128xf32, #tpu.memory_space<vmem>>) offsets(%dma_start3A_258 : memref<64xi32, #tpu.memory_space<vmem>>) semaphore(%arg15 : memref<!tpu.dma_semaphore, #tpu.memory_space<semaphore_mem>>)
      %dma_start3A_262 = arith.constant 3 : i32
      %dma_start3A_263 = arith.constant 64 : i32
      %dma_start3A_264 = arith.constant 0 : i32
      %dma_start3A_265 = tpu.memref_slice %arg9[%dma_start3A_263, %dma_start3A_264] : memref<128x128xf32, #tpu.memory_space<vmem>> -> memref<64x128xf32, #tpu.memory_space<vmem>>
      %dma_start3A_266 = arith.constant 0 : i32
      %dma_start3A_267 = tpu.memref_slice %arg11[%dma_start3A_262, %dma_start3A_266] : memref<16x128xi32, #tpu.memory_space<vmem>> -> memref<1x128xi32, #tpu.memory_space<vmem>>
      %dma_start3A_268 = tpu.memref_squeeze %dma_start3A_267 : memref<1x128xi32, #tpu.memory_space<vmem>> -> memref<128xi32, #tpu.memory_space<vmem>>
      %dma_start3A_269 = arith.constant 64 : i32
      %dma_start3A_270 = tpu.memref_slice %dma_start3A_268[%dma_start3A_269] : memref<128xi32, #tpu.memory_space<vmem>> -> memref<64xi32, #tpu.memory_space<vmem>>
      %dma_start3A_271 = arith.constant 0 : i32
      %dma_start3A_272 = arith.constant 0 : i32
      %dma_start3A_273 = tpu.memref_slice %arg2[%dma_start3A_271, %dma_start3A_272] : memref<10000x128xf32, #tpu.memory_space<hbm>> -> memref<10000x128xf32, #tpu.memory_space<hbm>>
      tpu.enqueue_indirect_dma source(%dma_start3A_273 : memref<10000x128xf32, #tpu.memory_space<hbm>>) target(%dma_start3A_265 : memref<64x128xf32, #tpu.memory_space<vmem>>) offsets(%dma_start3A_270 : memref<64xi32, #tpu.memory_space<vmem>>) semaphore(%arg16 : memref<!tpu.dma_semaphore, #tpu.memory_space<semaphore_mem>>)
      %get3A_274 = arith.constant 2 : i32
      %get3A_275 = arith.index_cast %get3A_274 : i32 to index
      %get3A_276 = arith.constant 0 : index
      %get3A_277 = tpu.vector_load %arg12[%get3A_275, %get3A_276] {strides = array<i32>} : memref<16x128xi32, #tpu.memory_space<vmem>>, vector<16xi32>,
      tpu.vector_store_idx %arg10[%get3A_277], %broadcast_in_dim3A_5 {add = true} : memref<10112xf32, #tpu.memory_space<vmem>>[vector<16xi32>], vector<16xf32>,
      %get3A_278 = arith.constant 2 : i32
      %get3A_279 = arith.index_cast %get3A_278 : i32 to index
      %get3A_280 = arith.constant 16 : index
      %get3A_281 = tpu.vector_load %arg12[%get3A_279, %get3A_280] {strides = array<i32>} : memref<16x128xi32, #tpu.memory_space<vmem>>, vector<16xi32>,
      tpu.vector_store_idx %arg10[%get3A_281], %broadcast_in_dim3A_5 {add = true} : memref<10112xf32, #tpu.memory_space<vmem>>[vector<16xi32>], vector<16xf32>,
      %get3A_282 = arith.constant 2 : i32
      %get3A_283 = arith.index_cast %get3A_282 : i32 to index
      %get3A_284 = arith.constant 32 : index
      %get3A_285 = tpu.vector_load %arg12[%get3A_283, %get3A_284] {strides = array<i32>} : memref<16x128xi32, #tpu.memory_space<vmem>>, vector<16xi32>,
      tpu.vector_store_idx %arg10[%get3A_285], %broadcast_in_dim3A_5 {add = true} : memref<10112xf32, #tpu.memory_space<vmem>>[vector<16xi32>], vector<16xf32>,
      %get3A_286 = arith.constant 2 : i32
      %get3A_287 = arith.index_cast %get3A_286 : i32 to index
      %get3A_288 = arith.constant 48 : index
      %get3A_289 = tpu.vector_load %arg12[%get3A_287, %get3A_288] {strides = array<i32>} : memref<16x128xi32, #tpu.memory_space<vmem>>, vector<16xi32>,
      tpu.vector_store_idx %arg10[%get3A_289], %broadcast_in_dim3A_5 {add = true} : memref<10112xf32, #tpu.memory_space<vmem>>[vector<16xi32>], vector<16xf32>,
      %get3A_290 = arith.constant 2 : i32
      %get3A_291 = arith.index_cast %get3A_290 : i32 to index
      %get3A_292 = arith.constant 64 : index
      %get3A_293 = tpu.vector_load %arg12[%get3A_291, %get3A_292] {strides = array<i32>} : memref<16x128xi32, #tpu.memory_space<vmem>>, vector<16xi32>,
      tpu.vector_store_idx %arg10[%get3A_293], %broadcast_in_dim3A_5 {add = true} : memref<10112xf32, #tpu.memory_space<vmem>>[vector<16xi32>], vector<16xf32>,
      %get3A_294 = arith.constant 2 : i32
      %get3A_295 = arith.index_cast %get3A_294 : i32 to index
      %get3A_296 = arith.constant 80 : index
      %get3A_297 = tpu.vector_load %arg12[%get3A_295, %get3A_296] {strides = array<i32>} : memref<16x128xi32, #tpu.memory_space<vmem>>, vector<16xi32>,
      tpu.vector_store_idx %arg10[%get3A_297], %broadcast_in_dim3A_5 {add = true} : memref<10112xf32, #tpu.memory_space<vmem>>[vector<16xi32>], vector<16xf32>,
      %get3A_298 = arith.constant 2 : i32
      %get3A_299 = arith.index_cast %get3A_298 : i32 to index
      %get3A_300 = arith.constant 96 : index
      %get3A_301 = tpu.vector_load %arg12[%get3A_299, %get3A_300] {strides = array<i32>} : memref<16x128xi32, #tpu.memory_space<vmem>>, vector<16xi32>,
      tpu.vector_store_idx %arg10[%get3A_301], %broadcast_in_dim3A_5 {add = true} : memref<10112xf32, #tpu.memory_space<vmem>>[vector<16xi32>], vector<16xf32>,
      %get3A_302 = arith.constant 2 : i32
      %get3A_303 = arith.index_cast %get3A_302 : i32 to index
      %get3A_304 = arith.constant 112 : index
      %get3A_305 = tpu.vector_load %arg12[%get3A_303, %get3A_304] {strides = array<i32>} : memref<16x128xi32, #tpu.memory_space<vmem>>, vector<16xi32>,
      tpu.vector_store_idx %arg10[%get3A_305], %broadcast_in_dim3A_5 {add = true} : memref<10112xf32, #tpu.memory_space<vmem>>[vector<16xi32>], vector<16xf32>,
      %run_scoped3A_306 = arith.constant 2 : i32
      "tpu.region"() ({
        %run_scoped3A_1336 = tpu.sem_alloc : memref<!tpu.dma_semaphore, #tpu.memory_space<semaphore_mem>>
        %dma_start3A_1337 = arith.constant 0 : i32
        %dma_start3A_1338 = tpu.memref_slice %arg12[%run_scoped3A_306, %dma_start3A_1337] : memref<16x128xi32, #tpu.memory_space<vmem>> -> memref<1x128xi32, #tpu.memory_space<vmem>>
        %dma_start3A_1339 = tpu.memref_squeeze %dma_start3A_1338 : memref<1x128xi32, #tpu.memory_space<vmem>> -> memref<128xi32, #tpu.memory_space<vmem>>
        %dma_start3A_1340 = arith.constant 0 : i32
        %dma_start3A_1341 = arith.constant 0 : i32
        %dma_start3A_1342 = tpu.memref_slice %arg7[%dma_start3A_1340, %dma_start3A_1341] : memref<10112x128xf32, #tpu.memory_space<vmem_shared>> -> memref<10112x128xf32, #tpu.memory_space<vmem_shared>>
        tpu.enqueue_indirect_dma source(%arg8 : memref<128x128xf32, #tpu.memory_space<vmem>>) target(%dma_start3A_1342 : memref<10112x128xf32, #tpu.memory_space<vmem_shared>>) offsets(%dma_start3A_1339 : memref<128xi32, #tpu.memory_space<vmem>>) semaphore(%run_scoped3A_1336 : memref<!tpu.dma_semaphore, #tpu.memory_space<semaphore_mem>>) {add = true}
        %dma_wait3A_1343 = arith.constant 0 : i32
        %dma_wait3A_1344 = tpu.memref_slice %arg12[%run_scoped3A_306, %dma_wait3A_1343] : memref<16x128xi32, #tpu.memory_space<vmem>> -> memref<1x128xi32, #tpu.memory_space<vmem>>
        %dma_wait3A_1345 = tpu.memref_squeeze %dma_wait3A_1344 : memref<1x128xi32, #tpu.memory_space<vmem>> -> memref<128xi32, #tpu.memory_space<vmem>>
        %dma_wait3A_1346 = arith.constant 0 : i32
        %dma_wait3A_1347 = arith.constant 0 : i32
        %dma_wait3A_1348 = tpu.memref_slice %arg7[%dma_wait3A_1346, %dma_wait3A_1347] : memref<10112x128xf32, #tpu.memory_space<vmem_shared>> -> memref<10112x128xf32, #tpu.memory_space<vmem_shared>>
        tpu.wait_indirect_dma semaphore(%run_scoped3A_1336 : memref<!tpu.dma_semaphore, #tpu.memory_space<semaphore_mem>>) src(%arg8 : memref<128x128xf32, #tpu.memory_space<vmem>>) dst(%dma_wait3A_1348 : memref<10112x128xf32, #tpu.memory_space<vmem_shared>>)
        tpu.yield
      }) : () -> ()
      %dma_wait3A_307 = arith.constant 3 : i32
      %dma_wait3A_308 = arith.constant 0 : i32
      %dma_wait3A_309 = arith.constant 0 : i32
      %dma_wait3A_310 = tpu.memref_slice %arg9[%dma_wait3A_308, %dma_wait3A_309] : memref<128x128xf32, #tpu.memory_space<vmem>> -> memref<64x128xf32, #tpu.memory_space<vmem>>
      %dma_wait3A_311 = arith.constant 0 : i32
      %dma_wait3A_312 = tpu.memref_slice %arg11[%dma_wait3A_307, %dma_wait3A_311] : memref<16x128xi32, #tpu.memory_space<vmem>> -> memref<1x128xi32, #tpu.memory_space<vmem>>
      %dma_wait3A_313 = tpu.memref_squeeze %dma_wait3A_312 : memref<1x128xi32, #tpu.memory_space<vmem>> -> memref<128xi32, #tpu.memory_space<vmem>>
      %dma_wait3A_314 = arith.constant 0 : i32
      %dma_wait3A_315 = tpu.memref_slice %dma_wait3A_313[%dma_wait3A_314] : memref<128xi32, #tpu.memory_space<vmem>> -> memref<64xi32, #tpu.memory_space<vmem>>
      %dma_wait3A_316 = arith.constant 0 : i32
      %dma_wait3A_317 = arith.constant 0 : i32
      %dma_wait3A_318 = tpu.memref_slice %arg2[%dma_wait3A_316, %dma_wait3A_317] : memref<10000x128xf32, #tpu.memory_space<hbm>> -> memref<10000x128xf32, #tpu.memory_space<hbm>>
      tpu.wait_indirect_dma semaphore(%arg15 : memref<!tpu.dma_semaphore, #tpu.memory_space<semaphore_mem>>) src(%dma_wait3A_318 : memref<10000x128xf32, #tpu.memory_space<hbm>>) dst(%dma_wait3A_310 : memref<64x128xf32, #tpu.memory_space<vmem>>)
      %dma_wait3A_319 = arith.constant 3 : i32
      %dma_wait3A_320 = arith.constant 64 : i32
      %dma_wait3A_321 = arith.constant 0 : i32
      %dma_wait3A_322 = tpu.memref_slice %arg9[%dma_wait3A_320, %dma_wait3A_321] : memref<128x128xf32, #tpu.memory_space<vmem>> -> memref<64x128xf32, #tpu.memory_space<vmem>>
      %dma_wait3A_323 = arith.constant 0 : i32
      %dma_wait3A_324 = tpu.memref_slice %arg11[%dma_wait3A_319, %dma_wait3A_323] : memref<16x128xi32, #tpu.memory_space<vmem>> -> memref<1x128xi32, #tpu.memory_space<vmem>>
      %dma_wait3A_325 = tpu.memref_squeeze %dma_wait3A_324 : memref<1x128xi32, #tpu.memory_space<vmem>> -> memref<128xi32, #tpu.memory_space<vmem>>
      %dma_wait3A_326 = arith.constant 64 : i32
      %dma_wait3A_327 = tpu.memref_slice %dma_wait3A_325[%dma_wait3A_326] : memref<128xi32, #tpu.memory_space<vmem>> -> memref<64xi32, #tpu.memory_space<vmem>>
      %dma_wait3A_328 = arith.constant 0 : i32
      %dma_wait3A_329 = arith.constant 0 : i32
      %dma_wait3A_330 = tpu.memref_slice %arg2[%dma_wait3A_328, %dma_wait3A_329] : memref<10000x128xf32, #tpu.memory_space<hbm>> -> memref<10000x128xf32, #tpu.memory_space<hbm>>
      tpu.wait_indirect_dma semaphore(%arg16 : memref<!tpu.dma_semaphore, #tpu.memory_space<semaphore_mem>>) src(%dma_wait3A_330 : memref<10000x128xf32, #tpu.memory_space<hbm>>) dst(%dma_wait3A_322 : memref<64x128xf32, #tpu.memory_space<vmem>>)
      %dma_start3A_331 = arith.constant 4 : i32
      %dma_start3A_332 = arith.constant 0 : i32
      %dma_start3A_333 = arith.constant 0 : i32
      %dma_start3A_334 = tpu.memref_slice %arg8[%dma_start3A_332, %dma_start3A_333] : memref<128x128xf32, #tpu.memory_space<vmem>> -> memref<64x128xf32, #tpu.memory_space<vmem>>
      %dma_start3A_335 = arith.constant 0 : i32
      %dma_start3A_336 = tpu.memref_slice %arg11[%dma_start3A_331, %dma_start3A_335] : memref<16x128xi32, #tpu.memory_space<vmem>> -> memref<1x128xi32, #tpu.memory_space<vmem>>
      %dma_start3A_337 = tpu.memref_squeeze %dma_start3A_336 : memref<1x128xi32, #tpu.memory_space<vmem>> -> memref<128xi32, #tpu.memory_space<vmem>>
      %dma_start3A_338 = arith.constant 0 : i32
      %dma_start3A_339 = tpu.memref_slice %dma_start3A_337[%dma_start3A_338] : memref<128xi32, #tpu.memory_space<vmem>> -> memref<64xi32, #tpu.memory_space<vmem>>
      %dma_start3A_340 = arith.constant 0 : i32
      %dma_start3A_341 = arith.constant 0 : i32
      %dma_start3A_342 = tpu.memref_slice %arg2[%dma_start3A_340, %dma_start3A_341] : memref<10000x128xf32, #tpu.memory_space<hbm>> -> memref<10000x128xf32, #tpu.memory_space<hbm>>
      tpu.enqueue_indirect_dma source(%dma_start3A_342 : memref<10000x128xf32, #tpu.memory_space<hbm>>) target(%dma_start3A_334 : memref<64x128xf32, #tpu.memory_space<vmem>>) offsets(%dma_start3A_339 : memref<64xi32, #tpu.memory_space<vmem>>) semaphore(%arg13 : memref<!tpu.dma_semaphore, #tpu.memory_space<semaphore_mem>>)
      %dma_start3A_343 = arith.constant 4 : i32
      %dma_start3A_344 = arith.constant 64 : i32
      %dma_start3A_345 = arith.constant 0 : i32
      %dma_start3A_346 = tpu.memref_slice %arg8[%dma_start3A_344, %dma_start3A_345] : memref<128x128xf32, #tpu.memory_space<vmem>> -> memref<64x128xf32, #tpu.memory_space<vmem>>
      %dma_start3A_347 = arith.constant 0 : i32
      %dma_start3A_348 = tpu.memref_slice %arg11[%dma_start3A_343, %dma_start3A_347] : memref<16x128xi32, #tpu.memory_space<vmem>> -> memref<1x128xi32, #tpu.memory_space<vmem>>
      %dma_start3A_349 = tpu.memref_squeeze %dma_start3A_348 : memref<1x128xi32, #tpu.memory_space<vmem>> -> memref<128xi32, #tpu.memory_space<vmem>>
      %dma_start3A_350 = arith.constant 64 : i32
      %dma_start3A_351 = tpu.memref_slice %dma_start3A_349[%dma_start3A_350] : memref<128xi32, #tpu.memory_space<vmem>> -> memref<64xi32, #tpu.memory_space<vmem>>
      %dma_start3A_352 = arith.constant 0 : i32
      %dma_start3A_353 = arith.constant 0 : i32
      %dma_start3A_354 = tpu.memref_slice %arg2[%dma_start3A_352, %dma_start3A_353] : memref<10000x128xf32, #tpu.memory_space<hbm>> -> memref<10000x128xf32, #tpu.memory_space<hbm>>
      tpu.enqueue_indirect_dma source(%dma_start3A_354 : memref<10000x128xf32, #tpu.memory_space<hbm>>) target(%dma_start3A_346 : memref<64x128xf32, #tpu.memory_space<vmem>>) offsets(%dma_start3A_351 : memref<64xi32, #tpu.memory_space<vmem>>) semaphore(%arg14 : memref<!tpu.dma_semaphore, #tpu.memory_space<semaphore_mem>>)
      %get3A_355 = arith.constant 3 : i32
      %get3A_356 = arith.index_cast %get3A_355 : i32 to index
      %get3A_357 = arith.constant 0 : index
      %get3A_358 = tpu.vector_load %arg12[%get3A_356, %get3A_357] {strides = array<i32>} : memref<16x128xi32, #tpu.memory_space<vmem>>, vector<16xi32>,
      tpu.vector_store_idx %arg10[%get3A_358], %broadcast_in_dim3A_5 {add = true} : memref<10112xf32, #tpu.memory_space<vmem>>[vector<16xi32>], vector<16xf32>,
      %get3A_359 = arith.constant 3 : i32
      %get3A_360 = arith.index_cast %get3A_359 : i32 to index
      %get3A_361 = arith.constant 16 : index
      %get3A_362 = tpu.vector_load %arg12[%get3A_360, %get3A_361] {strides = array<i32>} : memref<16x128xi32, #tpu.memory_space<vmem>>, vector<16xi32>,
      tpu.vector_store_idx %arg10[%get3A_362], %broadcast_in_dim3A_5 {add = true} : memref<10112xf32, #tpu.memory_space<vmem>>[vector<16xi32>], vector<16xf32>,
      %get3A_363 = arith.constant 3 : i32
      %get3A_364 = arith.index_cast %get3A_363 : i32 to index
      %get3A_365 = arith.constant 32 : index
      %get3A_366 = tpu.vector_load %arg12[%get3A_364, %get3A_365] {strides = array<i32>} : memref<16x128xi32, #tpu.memory_space<vmem>>, vector<16xi32>,
      tpu.vector_store_idx %arg10[%get3A_366], %broadcast_in_dim3A_5 {add = true} : memref<10112xf32, #tpu.memory_space<vmem>>[vector<16xi32>], vector<16xf32>,
      %get3A_367 = arith.constant 3 : i32
      %get3A_368 = arith.index_cast %get3A_367 : i32 to index
      %get3A_369 = arith.constant 48 : index
      %get3A_370 = tpu.vector_load %arg12[%get3A_368, %get3A_369] {strides = array<i32>} : memref<16x128xi32, #tpu.memory_space<vmem>>, vector<16xi32>,
      tpu.vector_store_idx %arg10[%get3A_370], %broadcast_in_dim3A_5 {add = true} : memref<10112xf32, #tpu.memory_space<vmem>>[vector<16xi32>], vector<16xf32>,
      %get3A_371 = arith.constant 3 : i32
      %get3A_372 = arith.index_cast %get3A_371 : i32 to index
      %get3A_373 = arith.constant 64 : index
      %get3A_374 = tpu.vector_load %arg12[%get3A_372, %get3A_373] {strides = array<i32>} : memref<16x128xi32, #tpu.memory_space<vmem>>, vector<16xi32>,
      tpu.vector_store_idx %arg10[%get3A_374], %broadcast_in_dim3A_5 {add = true} : memref<10112xf32, #tpu.memory_space<vmem>>[vector<16xi32>], vector<16xf32>,
      %get3A_375 = arith.constant 3 : i32
      %get3A_376 = arith.index_cast %get3A_375 : i32 to index
      %get3A_377 = arith.constant 80 : index
      %get3A_378 = tpu.vector_load %arg12[%get3A_376, %get3A_377] {strides = array<i32>} : memref<16x128xi32, #tpu.memory_space<vmem>>, vector<16xi32>,
      tpu.vector_store_idx %arg10[%get3A_378], %broadcast_in_dim3A_5 {add = true} : memref<10112xf32, #tpu.memory_space<vmem>>[vector<16xi32>], vector<16xf32>,
      %get3A_379 = arith.constant 3 : i32
      %get3A_380 = arith.index_cast %get3A_379 : i32 to index
      %get3A_381 = arith.constant 96 : index
      %get3A_382 = tpu.vector_load %arg12[%get3A_380, %get3A_381] {strides = array<i32>} : memref<16x128xi32, #tpu.memory_space<vmem>>, vector<16xi32>,
      tpu.vector_store_idx %arg10[%get3A_382], %broadcast_in_dim3A_5 {add = true} : memref<10112xf32, #tpu.memory_space<vmem>>[vector<16xi32>], vector<16xf32>,
      %get3A_383 = arith.constant 3 : i32
      %get3A_384 = arith.index_cast %get3A_383 : i32 to index
      %get3A_385 = arith.constant 112 : index
      %get3A_386 = tpu.vector_load %arg12[%get3A_384, %get3A_385] {strides = array<i32>} : memref<16x128xi32, #tpu.memory_space<vmem>>, vector<16xi32>,
      tpu.vector_store_idx %arg10[%get3A_386], %broadcast_in_dim3A_5 {add = true} : memref<10112xf32, #tpu.memory_space<vmem>>[vector<16xi32>], vector<16xf32>,
      %run_scoped3A_387 = arith.constant 3 : i32
      "tpu.region"() ({
        %run_scoped3A_1336 = tpu.sem_alloc : memref<!tpu.dma_semaphore, #tpu.memory_space<semaphore_mem>>
        %dma_start3A_1337 = arith.constant 0 : i32
        %dma_start3A_1338 = tpu.memref_slice %arg12[%run_scoped3A_387, %dma_start3A_1337] : memref<16x128xi32, #tpu.memory_space<vmem>> -> memref<1x128xi32, #tpu.memory_space<vmem>>
        %dma_start3A_1339 = tpu.memref_squeeze %dma_start3A_1338 : memref<1x128xi32, #tpu.memory_space<vmem>> -> memref<128xi32, #tpu.memory_space<vmem>>
        %dma_start3A_1340 = arith.constant 0 : i32
        %dma_start3A_1341 = arith.constant 0 : i32
        %dma_start3A_1342 = tpu.memref_slice %arg7[%dma_start3A_1340, %dma_start3A_1341] : memref<10112x128xf32, #tpu.memory_space<vmem_shared>> -> memref<10112x128xf32, #tpu.memory_space<vmem_shared>>
        tpu.enqueue_indirect_dma source(%arg9 : memref<128x128xf32, #tpu.memory_space<vmem>>) target(%dma_start3A_1342 : memref<10112x128xf32, #tpu.memory_space<vmem_shared>>) offsets(%dma_start3A_1339 : memref<128xi32, #tpu.memory_space<vmem>>) semaphore(%run_scoped3A_1336 : memref<!tpu.dma_semaphore, #tpu.memory_space<semaphore_mem>>) {add = true}
        %dma_wait3A_1343 = arith.constant 0 : i32
        %dma_wait3A_1344 = tpu.memref_slice %arg12[%run_scoped3A_387, %dma_wait3A_1343] : memref<16x128xi32, #tpu.memory_space<vmem>> -> memref<1x128xi32, #tpu.memory_space<vmem>>
        %dma_wait3A_1345 = tpu.memref_squeeze %dma_wait3A_1344 : memref<1x128xi32, #tpu.memory_space<vmem>> -> memref<128xi32, #tpu.memory_space<vmem>>
        %dma_wait3A_1346 = arith.constant 0 : i32
        %dma_wait3A_1347 = arith.constant 0 : i32
        %dma_wait3A_1348 = tpu.memref_slice %arg7[%dma_wait3A_1346, %dma_wait3A_1347] : memref<10112x128xf32, #tpu.memory_space<vmem_shared>> -> memref<10112x128xf32, #tpu.memory_space<vmem_shared>>
        tpu.wait_indirect_dma semaphore(%run_scoped3A_1336 : memref<!tpu.dma_semaphore, #tpu.memory_space<semaphore_mem>>) src(%arg9 : memref<128x128xf32, #tpu.memory_space<vmem>>) dst(%dma_wait3A_1348 : memref<10112x128xf32, #tpu.memory_space<vmem_shared>>)
        tpu.yield
      }) : () -> ()
      %dma_wait3A_388 = arith.constant 4 : i32
      %dma_wait3A_389 = arith.constant 0 : i32
      %dma_wait3A_390 = arith.constant 0 : i32
      %dma_wait3A_391 = tpu.memref_slice %arg8[%dma_wait3A_389, %dma_wait3A_390] : memref<128x128xf32, #tpu.memory_space<vmem>> -> memref<64x128xf32, #tpu.memory_space<vmem>>
      %dma_wait3A_392 = arith.constant 0 : i32
      %dma_wait3A_393 = tpu.memref_slice %arg11[%dma_wait3A_388, %dma_wait3A_392] : memref<16x128xi32, #tpu.memory_space<vmem>> -> memref<1x128xi32, #tpu.memory_space<vmem>>
      %dma_wait3A_394 = tpu.memref_squeeze %dma_wait3A_393 : memref<1x128xi32, #tpu.memory_space<vmem>> -> memref<128xi32, #tpu.memory_space<vmem>>
      %dma_wait3A_395 = arith.constant 0 : i32
      %dma_wait3A_396 = tpu.memref_slice %dma_wait3A_394[%dma_wait3A_395] : memref<128xi32, #tpu.memory_space<vmem>> -> memref<64xi32, #tpu.memory_space<vmem>>
      %dma_wait3A_397 = arith.constant 0 : i32
      %dma_wait3A_398 = arith.constant 0 : i32
      %dma_wait3A_399 = tpu.memref_slice %arg2[%dma_wait3A_397, %dma_wait3A_398] : memref<10000x128xf32, #tpu.memory_space<hbm>> -> memref<10000x128xf32, #tpu.memory_space<hbm>>
      tpu.wait_indirect_dma semaphore(%arg13 : memref<!tpu.dma_semaphore, #tpu.memory_space<semaphore_mem>>) src(%dma_wait3A_399 : memref<10000x128xf32, #tpu.memory_space<hbm>>) dst(%dma_wait3A_391 : memref<64x128xf32, #tpu.memory_space<vmem>>)
      %dma_wait3A_400 = arith.constant 4 : i32
      %dma_wait3A_401 = arith.constant 64 : i32
      %dma_wait3A_402 = arith.constant 0 : i32
      %dma_wait3A_403 = tpu.memref_slice %arg8[%dma_wait3A_401, %dma_wait3A_402] : memref<128x128xf32, #tpu.memory_space<vmem>> -> memref<64x128xf32, #tpu.memory_space<vmem>>
      %dma_wait3A_404 = arith.constant 0 : i32
      %dma_wait3A_405 = tpu.memref_slice %arg11[%dma_wait3A_400, %dma_wait3A_404] : memref<16x128xi32, #tpu.memory_space<vmem>> -> memref<1x128xi32, #tpu.memory_space<vmem>>
      %dma_wait3A_406 = tpu.memref_squeeze %dma_wait3A_405 : memref<1x128xi32, #tpu.memory_space<vmem>> -> memref<128xi32, #tpu.memory_space<vmem>>
      %dma_wait3A_407 = arith.constant 64 : i32
      %dma_wait3A_408 = tpu.memref_slice %dma_wait3A_406[%dma_wait3A_407] : memref<128xi32, #tpu.memory_space<vmem>> -> memref<64xi32, #tpu.memory_space<vmem>>
      %dma_wait3A_409 = arith.constant 0 : i32
      %dma_wait3A_410 = arith.constant 0 : i32
      %dma_wait3A_411 = tpu.memref_slice %arg2[%dma_wait3A_409, %dma_wait3A_410] : memref<10000x128xf32, #tpu.memory_space<hbm>> -> memref<10000x128xf32, #tpu.memory_space<hbm>>
      tpu.wait_indirect_dma semaphore(%arg14 : memref<!tpu.dma_semaphore, #tpu.memory_space<semaphore_mem>>) src(%dma_wait3A_411 : memref<10000x128xf32, #tpu.memory_space<hbm>>) dst(%dma_wait3A_403 : memref<64x128xf32, #tpu.memory_space<vmem>>)
      %dma_start3A_412 = arith.constant 5 : i32
      %dma_start3A_413 = arith.constant 0 : i32
      %dma_start3A_414 = arith.constant 0 : i32
      %dma_start3A_415 = tpu.memref_slice %arg9[%dma_start3A_413, %dma_start3A_414] : memref<128x128xf32, #tpu.memory_space<vmem>> -> memref<64x128xf32, #tpu.memory_space<vmem>>
      %dma_start3A_416 = arith.constant 0 : i32
      %dma_start3A_417 = tpu.memref_slice %arg11[%dma_start3A_412, %dma_start3A_416] : memref<16x128xi32, #tpu.memory_space<vmem>> -> memref<1x128xi32, #tpu.memory_space<vmem>>
      %dma_start3A_418 = tpu.memref_squeeze %dma_start3A_417 : memref<1x128xi32, #tpu.memory_space<vmem>> -> memref<128xi32, #tpu.memory_space<vmem>>
      %dma_start3A_419 = arith.constant 0 : i32
      %dma_start3A_420 = tpu.memref_slice %dma_start3A_418[%dma_start3A_419] : memref<128xi32, #tpu.memory_space<vmem>> -> memref<64xi32, #tpu.memory_space<vmem>>
      %dma_start3A_421 = arith.constant 0 : i32
      %dma_start3A_422 = arith.constant 0 : i32
      %dma_start3A_423 = tpu.memref_slice %arg2[%dma_start3A_421, %dma_start3A_422] : memref<10000x128xf32, #tpu.memory_space<hbm>> -> memref<10000x128xf32, #tpu.memory_space<hbm>>
      tpu.enqueue_indirect_dma source(%dma_start3A_423 : memref<10000x128xf32, #tpu.memory_space<hbm>>) target(%dma_start3A_415 : memref<64x128xf32, #tpu.memory_space<vmem>>) offsets(%dma_start3A_420 : memref<64xi32, #tpu.memory_space<vmem>>) semaphore(%arg15 : memref<!tpu.dma_semaphore, #tpu.memory_space<semaphore_mem>>)
      %dma_start3A_424 = arith.constant 5 : i32
      %dma_start3A_425 = arith.constant 64 : i32
      %dma_start3A_426 = arith.constant 0 : i32
      %dma_start3A_427 = tpu.memref_slice %arg9[%dma_start3A_425, %dma_start3A_426] : memref<128x128xf32, #tpu.memory_space<vmem>> -> memref<64x128xf32, #tpu.memory_space<vmem>>
      %dma_start3A_428 = arith.constant 0 : i32
      %dma_start3A_429 = tpu.memref_slice %arg11[%dma_start3A_424, %dma_start3A_428] : memref<16x128xi32, #tpu.memory_space<vmem>> -> memref<1x128xi32, #tpu.memory_space<vmem>>
      %dma_start3A_430 = tpu.memref_squeeze %dma_start3A_429 : memref<1x128xi32, #tpu.memory_space<vmem>> -> memref<128xi32, #tpu.memory_space<vmem>>
      %dma_start3A_431 = arith.constant 64 : i32
      %dma_start3A_432 = tpu.memref_slice %dma_start3A_430[%dma_start3A_431] : memref<128xi32, #tpu.memory_space<vmem>> -> memref<64xi32, #tpu.memory_space<vmem>>
      %dma_start3A_433 = arith.constant 0 : i32
      %dma_start3A_434 = arith.constant 0 : i32
      %dma_start3A_435 = tpu.memref_slice %arg2[%dma_start3A_433, %dma_start3A_434] : memref<10000x128xf32, #tpu.memory_space<hbm>> -> memref<10000x128xf32, #tpu.memory_space<hbm>>
      tpu.enqueue_indirect_dma source(%dma_start3A_435 : memref<10000x128xf32, #tpu.memory_space<hbm>>) target(%dma_start3A_427 : memref<64x128xf32, #tpu.memory_space<vmem>>) offsets(%dma_start3A_432 : memref<64xi32, #tpu.memory_space<vmem>>) semaphore(%arg16 : memref<!tpu.dma_semaphore, #tpu.memory_space<semaphore_mem>>)
      %get3A_436 = arith.constant 4 : i32
      %get3A_437 = arith.index_cast %get3A_436 : i32 to index
      %get3A_438 = arith.constant 0 : index
      %get3A_439 = tpu.vector_load %arg12[%get3A_437, %get3A_438] {strides = array<i32>} : memref<16x128xi32, #tpu.memory_space<vmem>>, vector<16xi32>,
      tpu.vector_store_idx %arg10[%get3A_439], %broadcast_in_dim3A_5 {add = true} : memref<10112xf32, #tpu.memory_space<vmem>>[vector<16xi32>], vector<16xf32>,
      %get3A_440 = arith.constant 4 : i32
      %get3A_441 = arith.index_cast %get3A_440 : i32 to index
      %get3A_442 = arith.constant 16 : index
      %get3A_443 = tpu.vector_load %arg12[%get3A_441, %get3A_442] {strides = array<i32>} : memref<16x128xi32, #tpu.memory_space<vmem>>, vector<16xi32>,
      tpu.vector_store_idx %arg10[%get3A_443], %broadcast_in_dim3A_5 {add = true} : memref<10112xf32, #tpu.memory_space<vmem>>[vector<16xi32>], vector<16xf32>,
      %get3A_444 = arith.constant 4 : i32
      %get3A_445 = arith.index_cast %get3A_444 : i32 to index
      %get3A_446 = arith.constant 32 : index
      %get3A_447 = tpu.vector_load %arg12[%get3A_445, %get3A_446] {strides = array<i32>} : memref<16x128xi32, #tpu.memory_space<vmem>>, vector<16xi32>,
      tpu.vector_store_idx %arg10[%get3A_447], %broadcast_in_dim3A_5 {add = true} : memref<10112xf32, #tpu.memory_space<vmem>>[vector<16xi32>], vector<16xf32>,
      %get3A_448 = arith.constant 4 : i32
      %get3A_449 = arith.index_cast %get3A_448 : i32 to index
      %get3A_450 = arith.constant 48 : index
      %get3A_451 = tpu.vector_load %arg12[%get3A_449, %get3A_450] {strides = array<i32>} : memref<16x128xi32, #tpu.memory_space<vmem>>, vector<16xi32>,
      tpu.vector_store_idx %arg10[%get3A_451], %broadcast_in_dim3A_5 {add = true} : memref<10112xf32, #tpu.memory_space<vmem>>[vector<16xi32>], vector<16xf32>,
      %get3A_452 = arith.constant 4 : i32
      %get3A_453 = arith.index_cast %get3A_452 : i32 to index
      %get3A_454 = arith.constant 64 : index
      %get3A_455 = tpu.vector_load %arg12[%get3A_453, %get3A_454] {strides = array<i32>} : memref<16x128xi32, #tpu.memory_space<vmem>>, vector<16xi32>,
      tpu.vector_store_idx %arg10[%get3A_455], %broadcast_in_dim3A_5 {add = true} : memref<10112xf32, #tpu.memory_space<vmem>>[vector<16xi32>], vector<16xf32>,
      %get3A_456 = arith.constant 4 : i32
      %get3A_457 = arith.index_cast %get3A_456 : i32 to index
      %get3A_458 = arith.constant 80 : index
      %get3A_459 = tpu.vector_load %arg12[%get3A_457, %get3A_458] {strides = array<i32>} : memref<16x128xi32, #tpu.memory_space<vmem>>, vector<16xi32>,
      tpu.vector_store_idx %arg10[%get3A_459], %broadcast_in_dim3A_5 {add = true} : memref<10112xf32, #tpu.memory_space<vmem>>[vector<16xi32>], vector<16xf32>,
      %get3A_460 = arith.constant 4 : i32
      %get3A_461 = arith.index_cast %get3A_460 : i32 to index
      %get3A_462 = arith.constant 96 : index
      %get3A_463 = tpu.vector_load %arg12[%get3A_461, %get3A_462] {strides = array<i32>} : memref<16x128xi32, #tpu.memory_space<vmem>>, vector<16xi32>,
      tpu.vector_store_idx %arg10[%get3A_463], %broadcast_in_dim3A_5 {add = true} : memref<10112xf32, #tpu.memory_space<vmem>>[vector<16xi32>], vector<16xf32>,
      %get3A_464 = arith.constant 4 : i32
      %get3A_465 = arith.index_cast %get3A_464 : i32 to index
      %get3A_466 = arith.constant 112 : index
      %get3A_467 = tpu.vector_load %arg12[%get3A_465, %get3A_466] {strides = array<i32>} : memref<16x128xi32, #tpu.memory_space<vmem>>, vector<16xi32>,
      tpu.vector_store_idx %arg10[%get3A_467], %broadcast_in_dim3A_5 {add = true} : memref<10112xf32, #tpu.memory_space<vmem>>[vector<16xi32>], vector<16xf32>,
      %run_scoped3A_468 = arith.constant 4 : i32
      "tpu.region"() ({
        %run_scoped3A_1336 = tpu.sem_alloc : memref<!tpu.dma_semaphore, #tpu.memory_space<semaphore_mem>>
        %dma_start3A_1337 = arith.constant 0 : i32
        %dma_start3A_1338 = tpu.memref_slice %arg12[%run_scoped3A_468, %dma_start3A_1337] : memref<16x128xi32, #tpu.memory_space<vmem>> -> memref<1x128xi32, #tpu.memory_space<vmem>>
        %dma_start3A_1339 = tpu.memref_squeeze %dma_start3A_1338 : memref<1x128xi32, #tpu.memory_space<vmem>> -> memref<128xi32, #tpu.memory_space<vmem>>
        %dma_start3A_1340 = arith.constant 0 : i32
        %dma_start3A_1341 = arith.constant 0 : i32
        %dma_start3A_1342 = tpu.memref_slice %arg7[%dma_start3A_1340, %dma_start3A_1341] : memref<10112x128xf32, #tpu.memory_space<vmem_shared>> -> memref<10112x128xf32, #tpu.memory_space<vmem_shared>>
        tpu.enqueue_indirect_dma source(%arg8 : memref<128x128xf32, #tpu.memory_space<vmem>>) target(%dma_start3A_1342 : memref<10112x128xf32, #tpu.memory_space<vmem_shared>>) offsets(%dma_start3A_1339 : memref<128xi32, #tpu.memory_space<vmem>>) semaphore(%run_scoped3A_1336 : memref<!tpu.dma_semaphore, #tpu.memory_space<semaphore_mem>>) {add = true}
        %dma_wait3A_1343 = arith.constant 0 : i32
        %dma_wait3A_1344 = tpu.memref_slice %arg12[%run_scoped3A_468, %dma_wait3A_1343] : memref<16x128xi32, #tpu.memory_space<vmem>> -> memref<1x128xi32, #tpu.memory_space<vmem>>
        %dma_wait3A_1345 = tpu.memref_squeeze %dma_wait3A_1344 : memref<1x128xi32, #tpu.memory_space<vmem>> -> memref<128xi32, #tpu.memory_space<vmem>>
        %dma_wait3A_1346 = arith.constant 0 : i32
        %dma_wait3A_1347 = arith.constant 0 : i32
        %dma_wait3A_1348 = tpu.memref_slice %arg7[%dma_wait3A_1346, %dma_wait3A_1347] : memref<10112x128xf32, #tpu.memory_space<vmem_shared>> -> memref<10112x128xf32, #tpu.memory_space<vmem_shared>>
        tpu.wait_indirect_dma semaphore(%run_scoped3A_1336 : memref<!tpu.dma_semaphore, #tpu.memory_space<semaphore_mem>>) src(%arg8 : memref<128x128xf32, #tpu.memory_space<vmem>>) dst(%dma_wait3A_1348 : memref<10112x128xf32, #tpu.memory_space<vmem_shared>>)
        tpu.yield
      }) : () -> ()
      %dma_wait3A_469 = arith.constant 5 : i32
      %dma_wait3A_470 = arith.constant 0 : i32
      %dma_wait3A_471 = arith.constant 0 : i32
      %dma_wait3A_472 = tpu.memref_slice %arg9[%dma_wait3A_470, %dma_wait3A_471] : memref<128x128xf32, #tpu.memory_space<vmem>> -> memref<64x128xf32, #tpu.memory_space<vmem>>
      %dma_wait3A_473 = arith.constant 0 : i32
      %dma_wait3A_474 = tpu.memref_slice %arg11[%dma_wait3A_469, %dma_wait3A_473] : memref<16x128xi32, #tpu.memory_space<vmem>> -> memref<1x128xi32, #tpu.memory_space<vmem>>
      %dma_wait3A_475 = tpu.memref_squeeze %dma_wait3A_474 : memref<1x128xi32, #tpu.memory_space<vmem>> -> memref<128xi32, #tpu.memory_space<vmem>>
      %dma_wait3A_476 = arith.constant 0 : i32
      %dma_wait3A_477 = tpu.memref_slice %dma_wait3A_475[%dma_wait3A_476] : memref<128xi32, #tpu.memory_space<vmem>> -> memref<64xi32, #tpu.memory_space<vmem>>
      %dma_wait3A_478 = arith.constant 0 : i32
      %dma_wait3A_479 = arith.constant 0 : i32
      %dma_wait3A_480 = tpu.memref_slice %arg2[%dma_wait3A_478, %dma_wait3A_479] : memref<10000x128xf32, #tpu.memory_space<hbm>> -> memref<10000x128xf32, #tpu.memory_space<hbm>>
      tpu.wait_indirect_dma semaphore(%arg15 : memref<!tpu.dma_semaphore, #tpu.memory_space<semaphore_mem>>) src(%dma_wait3A_480 : memref<10000x128xf32, #tpu.memory_space<hbm>>) dst(%dma_wait3A_472 : memref<64x128xf32, #tpu.memory_space<vmem>>)
      %dma_wait3A_481 = arith.constant 5 : i32
      %dma_wait3A_482 = arith.constant 64 : i32
      %dma_wait3A_483 = arith.constant 0 : i32
      %dma_wait3A_484 = tpu.memref_slice %arg9[%dma_wait3A_482, %dma_wait3A_483] : memref<128x128xf32, #tpu.memory_space<vmem>> -> memref<64x128xf32, #tpu.memory_space<vmem>>
      %dma_wait3A_485 = arith.constant 0 : i32
      %dma_wait3A_486 = tpu.memref_slice %arg11[%dma_wait3A_481, %dma_wait3A_485] : memref<16x128xi32, #tpu.memory_space<vmem>> -> memref<1x128xi32, #tpu.memory_space<vmem>>
      %dma_wait3A_487 = tpu.memref_squeeze %dma_wait3A_486 : memref<1x128xi32, #tpu.memory_space<vmem>> -> memref<128xi32, #tpu.memory_space<vmem>>
      %dma_wait3A_488 = arith.constant 64 : i32
      %dma_wait3A_489 = tpu.memref_slice %dma_wait3A_487[%dma_wait3A_488] : memref<128xi32, #tpu.memory_space<vmem>> -> memref<64xi32, #tpu.memory_space<vmem>>
      %dma_wait3A_490 = arith.constant 0 : i32
      %dma_wait3A_491 = arith.constant 0 : i32
      %dma_wait3A_492 = tpu.memref_slice %arg2[%dma_wait3A_490, %dma_wait3A_491] : memref<10000x128xf32, #tpu.memory_space<hbm>> -> memref<10000x128xf32, #tpu.memory_space<hbm>>
      tpu.wait_indirect_dma semaphore(%arg16 : memref<!tpu.dma_semaphore, #tpu.memory_space<semaphore_mem>>) src(%dma_wait3A_492 : memref<10000x128xf32, #tpu.memory_space<hbm>>) dst(%dma_wait3A_484 : memref<64x128xf32, #tpu.memory_space<vmem>>)
      %dma_start3A_493 = arith.constant 6 : i32
      %dma_start3A_494 = arith.constant 0 : i32
      %dma_start3A_495 = arith.constant 0 : i32
      %dma_start3A_496 = tpu.memref_slice %arg8[%dma_start3A_494, %dma_start3A_495] : memref<128x128xf32, #tpu.memory_space<vmem>> -> memref<64x128xf32, #tpu.memory_space<vmem>>
      %dma_start3A_497 = arith.constant 0 : i32
      %dma_start3A_498 = tpu.memref_slice %arg11[%dma_start3A_493, %dma_start3A_497] : memref<16x128xi32, #tpu.memory_space<vmem>> -> memref<1x128xi32, #tpu.memory_space<vmem>>
      %dma_start3A_499 = tpu.memref_squeeze %dma_start3A_498 : memref<1x128xi32, #tpu.memory_space<vmem>> -> memref<128xi32, #tpu.memory_space<vmem>>
      %dma_start3A_500 = arith.constant 0 : i32
      %dma_start3A_501 = tpu.memref_slice %dma_start3A_499[%dma_start3A_500] : memref<128xi32, #tpu.memory_space<vmem>> -> memref<64xi32, #tpu.memory_space<vmem>>
      %dma_start3A_502 = arith.constant 0 : i32
      %dma_start3A_503 = arith.constant 0 : i32
      %dma_start3A_504 = tpu.memref_slice %arg2[%dma_start3A_502, %dma_start3A_503] : memref<10000x128xf32, #tpu.memory_space<hbm>> -> memref<10000x128xf32, #tpu.memory_space<hbm>>
      tpu.enqueue_indirect_dma source(%dma_start3A_504 : memref<10000x128xf32, #tpu.memory_space<hbm>>) target(%dma_start3A_496 : memref<64x128xf32, #tpu.memory_space<vmem>>) offsets(%dma_start3A_501 : memref<64xi32, #tpu.memory_space<vmem>>) semaphore(%arg13 : memref<!tpu.dma_semaphore, #tpu.memory_space<semaphore_mem>>)
      %dma_start3A_505 = arith.constant 6 : i32
      %dma_start3A_506 = arith.constant 64 : i32
      %dma_start3A_507 = arith.constant 0 : i32
      %dma_start3A_508 = tpu.memref_slice %arg8[%dma_start3A_506, %dma_start3A_507] : memref<128x128xf32, #tpu.memory_space<vmem>> -> memref<64x128xf32, #tpu.memory_space<vmem>>
      %dma_start3A_509 = arith.constant 0 : i32
      %dma_start3A_510 = tpu.memref_slice %arg11[%dma_start3A_505, %dma_start3A_509] : memref<16x128xi32, #tpu.memory_space<vmem>> -> memref<1x128xi32, #tpu.memory_space<vmem>>
      %dma_start3A_511 = tpu.memref_squeeze %dma_start3A_510 : memref<1x128xi32, #tpu.memory_space<vmem>> -> memref<128xi32, #tpu.memory_space<vmem>>
      %dma_start3A_512 = arith.constant 64 : i32
      %dma_start3A_513 = tpu.memref_slice %dma_start3A_511[%dma_start3A_512] : memref<128xi32, #tpu.memory_space<vmem>> -> memref<64xi32, #tpu.memory_space<vmem>>
      %dma_start3A_514 = arith.constant 0 : i32
      %dma_start3A_515 = arith.constant 0 : i32
      %dma_start3A_516 = tpu.memref_slice %arg2[%dma_start3A_514, %dma_start3A_515] : memref<10000x128xf32, #tpu.memory_space<hbm>> -> memref<10000x128xf32, #tpu.memory_space<hbm>>
      tpu.enqueue_indirect_dma source(%dma_start3A_516 : memref<10000x128xf32, #tpu.memory_space<hbm>>) target(%dma_start3A_508 : memref<64x128xf32, #tpu.memory_space<vmem>>) offsets(%dma_start3A_513 : memref<64xi32, #tpu.memory_space<vmem>>) semaphore(%arg14 : memref<!tpu.dma_semaphore, #tpu.memory_space<semaphore_mem>>)
      %get3A_517 = arith.constant 5 : i32
      %get3A_518 = arith.index_cast %get3A_517 : i32 to index
      %get3A_519 = arith.constant 0 : index
      %get3A_520 = tpu.vector_load %arg12[%get3A_518, %get3A_519] {strides = array<i32>} : memref<16x128xi32, #tpu.memory_space<vmem>>, vector<16xi32>,
      tpu.vector_store_idx %arg10[%get3A_520], %broadcast_in_dim3A_5 {add = true} : memref<10112xf32, #tpu.memory_space<vmem>>[vector<16xi32>], vector<16xf32>,
      %get3A_521 = arith.constant 5 : i32
      %get3A_522 = arith.index_cast %get3A_521 : i32 to index
      %get3A_523 = arith.constant 16 : index
      %get3A_524 = tpu.vector_load %arg12[%get3A_522, %get3A_523] {strides = array<i32>} : memref<16x128xi32, #tpu.memory_space<vmem>>, vector<16xi32>,
      tpu.vector_store_idx %arg10[%get3A_524], %broadcast_in_dim3A_5 {add = true} : memref<10112xf32, #tpu.memory_space<vmem>>[vector<16xi32>], vector<16xf32>,
      %get3A_525 = arith.constant 5 : i32
      %get3A_526 = arith.index_cast %get3A_525 : i32 to index
      %get3A_527 = arith.constant 32 : index
      %get3A_528 = tpu.vector_load %arg12[%get3A_526, %get3A_527] {strides = array<i32>} : memref<16x128xi32, #tpu.memory_space<vmem>>, vector<16xi32>,
      tpu.vector_store_idx %arg10[%get3A_528], %broadcast_in_dim3A_5 {add = true} : memref<10112xf32, #tpu.memory_space<vmem>>[vector<16xi32>], vector<16xf32>,
      %get3A_529 = arith.constant 5 : i32
      %get3A_530 = arith.index_cast %get3A_529 : i32 to index
      %get3A_531 = arith.constant 48 : index
      %get3A_532 = tpu.vector_load %arg12[%get3A_530, %get3A_531] {strides = array<i32>} : memref<16x128xi32, #tpu.memory_space<vmem>>, vector<16xi32>,
      tpu.vector_store_idx %arg10[%get3A_532], %broadcast_in_dim3A_5 {add = true} : memref<10112xf32, #tpu.memory_space<vmem>>[vector<16xi32>], vector<16xf32>,
      %get3A_533 = arith.constant 5 : i32
      %get3A_534 = arith.index_cast %get3A_533 : i32 to index
      %get3A_535 = arith.constant 64 : index
      %get3A_536 = tpu.vector_load %arg12[%get3A_534, %get3A_535] {strides = array<i32>} : memref<16x128xi32, #tpu.memory_space<vmem>>, vector<16xi32>,
      tpu.vector_store_idx %arg10[%get3A_536], %broadcast_in_dim3A_5 {add = true} : memref<10112xf32, #tpu.memory_space<vmem>>[vector<16xi32>], vector<16xf32>,
      %get3A_537 = arith.constant 5 : i32
      %get3A_538 = arith.index_cast %get3A_537 : i32 to index
      %get3A_539 = arith.constant 80 : index
      %get3A_540 = tpu.vector_load %arg12[%get3A_538, %get3A_539] {strides = array<i32>} : memref<16x128xi32, #tpu.memory_space<vmem>>, vector<16xi32>,
      tpu.vector_store_idx %arg10[%get3A_540], %broadcast_in_dim3A_5 {add = true} : memref<10112xf32, #tpu.memory_space<vmem>>[vector<16xi32>], vector<16xf32>,
      %get3A_541 = arith.constant 5 : i32
      %get3A_542 = arith.index_cast %get3A_541 : i32 to index
      %get3A_543 = arith.constant 96 : index
      %get3A_544 = tpu.vector_load %arg12[%get3A_542, %get3A_543] {strides = array<i32>} : memref<16x128xi32, #tpu.memory_space<vmem>>, vector<16xi32>,
      tpu.vector_store_idx %arg10[%get3A_544], %broadcast_in_dim3A_5 {add = true} : memref<10112xf32, #tpu.memory_space<vmem>>[vector<16xi32>], vector<16xf32>,
      %get3A_545 = arith.constant 5 : i32
      %get3A_546 = arith.index_cast %get3A_545 : i32 to index
      %get3A_547 = arith.constant 112 : index
      %get3A_548 = tpu.vector_load %arg12[%get3A_546, %get3A_547] {strides = array<i32>} : memref<16x128xi32, #tpu.memory_space<vmem>>, vector<16xi32>,
      tpu.vector_store_idx %arg10[%get3A_548], %broadcast_in_dim3A_5 {add = true} : memref<10112xf32, #tpu.memory_space<vmem>>[vector<16xi32>], vector<16xf32>,
      %run_scoped3A_549 = arith.constant 5 : i32
      "tpu.region"() ({
        %run_scoped3A_1336 = tpu.sem_alloc : memref<!tpu.dma_semaphore, #tpu.memory_space<semaphore_mem>>
        %dma_start3A_1337 = arith.constant 0 : i32
        %dma_start3A_1338 = tpu.memref_slice %arg12[%run_scoped3A_549, %dma_start3A_1337] : memref<16x128xi32, #tpu.memory_space<vmem>> -> memref<1x128xi32, #tpu.memory_space<vmem>>
        %dma_start3A_1339 = tpu.memref_squeeze %dma_start3A_1338 : memref<1x128xi32, #tpu.memory_space<vmem>> -> memref<128xi32, #tpu.memory_space<vmem>>
        %dma_start3A_1340 = arith.constant 0 : i32
        %dma_start3A_1341 = arith.constant 0 : i32
        %dma_start3A_1342 = tpu.memref_slice %arg7[%dma_start3A_1340, %dma_start3A_1341] : memref<10112x128xf32, #tpu.memory_space<vmem_shared>> -> memref<10112x128xf32, #tpu.memory_space<vmem_shared>>
        tpu.enqueue_indirect_dma source(%arg9 : memref<128x128xf32, #tpu.memory_space<vmem>>) target(%dma_start3A_1342 : memref<10112x128xf32, #tpu.memory_space<vmem_shared>>) offsets(%dma_start3A_1339 : memref<128xi32, #tpu.memory_space<vmem>>) semaphore(%run_scoped3A_1336 : memref<!tpu.dma_semaphore, #tpu.memory_space<semaphore_mem>>) {add = true}
        %dma_wait3A_1343 = arith.constant 0 : i32
        %dma_wait3A_1344 = tpu.memref_slice %arg12[%run_scoped3A_549, %dma_wait3A_1343] : memref<16x128xi32, #tpu.memory_space<vmem>> -> memref<1x128xi32, #tpu.memory_space<vmem>>
        %dma_wait3A_1345 = tpu.memref_squeeze %dma_wait3A_1344 : memref<1x128xi32, #tpu.memory_space<vmem>> -> memref<128xi32, #tpu.memory_space<vmem>>
        %dma_wait3A_1346 = arith.constant 0 : i32
        %dma_wait3A_1347 = arith.constant 0 : i32
        %dma_wait3A_1348 = tpu.memref_slice %arg7[%dma_wait3A_1346, %dma_wait3A_1347] : memref<10112x128xf32, #tpu.memory_space<vmem_shared>> -> memref<10112x128xf32, #tpu.memory_space<vmem_shared>>
        tpu.wait_indirect_dma semaphore(%run_scoped3A_1336 : memref<!tpu.dma_semaphore, #tpu.memory_space<semaphore_mem>>) src(%arg9 : memref<128x128xf32, #tpu.memory_space<vmem>>) dst(%dma_wait3A_1348 : memref<10112x128xf32, #tpu.memory_space<vmem_shared>>)
        tpu.yield
      }) : () -> ()
      %dma_wait3A_550 = arith.constant 6 : i32
      %dma_wait3A_551 = arith.constant 0 : i32
      %dma_wait3A_552 = arith.constant 0 : i32
      %dma_wait3A_553 = tpu.memref_slice %arg8[%dma_wait3A_551, %dma_wait3A_552] : memref<128x128xf32, #tpu.memory_space<vmem>> -> memref<64x128xf32, #tpu.memory_space<vmem>>
      %dma_wait3A_554 = arith.constant 0 : i32
      %dma_wait3A_555 = tpu.memref_slice %arg11[%dma_wait3A_550, %dma_wait3A_554] : memref<16x128xi32, #tpu.memory_space<vmem>> -> memref<1x128xi32, #tpu.memory_space<vmem>>
      %dma_wait3A_556 = tpu.memref_squeeze %dma_wait3A_555 : memref<1x128xi32, #tpu.memory_space<vmem>> -> memref<128xi32, #tpu.memory_space<vmem>>
      %dma_wait3A_557 = arith.constant 0 : i32
      %dma_wait3A_558 = tpu.memref_slice %dma_wait3A_556[%dma_wait3A_557] : memref<128xi32, #tpu.memory_space<vmem>> -> memref<64xi32, #tpu.memory_space<vmem>>
      %dma_wait3A_559 = arith.constant 0 : i32
      %dma_wait3A_560 = arith.constant 0 : i32
      %dma_wait3A_561 = tpu.memref_slice %arg2[%dma_wait3A_559, %dma_wait3A_560] : memref<10000x128xf32, #tpu.memory_space<hbm>> -> memref<10000x128xf32, #tpu.memory_space<hbm>>
      tpu.wait_indirect_dma semaphore(%arg13 : memref<!tpu.dma_semaphore, #tpu.memory_space<semaphore_mem>>) src(%dma_wait3A_561 : memref<10000x128xf32, #tpu.memory_space<hbm>>) dst(%dma_wait3A_553 : memref<64x128xf32, #tpu.memory_space<vmem>>)
      %dma_wait3A_562 = arith.constant 6 : i32
      %dma_wait3A_563 = arith.constant 64 : i32
      %dma_wait3A_564 = arith.constant 0 : i32
      %dma_wait3A_565 = tpu.memref_slice %arg8[%dma_wait3A_563, %dma_wait3A_564] : memref<128x128xf32, #tpu.memory_space<vmem>> -> memref<64x128xf32, #tpu.memory_space<vmem>>
      %dma_wait3A_566 = arith.constant 0 : i32
      %dma_wait3A_567 = tpu.memref_slice %arg11[%dma_wait3A_562, %dma_wait3A_566] : memref<16x128xi32, #tpu.memory_space<vmem>> -> memref<1x128xi32, #tpu.memory_space<vmem>>
      %dma_wait3A_568 = tpu.memref_squeeze %dma_wait3A_567 : memref<1x128xi32, #tpu.memory_space<vmem>> -> memref<128xi32, #tpu.memory_space<vmem>>
      %dma_wait3A_569 = arith.constant 64 : i32
      %dma_wait3A_570 = tpu.memref_slice %dma_wait3A_568[%dma_wait3A_569] : memref<128xi32, #tpu.memory_space<vmem>> -> memref<64xi32, #tpu.memory_space<vmem>>
      %dma_wait3A_571 = arith.constant 0 : i32
      %dma_wait3A_572 = arith.constant 0 : i32
      %dma_wait3A_573 = tpu.memref_slice %arg2[%dma_wait3A_571, %dma_wait3A_572] : memref<10000x128xf32, #tpu.memory_space<hbm>> -> memref<10000x128xf32, #tpu.memory_space<hbm>>
      tpu.wait_indirect_dma semaphore(%arg14 : memref<!tpu.dma_semaphore, #tpu.memory_space<semaphore_mem>>) src(%dma_wait3A_573 : memref<10000x128xf32, #tpu.memory_space<hbm>>) dst(%dma_wait3A_565 : memref<64x128xf32, #tpu.memory_space<vmem>>)
      %dma_start3A_574 = arith.constant 7 : i32
      %dma_start3A_575 = arith.constant 0 : i32
      %dma_start3A_576 = arith.constant 0 : i32
      %dma_start3A_577 = tpu.memref_slice %arg9[%dma_start3A_575, %dma_start3A_576] : memref<128x128xf32, #tpu.memory_space<vmem>> -> memref<64x128xf32, #tpu.memory_space<vmem>>
      %dma_start3A_578 = arith.constant 0 : i32
      %dma_start3A_579 = tpu.memref_slice %arg11[%dma_start3A_574, %dma_start3A_578] : memref<16x128xi32, #tpu.memory_space<vmem>> -> memref<1x128xi32, #tpu.memory_space<vmem>>
      %dma_start3A_580 = tpu.memref_squeeze %dma_start3A_579 : memref<1x128xi32, #tpu.memory_space<vmem>> -> memref<128xi32, #tpu.memory_space<vmem>>
      %dma_start3A_581 = arith.constant 0 : i32
      %dma_start3A_582 = tpu.memref_slice %dma_start3A_580[%dma_start3A_581] : memref<128xi32, #tpu.memory_space<vmem>> -> memref<64xi32, #tpu.memory_space<vmem>>
      %dma_start3A_583 = arith.constant 0 : i32
      %dma_start3A_584 = arith.constant 0 : i32
      %dma_start3A_585 = tpu.memref_slice %arg2[%dma_start3A_583, %dma_start3A_584] : memref<10000x128xf32, #tpu.memory_space<hbm>> -> memref<10000x128xf32, #tpu.memory_space<hbm>>
      tpu.enqueue_indirect_dma source(%dma_start3A_585 : memref<10000x128xf32, #tpu.memory_space<hbm>>) target(%dma_start3A_577 : memref<64x128xf32, #tpu.memory_space<vmem>>) offsets(%dma_start3A_582 : memref<64xi32, #tpu.memory_space<vmem>>) semaphore(%arg15 : memref<!tpu.dma_semaphore, #tpu.memory_space<semaphore_mem>>)
      %dma_start3A_586 = arith.constant 7 : i32
      %dma_start3A_587 = arith.constant 64 : i32
      %dma_start3A_588 = arith.constant 0 : i32
      %dma_start3A_589 = tpu.memref_slice %arg9[%dma_start3A_587, %dma_start3A_588] : memref<128x128xf32, #tpu.memory_space<vmem>> -> memref<64x128xf32, #tpu.memory_space<vmem>>
      %dma_start3A_590 = arith.constant 0 : i32
      %dma_start3A_591 = tpu.memref_slice %arg11[%dma_start3A_586, %dma_start3A_590] : memref<16x128xi32, #tpu.memory_space<vmem>> -> memref<1x128xi32, #tpu.memory_space<vmem>>
      %dma_start3A_592 = tpu.memref_squeeze %dma_start3A_591 : memref<1x128xi32, #tpu.memory_space<vmem>> -> memref<128xi32, #tpu.memory_space<vmem>>
      %dma_start3A_593 = arith.constant 64 : i32
      %dma_start3A_594 = tpu.memref_slice %dma_start3A_592[%dma_start3A_593] : memref<128xi32, #tpu.memory_space<vmem>> -> memref<64xi32, #tpu.memory_space<vmem>>
      %dma_start3A_595 = arith.constant 0 : i32
      %dma_start3A_596 = arith.constant 0 : i32
      %dma_start3A_597 = tpu.memref_slice %arg2[%dma_start3A_595, %dma_start3A_596] : memref<10000x128xf32, #tpu.memory_space<hbm>> -> memref<10000x128xf32, #tpu.memory_space<hbm>>
      tpu.enqueue_indirect_dma source(%dma_start3A_597 : memref<10000x128xf32, #tpu.memory_space<hbm>>) target(%dma_start3A_589 : memref<64x128xf32, #tpu.memory_space<vmem>>) offsets(%dma_start3A_594 : memref<64xi32, #tpu.memory_space<vmem>>) semaphore(%arg16 : memref<!tpu.dma_semaphore, #tpu.memory_space<semaphore_mem>>)
      %get3A_598 = arith.constant 6 : i32
      %get3A_599 = arith.index_cast %get3A_598 : i32 to index
      %get3A_600 = arith.constant 0 : index
      %get3A_601 = tpu.vector_load %arg12[%get3A_599, %get3A_600] {strides = array<i32>} : memref<16x128xi32, #tpu.memory_space<vmem>>, vector<16xi32>,
      tpu.vector_store_idx %arg10[%get3A_601], %broadcast_in_dim3A_5 {add = true} : memref<10112xf32, #tpu.memory_space<vmem>>[vector<16xi32>], vector<16xf32>,
      %get3A_602 = arith.constant 6 : i32
      %get3A_603 = arith.index_cast %get3A_602 : i32 to index
      %get3A_604 = arith.constant 16 : index
      %get3A_605 = tpu.vector_load %arg12[%get3A_603, %get3A_604] {strides = array<i32>} : memref<16x128xi32, #tpu.memory_space<vmem>>, vector<16xi32>,
      tpu.vector_store_idx %arg10[%get3A_605], %broadcast_in_dim3A_5 {add = true} : memref<10112xf32, #tpu.memory_space<vmem>>[vector<16xi32>], vector<16xf32>,
      %get3A_606 = arith.constant 6 : i32
      %get3A_607 = arith.index_cast %get3A_606 : i32 to index
      %get3A_608 = arith.constant 32 : index
      %get3A_609 = tpu.vector_load %arg12[%get3A_607, %get3A_608] {strides = array<i32>} : memref<16x128xi32, #tpu.memory_space<vmem>>, vector<16xi32>,
      tpu.vector_store_idx %arg10[%get3A_609], %broadcast_in_dim3A_5 {add = true} : memref<10112xf32, #tpu.memory_space<vmem>>[vector<16xi32>], vector<16xf32>,
      %get3A_610 = arith.constant 6 : i32
      %get3A_611 = arith.index_cast %get3A_610 : i32 to index
      %get3A_612 = arith.constant 48 : index
      %get3A_613 = tpu.vector_load %arg12[%get3A_611, %get3A_612] {strides = array<i32>} : memref<16x128xi32, #tpu.memory_space<vmem>>, vector<16xi32>,
      tpu.vector_store_idx %arg10[%get3A_613], %broadcast_in_dim3A_5 {add = true} : memref<10112xf32, #tpu.memory_space<vmem>>[vector<16xi32>], vector<16xf32>,
      %get3A_614 = arith.constant 6 : i32
      %get3A_615 = arith.index_cast %get3A_614 : i32 to index
      %get3A_616 = arith.constant 64 : index
      %get3A_617 = tpu.vector_load %arg12[%get3A_615, %get3A_616] {strides = array<i32>} : memref<16x128xi32, #tpu.memory_space<vmem>>, vector<16xi32>,
      tpu.vector_store_idx %arg10[%get3A_617], %broadcast_in_dim3A_5 {add = true} : memref<10112xf32, #tpu.memory_space<vmem>>[vector<16xi32>], vector<16xf32>,
      %get3A_618 = arith.constant 6 : i32
      %get3A_619 = arith.index_cast %get3A_618 : i32 to index
      %get3A_620 = arith.constant 80 : index
      %get3A_621 = tpu.vector_load %arg12[%get3A_619, %get3A_620] {strides = array<i32>} : memref<16x128xi32, #tpu.memory_space<vmem>>, vector<16xi32>,
      tpu.vector_store_idx %arg10[%get3A_621], %broadcast_in_dim3A_5 {add = true} : memref<10112xf32, #tpu.memory_space<vmem>>[vector<16xi32>], vector<16xf32>,
      %get3A_622 = arith.constant 6 : i32
      %get3A_623 = arith.index_cast %get3A_622 : i32 to index
      %get3A_624 = arith.constant 96 : index
      %get3A_625 = tpu.vector_load %arg12[%get3A_623, %get3A_624] {strides = array<i32>} : memref<16x128xi32, #tpu.memory_space<vmem>>, vector<16xi32>,
      tpu.vector_store_idx %arg10[%get3A_625], %broadcast_in_dim3A_5 {add = true} : memref<10112xf32, #tpu.memory_space<vmem>>[vector<16xi32>], vector<16xf32>,
      %get3A_626 = arith.constant 6 : i32
      %get3A_627 = arith.index_cast %get3A_626 : i32 to index
      %get3A_628 = arith.constant 112 : index
      %get3A_629 = tpu.vector_load %arg12[%get3A_627, %get3A_628] {strides = array<i32>} : memref<16x128xi32, #tpu.memory_space<vmem>>, vector<16xi32>,
      tpu.vector_store_idx %arg10[%get3A_629], %broadcast_in_dim3A_5 {add = true} : memref<10112xf32, #tpu.memory_space<vmem>>[vector<16xi32>], vector<16xf32>,
      %run_scoped3A_630 = arith.constant 6 : i32
      "tpu.region"() ({
        %run_scoped3A_1336 = tpu.sem_alloc : memref<!tpu.dma_semaphore, #tpu.memory_space<semaphore_mem>>
        %dma_start3A_1337 = arith.constant 0 : i32
        %dma_start3A_1338 = tpu.memref_slice %arg12[%run_scoped3A_630, %dma_start3A_1337] : memref<16x128xi32, #tpu.memory_space<vmem>> -> memref<1x128xi32, #tpu.memory_space<vmem>>
        %dma_start3A_1339 = tpu.memref_squeeze %dma_start3A_1338 : memref<1x128xi32, #tpu.memory_space<vmem>> -> memref<128xi32, #tpu.memory_space<vmem>>
        %dma_start3A_1340 = arith.constant 0 : i32
        %dma_start3A_1341 = arith.constant 0 : i32
        %dma_start3A_1342 = tpu.memref_slice %arg7[%dma_start3A_1340, %dma_start3A_1341] : memref<10112x128xf32, #tpu.memory_space<vmem_shared>> -> memref<10112x128xf32, #tpu.memory_space<vmem_shared>>
        tpu.enqueue_indirect_dma source(%arg8 : memref<128x128xf32, #tpu.memory_space<vmem>>) target(%dma_start3A_1342 : memref<10112x128xf32, #tpu.memory_space<vmem_shared>>) offsets(%dma_start3A_1339 : memref<128xi32, #tpu.memory_space<vmem>>) semaphore(%run_scoped3A_1336 : memref<!tpu.dma_semaphore, #tpu.memory_space<semaphore_mem>>) {add = true}
        %dma_wait3A_1343 = arith.constant 0 : i32
        %dma_wait3A_1344 = tpu.memref_slice %arg12[%run_scoped3A_630, %dma_wait3A_1343] : memref<16x128xi32, #tpu.memory_space<vmem>> -> memref<1x128xi32, #tpu.memory_space<vmem>>
        %dma_wait3A_1345 = tpu.memref_squeeze %dma_wait3A_1344 : memref<1x128xi32, #tpu.memory_space<vmem>> -> memref<128xi32, #tpu.memory_space<vmem>>
        %dma_wait3A_1346 = arith.constant 0 : i32
        %dma_wait3A_1347 = arith.constant 0 : i32
        %dma_wait3A_1348 = tpu.memref_slice %arg7[%dma_wait3A_1346, %dma_wait3A_1347] : memref<10112x128xf32, #tpu.memory_space<vmem_shared>> -> memref<10112x128xf32, #tpu.memory_space<vmem_shared>>
        tpu.wait_indirect_dma semaphore(%run_scoped3A_1336 : memref<!tpu.dma_semaphore, #tpu.memory_space<semaphore_mem>>) src(%arg8 : memref<128x128xf32, #tpu.memory_space<vmem>>) dst(%dma_wait3A_1348 : memref<10112x128xf32, #tpu.memory_space<vmem_shared>>)
        tpu.yield
      }) : () -> ()
      %dma_wait3A_631 = arith.constant 7 : i32
      %dma_wait3A_632 = arith.constant 0 : i32
      %dma_wait3A_633 = arith.constant 0 : i32
      %dma_wait3A_634 = tpu.memref_slice %arg9[%dma_wait3A_632, %dma_wait3A_633] : memref<128x128xf32, #tpu.memory_space<vmem>> -> memref<64x128xf32, #tpu.memory_space<vmem>>
      %dma_wait3A_635 = arith.constant 0 : i32
      %dma_wait3A_636 = tpu.memref_slice %arg11[%dma_wait3A_631, %dma_wait3A_635] : memref<16x128xi32, #tpu.memory_space<vmem>> -> memref<1x128xi32, #tpu.memory_space<vmem>>
      %dma_wait3A_637 = tpu.memref_squeeze %dma_wait3A_636 : memref<1x128xi32, #tpu.memory_space<vmem>> -> memref<128xi32, #tpu.memory_space<vmem>>
      %dma_wait3A_638 = arith.constant 0 : i32
      %dma_wait3A_639 = tpu.memref_slice %dma_wait3A_637[%dma_wait3A_638] : memref<128xi32, #tpu.memory_space<vmem>> -> memref<64xi32, #tpu.memory_space<vmem>>
      %dma_wait3A_640 = arith.constant 0 : i32
      %dma_wait3A_641 = arith.constant 0 : i32
      %dma_wait3A_642 = tpu.memref_slice %arg2[%dma_wait3A_640, %dma_wait3A_641] : memref<10000x128xf32, #tpu.memory_space<hbm>> -> memref<10000x128xf32, #tpu.memory_space<hbm>>
      tpu.wait_indirect_dma semaphore(%arg15 : memref<!tpu.dma_semaphore, #tpu.memory_space<semaphore_mem>>) src(%dma_wait3A_642 : memref<10000x128xf32, #tpu.memory_space<hbm>>) dst(%dma_wait3A_634 : memref<64x128xf32, #tpu.memory_space<vmem>>)
      %dma_wait3A_643 = arith.constant 7 : i32
      %dma_wait3A_644 = arith.constant 64 : i32
      %dma_wait3A_645 = arith.constant 0 : i32
      %dma_wait3A_646 = tpu.memref_slice %arg9[%dma_wait3A_644, %dma_wait3A_645] : memref<128x128xf32, #tpu.memory_space<vmem>> -> memref<64x128xf32, #tpu.memory_space<vmem>>
      %dma_wait3A_647 = arith.constant 0 : i32
      %dma_wait3A_648 = tpu.memref_slice %arg11[%dma_wait3A_643, %dma_wait3A_647] : memref<16x128xi32, #tpu.memory_space<vmem>> -> memref<1x128xi32, #tpu.memory_space<vmem>>
      %dma_wait3A_649 = tpu.memref_squeeze %dma_wait3A_648 : memref<1x128xi32, #tpu.memory_space<vmem>> -> memref<128xi32, #tpu.memory_space<vmem>>
      %dma_wait3A_650 = arith.constant 64 : i32
      %dma_wait3A_651 = tpu.memref_slice %dma_wait3A_649[%dma_wait3A_650] : memref<128xi32, #tpu.memory_space<vmem>> -> memref<64xi32, #tpu.memory_space<vmem>>
      %dma_wait3A_652 = arith.constant 0 : i32
      %dma_wait3A_653 = arith.constant 0 : i32
      %dma_wait3A_654 = tpu.memref_slice %arg2[%dma_wait3A_652, %dma_wait3A_653] : memref<10000x128xf32, #tpu.memory_space<hbm>> -> memref<10000x128xf32, #tpu.memory_space<hbm>>
      tpu.wait_indirect_dma semaphore(%arg16 : memref<!tpu.dma_semaphore, #tpu.memory_space<semaphore_mem>>) src(%dma_wait3A_654 : memref<10000x128xf32, #tpu.memory_space<hbm>>) dst(%dma_wait3A_646 : memref<64x128xf32, #tpu.memory_space<vmem>>)
      %dma_start3A_655 = arith.constant 8 : i32
      %dma_start3A_656 = arith.constant 0 : i32
      %dma_start3A_657 = arith.constant 0 : i32
      %dma_start3A_658 = tpu.memref_slice %arg8[%dma_start3A_656, %dma_start3A_657] : memref<128x128xf32, #tpu.memory_space<vmem>> -> memref<64x128xf32, #tpu.memory_space<vmem>>
      %dma_start3A_659 = arith.constant 0 : i32
      %dma_start3A_660 = tpu.memref_slice %arg11[%dma_start3A_655, %dma_start3A_659] : memref<16x128xi32, #tpu.memory_space<vmem>> -> memref<1x128xi32, #tpu.memory_space<vmem>>
      %dma_start3A_661 = tpu.memref_squeeze %dma_start3A_660 : memref<1x128xi32, #tpu.memory_space<vmem>> -> memref<128xi32, #tpu.memory_space<vmem>>
      %dma_start3A_662 = arith.constant 0 : i32
      %dma_start3A_663 = tpu.memref_slice %dma_start3A_661[%dma_start3A_662] : memref<128xi32, #tpu.memory_space<vmem>> -> memref<64xi32, #tpu.memory_space<vmem>>
      %dma_start3A_664 = arith.constant 0 : i32
      %dma_start3A_665 = arith.constant 0 : i32
      %dma_start3A_666 = tpu.memref_slice %arg2[%dma_start3A_664, %dma_start3A_665] : memref<10000x128xf32, #tpu.memory_space<hbm>> -> memref<10000x128xf32, #tpu.memory_space<hbm>>
      tpu.enqueue_indirect_dma source(%dma_start3A_666 : memref<10000x128xf32, #tpu.memory_space<hbm>>) target(%dma_start3A_658 : memref<64x128xf32, #tpu.memory_space<vmem>>) offsets(%dma_start3A_663 : memref<64xi32, #tpu.memory_space<vmem>>) semaphore(%arg13 : memref<!tpu.dma_semaphore, #tpu.memory_space<semaphore_mem>>)
      %dma_start3A_667 = arith.constant 8 : i32
      %dma_start3A_668 = arith.constant 64 : i32
      %dma_start3A_669 = arith.constant 0 : i32
      %dma_start3A_670 = tpu.memref_slice %arg8[%dma_start3A_668, %dma_start3A_669] : memref<128x128xf32, #tpu.memory_space<vmem>> -> memref<64x128xf32, #tpu.memory_space<vmem>>
      %dma_start3A_671 = arith.constant 0 : i32
      %dma_start3A_672 = tpu.memref_slice %arg11[%dma_start3A_667, %dma_start3A_671] : memref<16x128xi32, #tpu.memory_space<vmem>> -> memref<1x128xi32, #tpu.memory_space<vmem>>
      %dma_start3A_673 = tpu.memref_squeeze %dma_start3A_672 : memref<1x128xi32, #tpu.memory_space<vmem>> -> memref<128xi32, #tpu.memory_space<vmem>>
      %dma_start3A_674 = arith.constant 64 : i32
      %dma_start3A_675 = tpu.memref_slice %dma_start3A_673[%dma_start3A_674] : memref<128xi32, #tpu.memory_space<vmem>> -> memref<64xi32, #tpu.memory_space<vmem>>
      %dma_start3A_676 = arith.constant 0 : i32
      %dma_start3A_677 = arith.constant 0 : i32
      %dma_start3A_678 = tpu.memref_slice %arg2[%dma_start3A_676, %dma_start3A_677] : memref<10000x128xf32, #tpu.memory_space<hbm>> -> memref<10000x128xf32, #tpu.memory_space<hbm>>
      tpu.enqueue_indirect_dma source(%dma_start3A_678 : memref<10000x128xf32, #tpu.memory_space<hbm>>) target(%dma_start3A_670 : memref<64x128xf32, #tpu.memory_space<vmem>>) offsets(%dma_start3A_675 : memref<64xi32, #tpu.memory_space<vmem>>) semaphore(%arg14 : memref<!tpu.dma_semaphore, #tpu.memory_space<semaphore_mem>>)
      %get3A_679 = arith.constant 7 : i32
      %get3A_680 = arith.index_cast %get3A_679 : i32 to index
      %get3A_681 = arith.constant 0 : index
      %get3A_682 = tpu.vector_load %arg12[%get3A_680, %get3A_681] {strides = array<i32>} : memref<16x128xi32, #tpu.memory_space<vmem>>, vector<16xi32>,
      tpu.vector_store_idx %arg10[%get3A_682], %broadcast_in_dim3A_5 {add = true} : memref<10112xf32, #tpu.memory_space<vmem>>[vector<16xi32>], vector<16xf32>,
      %get3A_683 = arith.constant 7 : i32
      %get3A_684 = arith.index_cast %get3A_683 : i32 to index
      %get3A_685 = arith.constant 16 : index
      %get3A_686 = tpu.vector_load %arg12[%get3A_684, %get3A_685] {strides = array<i32>} : memref<16x128xi32, #tpu.memory_space<vmem>>, vector<16xi32>,
      tpu.vector_store_idx %arg10[%get3A_686], %broadcast_in_dim3A_5 {add = true} : memref<10112xf32, #tpu.memory_space<vmem>>[vector<16xi32>], vector<16xf32>,
      %get3A_687 = arith.constant 7 : i32
      %get3A_688 = arith.index_cast %get3A_687 : i32 to index
      %get3A_689 = arith.constant 32 : index
      %get3A_690 = tpu.vector_load %arg12[%get3A_688, %get3A_689] {strides = array<i32>} : memref<16x128xi32, #tpu.memory_space<vmem>>, vector<16xi32>,
      tpu.vector_store_idx %arg10[%get3A_690], %broadcast_in_dim3A_5 {add = true} : memref<10112xf32, #tpu.memory_space<vmem>>[vector<16xi32>], vector<16xf32>,
      %get3A_691 = arith.constant 7 : i32
      %get3A_692 = arith.index_cast %get3A_691 : i32 to index
      %get3A_693 = arith.constant 48 : index
      %get3A_694 = tpu.vector_load %arg12[%get3A_692, %get3A_693] {strides = array<i32>} : memref<16x128xi32, #tpu.memory_space<vmem>>, vector<16xi32>,
      tpu.vector_store_idx %arg10[%get3A_694], %broadcast_in_dim3A_5 {add = true} : memref<10112xf32, #tpu.memory_space<vmem>>[vector<16xi32>], vector<16xf32>,
      %get3A_695 = arith.constant 7 : i32
      %get3A_696 = arith.index_cast %get3A_695 : i32 to index
      %get3A_697 = arith.constant 64 : index
      %get3A_698 = tpu.vector_load %arg12[%get3A_696, %get3A_697] {strides = array<i32>} : memref<16x128xi32, #tpu.memory_space<vmem>>, vector<16xi32>,
      tpu.vector_store_idx %arg10[%get3A_698], %broadcast_in_dim3A_5 {add = true} : memref<10112xf32, #tpu.memory_space<vmem>>[vector<16xi32>], vector<16xf32>,
      %get3A_699 = arith.constant 7 : i32
      %get3A_700 = arith.index_cast %get3A_699 : i32 to index
      %get3A_701 = arith.constant 80 : index
      %get3A_702 = tpu.vector_load %arg12[%get3A_700, %get3A_701] {strides = array<i32>} : memref<16x128xi32, #tpu.memory_space<vmem>>, vector<16xi32>,
      tpu.vector_store_idx %arg10[%get3A_702], %broadcast_in_dim3A_5 {add = true} : memref<10112xf32, #tpu.memory_space<vmem>>[vector<16xi32>], vector<16xf32>,
      %get3A_703 = arith.constant 7 : i32
      %get3A_704 = arith.index_cast %get3A_703 : i32 to index
      %get3A_705 = arith.constant 96 : index
      %get3A_706 = tpu.vector_load %arg12[%get3A_704, %get3A_705] {strides = array<i32>} : memref<16x128xi32, #tpu.memory_space<vmem>>, vector<16xi32>,
      tpu.vector_store_idx %arg10[%get3A_706], %broadcast_in_dim3A_5 {add = true} : memref<10112xf32, #tpu.memory_space<vmem>>[vector<16xi32>], vector<16xf32>,
      %get3A_707 = arith.constant 7 : i32
      %get3A_708 = arith.index_cast %get3A_707 : i32 to index
      %get3A_709 = arith.constant 112 : index
      %get3A_710 = tpu.vector_load %arg12[%get3A_708, %get3A_709] {strides = array<i32>} : memref<16x128xi32, #tpu.memory_space<vmem>>, vector<16xi32>,
      tpu.vector_store_idx %arg10[%get3A_710], %broadcast_in_dim3A_5 {add = true} : memref<10112xf32, #tpu.memory_space<vmem>>[vector<16xi32>], vector<16xf32>,
      %run_scoped3A_711 = arith.constant 7 : i32
      "tpu.region"() ({
        %run_scoped3A_1336 = tpu.sem_alloc : memref<!tpu.dma_semaphore, #tpu.memory_space<semaphore_mem>>
        %dma_start3A_1337 = arith.constant 0 : i32
        %dma_start3A_1338 = tpu.memref_slice %arg12[%run_scoped3A_711, %dma_start3A_1337] : memref<16x128xi32, #tpu.memory_space<vmem>> -> memref<1x128xi32, #tpu.memory_space<vmem>>
        %dma_start3A_1339 = tpu.memref_squeeze %dma_start3A_1338 : memref<1x128xi32, #tpu.memory_space<vmem>> -> memref<128xi32, #tpu.memory_space<vmem>>
        %dma_start3A_1340 = arith.constant 0 : i32
        %dma_start3A_1341 = arith.constant 0 : i32
        %dma_start3A_1342 = tpu.memref_slice %arg7[%dma_start3A_1340, %dma_start3A_1341] : memref<10112x128xf32, #tpu.memory_space<vmem_shared>> -> memref<10112x128xf32, #tpu.memory_space<vmem_shared>>
        tpu.enqueue_indirect_dma source(%arg9 : memref<128x128xf32, #tpu.memory_space<vmem>>) target(%dma_start3A_1342 : memref<10112x128xf32, #tpu.memory_space<vmem_shared>>) offsets(%dma_start3A_1339 : memref<128xi32, #tpu.memory_space<vmem>>) semaphore(%run_scoped3A_1336 : memref<!tpu.dma_semaphore, #tpu.memory_space<semaphore_mem>>) {add = true}
        %dma_wait3A_1343 = arith.constant 0 : i32
        %dma_wait3A_1344 = tpu.memref_slice %arg12[%run_scoped3A_711, %dma_wait3A_1343] : memref<16x128xi32, #tpu.memory_space<vmem>> -> memref<1x128xi32, #tpu.memory_space<vmem>>
        %dma_wait3A_1345 = tpu.memref_squeeze %dma_wait3A_1344 : memref<1x128xi32, #tpu.memory_space<vmem>> -> memref<128xi32, #tpu.memory_space<vmem>>
        %dma_wait3A_1346 = arith.constant 0 : i32
        %dma_wait3A_1347 = arith.constant 0 : i32
        %dma_wait3A_1348 = tpu.memref_slice %arg7[%dma_wait3A_1346, %dma_wait3A_1347] : memref<10112x128xf32, #tpu.memory_space<vmem_shared>> -> memref<10112x128xf32, #tpu.memory_space<vmem_shared>>
        tpu.wait_indirect_dma semaphore(%run_scoped3A_1336 : memref<!tpu.dma_semaphore, #tpu.memory_space<semaphore_mem>>) src(%arg9 : memref<128x128xf32, #tpu.memory_space<vmem>>) dst(%dma_wait3A_1348 : memref<10112x128xf32, #tpu.memory_space<vmem_shared>>)
        tpu.yield
      }) : () -> ()
      %dma_wait3A_712 = arith.constant 8 : i32
      %dma_wait3A_713 = arith.constant 0 : i32
      %dma_wait3A_714 = arith.constant 0 : i32
      %dma_wait3A_715 = tpu.memref_slice %arg8[%dma_wait3A_713, %dma_wait3A_714] : memref<128x128xf32, #tpu.memory_space<vmem>> -> memref<64x128xf32, #tpu.memory_space<vmem>>
      %dma_wait3A_716 = arith.constant 0 : i32
      %dma_wait3A_717 = tpu.memref_slice %arg11[%dma_wait3A_712, %dma_wait3A_716] : memref<16x128xi32, #tpu.memory_space<vmem>> -> memref<1x128xi32, #tpu.memory_space<vmem>>
      %dma_wait3A_718 = tpu.memref_squeeze %dma_wait3A_717 : memref<1x128xi32, #tpu.memory_space<vmem>> -> memref<128xi32, #tpu.memory_space<vmem>>
      %dma_wait3A_719 = arith.constant 0 : i32
      %dma_wait3A_720 = tpu.memref_slice %dma_wait3A_718[%dma_wait3A_719] : memref<128xi32, #tpu.memory_space<vmem>> -> memref<64xi32, #tpu.memory_space<vmem>>
      %dma_wait3A_721 = arith.constant 0 : i32
      %dma_wait3A_722 = arith.constant 0 : i32
      %dma_wait3A_723 = tpu.memref_slice %arg2[%dma_wait3A_721, %dma_wait3A_722] : memref<10000x128xf32, #tpu.memory_space<hbm>> -> memref<10000x128xf32, #tpu.memory_space<hbm>>
      tpu.wait_indirect_dma semaphore(%arg13 : memref<!tpu.dma_semaphore, #tpu.memory_space<semaphore_mem>>) src(%dma_wait3A_723 : memref<10000x128xf32, #tpu.memory_space<hbm>>) dst(%dma_wait3A_715 : memref<64x128xf32, #tpu.memory_space<vmem>>)
      %dma_wait3A_724 = arith.constant 8 : i32
      %dma_wait3A_725 = arith.constant 64 : i32
      %dma_wait3A_726 = arith.constant 0 : i32
      %dma_wait3A_727 = tpu.memref_slice %arg8[%dma_wait3A_725, %dma_wait3A_726] : memref<128x128xf32, #tpu.memory_space<vmem>> -> memref<64x128xf32, #tpu.memory_space<vmem>>
      %dma_wait3A_728 = arith.constant 0 : i32
      %dma_wait3A_729 = tpu.memref_slice %arg11[%dma_wait3A_724, %dma_wait3A_728] : memref<16x128xi32, #tpu.memory_space<vmem>> -> memref<1x128xi32, #tpu.memory_space<vmem>>
      %dma_wait3A_730 = tpu.memref_squeeze %dma_wait3A_729 : memref<1x128xi32, #tpu.memory_space<vmem>> -> memref<128xi32, #tpu.memory_space<vmem>>
      %dma_wait3A_731 = arith.constant 64 : i32
      %dma_wait3A_732 = tpu.memref_slice %dma_wait3A_730[%dma_wait3A_731] : memref<128xi32, #tpu.memory_space<vmem>> -> memref<64xi32, #tpu.memory_space<vmem>>
      %dma_wait3A_733 = arith.constant 0 : i32
      %dma_wait3A_734 = arith.constant 0 : i32
      %dma_wait3A_735 = tpu.memref_slice %arg2[%dma_wait3A_733, %dma_wait3A_734] : memref<10000x128xf32, #tpu.memory_space<hbm>> -> memref<10000x128xf32, #tpu.memory_space<hbm>>
      tpu.wait_indirect_dma semaphore(%arg14 : memref<!tpu.dma_semaphore, #tpu.memory_space<semaphore_mem>>) src(%dma_wait3A_735 : memref<10000x128xf32, #tpu.memory_space<hbm>>) dst(%dma_wait3A_727 : memref<64x128xf32, #tpu.memory_space<vmem>>)
      %dma_start3A_736 = arith.constant 9 : i32
      %dma_start3A_737 = arith.constant 0 : i32
      %dma_start3A_738 = arith.constant 0 : i32
      %dma_start3A_739 = tpu.memref_slice %arg9[%dma_start3A_737, %dma_start3A_738] : memref<128x128xf32, #tpu.memory_space<vmem>> -> memref<64x128xf32, #tpu.memory_space<vmem>>
      %dma_start3A_740 = arith.constant 0 : i32
      %dma_start3A_741 = tpu.memref_slice %arg11[%dma_start3A_736, %dma_start3A_740] : memref<16x128xi32, #tpu.memory_space<vmem>> -> memref<1x128xi32, #tpu.memory_space<vmem>>
      %dma_start3A_742 = tpu.memref_squeeze %dma_start3A_741 : memref<1x128xi32, #tpu.memory_space<vmem>> -> memref<128xi32, #tpu.memory_space<vmem>>
      %dma_start3A_743 = arith.constant 0 : i32
      %dma_start3A_744 = tpu.memref_slice %dma_start3A_742[%dma_start3A_743] : memref<128xi32, #tpu.memory_space<vmem>> -> memref<64xi32, #tpu.memory_space<vmem>>
      %dma_start3A_745 = arith.constant 0 : i32
      %dma_start3A_746 = arith.constant 0 : i32
      %dma_start3A_747 = tpu.memref_slice %arg2[%dma_start3A_745, %dma_start3A_746] : memref<10000x128xf32, #tpu.memory_space<hbm>> -> memref<10000x128xf32, #tpu.memory_space<hbm>>
      tpu.enqueue_indirect_dma source(%dma_start3A_747 : memref<10000x128xf32, #tpu.memory_space<hbm>>) target(%dma_start3A_739 : memref<64x128xf32, #tpu.memory_space<vmem>>) offsets(%dma_start3A_744 : memref<64xi32, #tpu.memory_space<vmem>>) semaphore(%arg15 : memref<!tpu.dma_semaphore, #tpu.memory_space<semaphore_mem>>)
      %dma_start3A_748 = arith.constant 9 : i32
      %dma_start3A_749 = arith.constant 64 : i32
      %dma_start3A_750 = arith.constant 0 : i32
      %dma_start3A_751 = tpu.memref_slice %arg9[%dma_start3A_749, %dma_start3A_750] : memref<128x128xf32, #tpu.memory_space<vmem>> -> memref<64x128xf32, #tpu.memory_space<vmem>>
      %dma_start3A_752 = arith.constant 0 : i32
      %dma_start3A_753 = tpu.memref_slice %arg11[%dma_start3A_748, %dma_start3A_752] : memref<16x128xi32, #tpu.memory_space<vmem>> -> memref<1x128xi32, #tpu.memory_space<vmem>>
      %dma_start3A_754 = tpu.memref_squeeze %dma_start3A_753 : memref<1x128xi32, #tpu.memory_space<vmem>> -> memref<128xi32, #tpu.memory_space<vmem>>
      %dma_start3A_755 = arith.constant 64 : i32
      %dma_start3A_756 = tpu.memref_slice %dma_start3A_754[%dma_start3A_755] : memref<128xi32, #tpu.memory_space<vmem>> -> memref<64xi32, #tpu.memory_space<vmem>>
      %dma_start3A_757 = arith.constant 0 : i32
      %dma_start3A_758 = arith.constant 0 : i32
      %dma_start3A_759 = tpu.memref_slice %arg2[%dma_start3A_757, %dma_start3A_758] : memref<10000x128xf32, #tpu.memory_space<hbm>> -> memref<10000x128xf32, #tpu.memory_space<hbm>>
      tpu.enqueue_indirect_dma source(%dma_start3A_759 : memref<10000x128xf32, #tpu.memory_space<hbm>>) target(%dma_start3A_751 : memref<64x128xf32, #tpu.memory_space<vmem>>) offsets(%dma_start3A_756 : memref<64xi32, #tpu.memory_space<vmem>>) semaphore(%arg16 : memref<!tpu.dma_semaphore, #tpu.memory_space<semaphore_mem>>)
      %get3A_760 = arith.constant 8 : i32
      %get3A_761 = arith.index_cast %get3A_760 : i32 to index
      %get3A_762 = arith.constant 0 : index
      %get3A_763 = tpu.vector_load %arg12[%get3A_761, %get3A_762] {strides = array<i32>} : memref<16x128xi32, #tpu.memory_space<vmem>>, vector<16xi32>,
      tpu.vector_store_idx %arg10[%get3A_763], %broadcast_in_dim3A_5 {add = true} : memref<10112xf32, #tpu.memory_space<vmem>>[vector<16xi32>], vector<16xf32>,
      %get3A_764 = arith.constant 8 : i32
      %get3A_765 = arith.index_cast %get3A_764 : i32 to index
      %get3A_766 = arith.constant 16 : index
      %get3A_767 = tpu.vector_load %arg12[%get3A_765, %get3A_766] {strides = array<i32>} : memref<16x128xi32, #tpu.memory_space<vmem>>, vector<16xi32>,
      tpu.vector_store_idx %arg10[%get3A_767], %broadcast_in_dim3A_5 {add = true} : memref<10112xf32, #tpu.memory_space<vmem>>[vector<16xi32>], vector<16xf32>,
      %get3A_768 = arith.constant 8 : i32
      %get3A_769 = arith.index_cast %get3A_768 : i32 to index
      %get3A_770 = arith.constant 32 : index
      %get3A_771 = tpu.vector_load %arg12[%get3A_769, %get3A_770] {strides = array<i32>} : memref<16x128xi32, #tpu.memory_space<vmem>>, vector<16xi32>,
      tpu.vector_store_idx %arg10[%get3A_771], %broadcast_in_dim3A_5 {add = true} : memref<10112xf32, #tpu.memory_space<vmem>>[vector<16xi32>], vector<16xf32>,
      %get3A_772 = arith.constant 8 : i32
      %get3A_773 = arith.index_cast %get3A_772 : i32 to index
      %get3A_774 = arith.constant 48 : index
      %get3A_775 = tpu.vector_load %arg12[%get3A_773, %get3A_774] {strides = array<i32>} : memref<16x128xi32, #tpu.memory_space<vmem>>, vector<16xi32>,
      tpu.vector_store_idx %arg10[%get3A_775], %broadcast_in_dim3A_5 {add = true} : memref<10112xf32, #tpu.memory_space<vmem>>[vector<16xi32>], vector<16xf32>,
      %get3A_776 = arith.constant 8 : i32
      %get3A_777 = arith.index_cast %get3A_776 : i32 to index
      %get3A_778 = arith.constant 64 : index
      %get3A_779 = tpu.vector_load %arg12[%get3A_777, %get3A_778] {strides = array<i32>} : memref<16x128xi32, #tpu.memory_space<vmem>>, vector<16xi32>,
      tpu.vector_store_idx %arg10[%get3A_779], %broadcast_in_dim3A_5 {add = true} : memref<10112xf32, #tpu.memory_space<vmem>>[vector<16xi32>], vector<16xf32>,
      %get3A_780 = arith.constant 8 : i32
      %get3A_781 = arith.index_cast %get3A_780 : i32 to index
      %get3A_782 = arith.constant 80 : index
      %get3A_783 = tpu.vector_load %arg12[%get3A_781, %get3A_782] {strides = array<i32>} : memref<16x128xi32, #tpu.memory_space<vmem>>, vector<16xi32>,
      tpu.vector_store_idx %arg10[%get3A_783], %broadcast_in_dim3A_5 {add = true} : memref<10112xf32, #tpu.memory_space<vmem>>[vector<16xi32>], vector<16xf32>,
      %get3A_784 = arith.constant 8 : i32
      %get3A_785 = arith.index_cast %get3A_784 : i32 to index
      %get3A_786 = arith.constant 96 : index
      %get3A_787 = tpu.vector_load %arg12[%get3A_785, %get3A_786] {strides = array<i32>} : memref<16x128xi32, #tpu.memory_space<vmem>>, vector<16xi32>,
      tpu.vector_store_idx %arg10[%get3A_787], %broadcast_in_dim3A_5 {add = true} : memref<10112xf32, #tpu.memory_space<vmem>>[vector<16xi32>], vector<16xf32>,
      %get3A_788 = arith.constant 8 : i32
      %get3A_789 = arith.index_cast %get3A_788 : i32 to index
      %get3A_790 = arith.constant 112 : index
      %get3A_791 = tpu.vector_load %arg12[%get3A_789, %get3A_790] {strides = array<i32>} : memref<16x128xi32, #tpu.memory_space<vmem>>, vector<16xi32>,
      tpu.vector_store_idx %arg10[%get3A_791], %broadcast_in_dim3A_5 {add = true} : memref<10112xf32, #tpu.memory_space<vmem>>[vector<16xi32>], vector<16xf32>,
      %run_scoped3A_792 = arith.constant 8 : i32
      "tpu.region"() ({
        %run_scoped3A_1336 = tpu.sem_alloc : memref<!tpu.dma_semaphore, #tpu.memory_space<semaphore_mem>>
        %dma_start3A_1337 = arith.constant 0 : i32
        %dma_start3A_1338 = tpu.memref_slice %arg12[%run_scoped3A_792, %dma_start3A_1337] : memref<16x128xi32, #tpu.memory_space<vmem>> -> memref<1x128xi32, #tpu.memory_space<vmem>>
        %dma_start3A_1339 = tpu.memref_squeeze %dma_start3A_1338 : memref<1x128xi32, #tpu.memory_space<vmem>> -> memref<128xi32, #tpu.memory_space<vmem>>
        %dma_start3A_1340 = arith.constant 0 : i32
        %dma_start3A_1341 = arith.constant 0 : i32
        %dma_start3A_1342 = tpu.memref_slice %arg7[%dma_start3A_1340, %dma_start3A_1341] : memref<10112x128xf32, #tpu.memory_space<vmem_shared>> -> memref<10112x128xf32, #tpu.memory_space<vmem_shared>>
        tpu.enqueue_indirect_dma source(%arg8 : memref<128x128xf32, #tpu.memory_space<vmem>>) target(%dma_start3A_1342 : memref<10112x128xf32, #tpu.memory_space<vmem_shared>>) offsets(%dma_start3A_1339 : memref<128xi32, #tpu.memory_space<vmem>>) semaphore(%run_scoped3A_1336 : memref<!tpu.dma_semaphore, #tpu.memory_space<semaphore_mem>>) {add = true}
        %dma_wait3A_1343 = arith.constant 0 : i32
        %dma_wait3A_1344 = tpu.memref_slice %arg12[%run_scoped3A_792, %dma_wait3A_1343] : memref<16x128xi32, #tpu.memory_space<vmem>> -> memref<1x128xi32, #tpu.memory_space<vmem>>
        %dma_wait3A_1345 = tpu.memref_squeeze %dma_wait3A_1344 : memref<1x128xi32, #tpu.memory_space<vmem>> -> memref<128xi32, #tpu.memory_space<vmem>>
        %dma_wait3A_1346 = arith.constant 0 : i32
        %dma_wait3A_1347 = arith.constant 0 : i32
        %dma_wait3A_1348 = tpu.memref_slice %arg7[%dma_wait3A_1346, %dma_wait3A_1347] : memref<10112x128xf32, #tpu.memory_space<vmem_shared>> -> memref<10112x128xf32, #tpu.memory_space<vmem_shared>>
        tpu.wait_indirect_dma semaphore(%run_scoped3A_1336 : memref<!tpu.dma_semaphore, #tpu.memory_space<semaphore_mem>>) src(%arg8 : memref<128x128xf32, #tpu.memory_space<vmem>>) dst(%dma_wait3A_1348 : memref<10112x128xf32, #tpu.memory_space<vmem_shared>>)
        tpu.yield
      }) : () -> ()
      %dma_wait3A_793 = arith.constant 9 : i32
      %dma_wait3A_794 = arith.constant 0 : i32
      %dma_wait3A_795 = arith.constant 0 : i32
      %dma_wait3A_796 = tpu.memref_slice %arg9[%dma_wait3A_794, %dma_wait3A_795] : memref<128x128xf32, #tpu.memory_space<vmem>> -> memref<64x128xf32, #tpu.memory_space<vmem>>
      %dma_wait3A_797 = arith.constant 0 : i32
      %dma_wait3A_798 = tpu.memref_slice %arg11[%dma_wait3A_793, %dma_wait3A_797] : memref<16x128xi32, #tpu.memory_space<vmem>> -> memref<1x128xi32, #tpu.memory_space<vmem>>
      %dma_wait3A_799 = tpu.memref_squeeze %dma_wait3A_798 : memref<1x128xi32, #tpu.memory_space<vmem>> -> memref<128xi32, #tpu.memory_space<vmem>>
      %dma_wait3A_800 = arith.constant 0 : i32
      %dma_wait3A_801 = tpu.memref_slice %dma_wait3A_799[%dma_wait3A_800] : memref<128xi32, #tpu.memory_space<vmem>> -> memref<64xi32, #tpu.memory_space<vmem>>
      %dma_wait3A_802 = arith.constant 0 : i32
      %dma_wait3A_803 = arith.constant 0 : i32
      %dma_wait3A_804 = tpu.memref_slice %arg2[%dma_wait3A_802, %dma_wait3A_803] : memref<10000x128xf32, #tpu.memory_space<hbm>> -> memref<10000x128xf32, #tpu.memory_space<hbm>>
      tpu.wait_indirect_dma semaphore(%arg15 : memref<!tpu.dma_semaphore, #tpu.memory_space<semaphore_mem>>) src(%dma_wait3A_804 : memref<10000x128xf32, #tpu.memory_space<hbm>>) dst(%dma_wait3A_796 : memref<64x128xf32, #tpu.memory_space<vmem>>)
      %dma_wait3A_805 = arith.constant 9 : i32
      %dma_wait3A_806 = arith.constant 64 : i32
      %dma_wait3A_807 = arith.constant 0 : i32
      %dma_wait3A_808 = tpu.memref_slice %arg9[%dma_wait3A_806, %dma_wait3A_807] : memref<128x128xf32, #tpu.memory_space<vmem>> -> memref<64x128xf32, #tpu.memory_space<vmem>>
      %dma_wait3A_809 = arith.constant 0 : i32
      %dma_wait3A_810 = tpu.memref_slice %arg11[%dma_wait3A_805, %dma_wait3A_809] : memref<16x128xi32, #tpu.memory_space<vmem>> -> memref<1x128xi32, #tpu.memory_space<vmem>>
      %dma_wait3A_811 = tpu.memref_squeeze %dma_wait3A_810 : memref<1x128xi32, #tpu.memory_space<vmem>> -> memref<128xi32, #tpu.memory_space<vmem>>
      %dma_wait3A_812 = arith.constant 64 : i32
      %dma_wait3A_813 = tpu.memref_slice %dma_wait3A_811[%dma_wait3A_812] : memref<128xi32, #tpu.memory_space<vmem>> -> memref<64xi32, #tpu.memory_space<vmem>>
      %dma_wait3A_814 = arith.constant 0 : i32
      %dma_wait3A_815 = arith.constant 0 : i32
      %dma_wait3A_816 = tpu.memref_slice %arg2[%dma_wait3A_814, %dma_wait3A_815] : memref<10000x128xf32, #tpu.memory_space<hbm>> -> memref<10000x128xf32, #tpu.memory_space<hbm>>
      tpu.wait_indirect_dma semaphore(%arg16 : memref<!tpu.dma_semaphore, #tpu.memory_space<semaphore_mem>>) src(%dma_wait3A_816 : memref<10000x128xf32, #tpu.memory_space<hbm>>) dst(%dma_wait3A_808 : memref<64x128xf32, #tpu.memory_space<vmem>>)
      %dma_start3A_817 = arith.constant 10 : i32
      %dma_start3A_818 = arith.constant 0 : i32
      %dma_start3A_819 = arith.constant 0 : i32
      %dma_start3A_820 = tpu.memref_slice %arg8[%dma_start3A_818, %dma_start3A_819] : memref<128x128xf32, #tpu.memory_space<vmem>> -> memref<64x128xf32, #tpu.memory_space<vmem>>
      %dma_start3A_821 = arith.constant 0 : i32
      %dma_start3A_822 = tpu.memref_slice %arg11[%dma_start3A_817, %dma_start3A_821] : memref<16x128xi32, #tpu.memory_space<vmem>> -> memref<1x128xi32, #tpu.memory_space<vmem>>
      %dma_start3A_823 = tpu.memref_squeeze %dma_start3A_822 : memref<1x128xi32, #tpu.memory_space<vmem>> -> memref<128xi32, #tpu.memory_space<vmem>>
      %dma_start3A_824 = arith.constant 0 : i32
      %dma_start3A_825 = tpu.memref_slice %dma_start3A_823[%dma_start3A_824] : memref<128xi32, #tpu.memory_space<vmem>> -> memref<64xi32, #tpu.memory_space<vmem>>
      %dma_start3A_826 = arith.constant 0 : i32
      %dma_start3A_827 = arith.constant 0 : i32
      %dma_start3A_828 = tpu.memref_slice %arg2[%dma_start3A_826, %dma_start3A_827] : memref<10000x128xf32, #tpu.memory_space<hbm>> -> memref<10000x128xf32, #tpu.memory_space<hbm>>
      tpu.enqueue_indirect_dma source(%dma_start3A_828 : memref<10000x128xf32, #tpu.memory_space<hbm>>) target(%dma_start3A_820 : memref<64x128xf32, #tpu.memory_space<vmem>>) offsets(%dma_start3A_825 : memref<64xi32, #tpu.memory_space<vmem>>) semaphore(%arg13 : memref<!tpu.dma_semaphore, #tpu.memory_space<semaphore_mem>>)
      %dma_start3A_829 = arith.constant 10 : i32
      %dma_start3A_830 = arith.constant 64 : i32
      %dma_start3A_831 = arith.constant 0 : i32
      %dma_start3A_832 = tpu.memref_slice %arg8[%dma_start3A_830, %dma_start3A_831] : memref<128x128xf32, #tpu.memory_space<vmem>> -> memref<64x128xf32, #tpu.memory_space<vmem>>
      %dma_start3A_833 = arith.constant 0 : i32
      %dma_start3A_834 = tpu.memref_slice %arg11[%dma_start3A_829, %dma_start3A_833] : memref<16x128xi32, #tpu.memory_space<vmem>> -> memref<1x128xi32, #tpu.memory_space<vmem>>
      %dma_start3A_835 = tpu.memref_squeeze %dma_start3A_834 : memref<1x128xi32, #tpu.memory_space<vmem>> -> memref<128xi32, #tpu.memory_space<vmem>>
      %dma_start3A_836 = arith.constant 64 : i32
      %dma_start3A_837 = tpu.memref_slice %dma_start3A_835[%dma_start3A_836] : memref<128xi32, #tpu.memory_space<vmem>> -> memref<64xi32, #tpu.memory_space<vmem>>
      %dma_start3A_838 = arith.constant 0 : i32
      %dma_start3A_839 = arith.constant 0 : i32
      %dma_start3A_840 = tpu.memref_slice %arg2[%dma_start3A_838, %dma_start3A_839] : memref<10000x128xf32, #tpu.memory_space<hbm>> -> memref<10000x128xf32, #tpu.memory_space<hbm>>
      tpu.enqueue_indirect_dma source(%dma_start3A_840 : memref<10000x128xf32, #tpu.memory_space<hbm>>) target(%dma_start3A_832 : memref<64x128xf32, #tpu.memory_space<vmem>>) offsets(%dma_start3A_837 : memref<64xi32, #tpu.memory_space<vmem>>) semaphore(%arg14 : memref<!tpu.dma_semaphore, #tpu.memory_space<semaphore_mem>>)
      %get3A_841 = arith.constant 9 : i32
      %get3A_842 = arith.index_cast %get3A_841 : i32 to index
      %get3A_843 = arith.constant 0 : index
      %get3A_844 = tpu.vector_load %arg12[%get3A_842, %get3A_843] {strides = array<i32>} : memref<16x128xi32, #tpu.memory_space<vmem>>, vector<16xi32>,
      tpu.vector_store_idx %arg10[%get3A_844], %broadcast_in_dim3A_5 {add = true} : memref<10112xf32, #tpu.memory_space<vmem>>[vector<16xi32>], vector<16xf32>,
      %get3A_845 = arith.constant 9 : i32
      %get3A_846 = arith.index_cast %get3A_845 : i32 to index
      %get3A_847 = arith.constant 16 : index
      %get3A_848 = tpu.vector_load %arg12[%get3A_846, %get3A_847] {strides = array<i32>} : memref<16x128xi32, #tpu.memory_space<vmem>>, vector<16xi32>,
      tpu.vector_store_idx %arg10[%get3A_848], %broadcast_in_dim3A_5 {add = true} : memref<10112xf32, #tpu.memory_space<vmem>>[vector<16xi32>], vector<16xf32>,
      %get3A_849 = arith.constant 9 : i32
      %get3A_850 = arith.index_cast %get3A_849 : i32 to index
      %get3A_851 = arith.constant 32 : index
      %get3A_852 = tpu.vector_load %arg12[%get3A_850, %get3A_851] {strides = array<i32>} : memref<16x128xi32, #tpu.memory_space<vmem>>, vector<16xi32>,
      tpu.vector_store_idx %arg10[%get3A_852], %broadcast_in_dim3A_5 {add = true} : memref<10112xf32, #tpu.memory_space<vmem>>[vector<16xi32>], vector<16xf32>,
      %get3A_853 = arith.constant 9 : i32
      %get3A_854 = arith.index_cast %get3A_853 : i32 to index
      %get3A_855 = arith.constant 48 : index
      %get3A_856 = tpu.vector_load %arg12[%get3A_854, %get3A_855] {strides = array<i32>} : memref<16x128xi32, #tpu.memory_space<vmem>>, vector<16xi32>,
      tpu.vector_store_idx %arg10[%get3A_856], %broadcast_in_dim3A_5 {add = true} : memref<10112xf32, #tpu.memory_space<vmem>>[vector<16xi32>], vector<16xf32>,
      %get3A_857 = arith.constant 9 : i32
      %get3A_858 = arith.index_cast %get3A_857 : i32 to index
      %get3A_859 = arith.constant 64 : index
      %get3A_860 = tpu.vector_load %arg12[%get3A_858, %get3A_859] {strides = array<i32>} : memref<16x128xi32, #tpu.memory_space<vmem>>, vector<16xi32>,
      tpu.vector_store_idx %arg10[%get3A_860], %broadcast_in_dim3A_5 {add = true} : memref<10112xf32, #tpu.memory_space<vmem>>[vector<16xi32>], vector<16xf32>,
      %get3A_861 = arith.constant 9 : i32
      %get3A_862 = arith.index_cast %get3A_861 : i32 to index
      %get3A_863 = arith.constant 80 : index
      %get3A_864 = tpu.vector_load %arg12[%get3A_862, %get3A_863] {strides = array<i32>} : memref<16x128xi32, #tpu.memory_space<vmem>>, vector<16xi32>,
      tpu.vector_store_idx %arg10[%get3A_864], %broadcast_in_dim3A_5 {add = true} : memref<10112xf32, #tpu.memory_space<vmem>>[vector<16xi32>], vector<16xf32>,
      %get3A_865 = arith.constant 9 : i32
      %get3A_866 = arith.index_cast %get3A_865 : i32 to index
      %get3A_867 = arith.constant 96 : index
      %get3A_868 = tpu.vector_load %arg12[%get3A_866, %get3A_867] {strides = array<i32>} : memref<16x128xi32, #tpu.memory_space<vmem>>, vector<16xi32>,
      tpu.vector_store_idx %arg10[%get3A_868], %broadcast_in_dim3A_5 {add = true} : memref<10112xf32, #tpu.memory_space<vmem>>[vector<16xi32>], vector<16xf32>,
      %get3A_869 = arith.constant 9 : i32
      %get3A_870 = arith.index_cast %get3A_869 : i32 to index
      %get3A_871 = arith.constant 112 : index
      %get3A_872 = tpu.vector_load %arg12[%get3A_870, %get3A_871] {strides = array<i32>} : memref<16x128xi32, #tpu.memory_space<vmem>>, vector<16xi32>,
      tpu.vector_store_idx %arg10[%get3A_872], %broadcast_in_dim3A_5 {add = true} : memref<10112xf32, #tpu.memory_space<vmem>>[vector<16xi32>], vector<16xf32>,
      %run_scoped3A_873 = arith.constant 9 : i32
      "tpu.region"() ({
        %run_scoped3A_1336 = tpu.sem_alloc : memref<!tpu.dma_semaphore, #tpu.memory_space<semaphore_mem>>
        %dma_start3A_1337 = arith.constant 0 : i32
        %dma_start3A_1338 = tpu.memref_slice %arg12[%run_scoped3A_873, %dma_start3A_1337] : memref<16x128xi32, #tpu.memory_space<vmem>> -> memref<1x128xi32, #tpu.memory_space<vmem>>
        %dma_start3A_1339 = tpu.memref_squeeze %dma_start3A_1338 : memref<1x128xi32, #tpu.memory_space<vmem>> -> memref<128xi32, #tpu.memory_space<vmem>>
        %dma_start3A_1340 = arith.constant 0 : i32
        %dma_start3A_1341 = arith.constant 0 : i32
        %dma_start3A_1342 = tpu.memref_slice %arg7[%dma_start3A_1340, %dma_start3A_1341] : memref<10112x128xf32, #tpu.memory_space<vmem_shared>> -> memref<10112x128xf32, #tpu.memory_space<vmem_shared>>
        tpu.enqueue_indirect_dma source(%arg9 : memref<128x128xf32, #tpu.memory_space<vmem>>) target(%dma_start3A_1342 : memref<10112x128xf32, #tpu.memory_space<vmem_shared>>) offsets(%dma_start3A_1339 : memref<128xi32, #tpu.memory_space<vmem>>) semaphore(%run_scoped3A_1336 : memref<!tpu.dma_semaphore, #tpu.memory_space<semaphore_mem>>) {add = true}
        %dma_wait3A_1343 = arith.constant 0 : i32
        %dma_wait3A_1344 = tpu.memref_slice %arg12[%run_scoped3A_873, %dma_wait3A_1343] : memref<16x128xi32, #tpu.memory_space<vmem>> -> memref<1x128xi32, #tpu.memory_space<vmem>>
        %dma_wait3A_1345 = tpu.memref_squeeze %dma_wait3A_1344 : memref<1x128xi32, #tpu.memory_space<vmem>> -> memref<128xi32, #tpu.memory_space<vmem>>
        %dma_wait3A_1346 = arith.constant 0 : i32
        %dma_wait3A_1347 = arith.constant 0 : i32
        %dma_wait3A_1348 = tpu.memref_slice %arg7[%dma_wait3A_1346, %dma_wait3A_1347] : memref<10112x128xf32, #tpu.memory_space<vmem_shared>> -> memref<10112x128xf32, #tpu.memory_space<vmem_shared>>
        tpu.wait_indirect_dma semaphore(%run_scoped3A_1336 : memref<!tpu.dma_semaphore, #tpu.memory_space<semaphore_mem>>) src(%arg9 : memref<128x128xf32, #tpu.memory_space<vmem>>) dst(%dma_wait3A_1348 : memref<10112x128xf32, #tpu.memory_space<vmem_shared>>)
        tpu.yield
      }) : () -> ()
      %dma_wait3A_874 = arith.constant 10 : i32
      %dma_wait3A_875 = arith.constant 0 : i32
      %dma_wait3A_876 = arith.constant 0 : i32
      %dma_wait3A_877 = tpu.memref_slice %arg8[%dma_wait3A_875, %dma_wait3A_876] : memref<128x128xf32, #tpu.memory_space<vmem>> -> memref<64x128xf32, #tpu.memory_space<vmem>>
      %dma_wait3A_878 = arith.constant 0 : i32
      %dma_wait3A_879 = tpu.memref_slice %arg11[%dma_wait3A_874, %dma_wait3A_878] : memref<16x128xi32, #tpu.memory_space<vmem>> -> memref<1x128xi32, #tpu.memory_space<vmem>>
      %dma_wait3A_880 = tpu.memref_squeeze %dma_wait3A_879 : memref<1x128xi32, #tpu.memory_space<vmem>> -> memref<128xi32, #tpu.memory_space<vmem>>
      %dma_wait3A_881 = arith.constant 0 : i32
      %dma_wait3A_882 = tpu.memref_slice %dma_wait3A_880[%dma_wait3A_881] : memref<128xi32, #tpu.memory_space<vmem>> -> memref<64xi32, #tpu.memory_space<vmem>>
      %dma_wait3A_883 = arith.constant 0 : i32
      %dma_wait3A_884 = arith.constant 0 : i32
      %dma_wait3A_885 = tpu.memref_slice %arg2[%dma_wait3A_883, %dma_wait3A_884] : memref<10000x128xf32, #tpu.memory_space<hbm>> -> memref<10000x128xf32, #tpu.memory_space<hbm>>
      tpu.wait_indirect_dma semaphore(%arg13 : memref<!tpu.dma_semaphore, #tpu.memory_space<semaphore_mem>>) src(%dma_wait3A_885 : memref<10000x128xf32, #tpu.memory_space<hbm>>) dst(%dma_wait3A_877 : memref<64x128xf32, #tpu.memory_space<vmem>>)
      %dma_wait3A_886 = arith.constant 10 : i32
      %dma_wait3A_887 = arith.constant 64 : i32
      %dma_wait3A_888 = arith.constant 0 : i32
      %dma_wait3A_889 = tpu.memref_slice %arg8[%dma_wait3A_887, %dma_wait3A_888] : memref<128x128xf32, #tpu.memory_space<vmem>> -> memref<64x128xf32, #tpu.memory_space<vmem>>
      %dma_wait3A_890 = arith.constant 0 : i32
      %dma_wait3A_891 = tpu.memref_slice %arg11[%dma_wait3A_886, %dma_wait3A_890] : memref<16x128xi32, #tpu.memory_space<vmem>> -> memref<1x128xi32, #tpu.memory_space<vmem>>
      %dma_wait3A_892 = tpu.memref_squeeze %dma_wait3A_891 : memref<1x128xi32, #tpu.memory_space<vmem>> -> memref<128xi32, #tpu.memory_space<vmem>>
      %dma_wait3A_893 = arith.constant 64 : i32
      %dma_wait3A_894 = tpu.memref_slice %dma_wait3A_892[%dma_wait3A_893] : memref<128xi32, #tpu.memory_space<vmem>> -> memref<64xi32, #tpu.memory_space<vmem>>
      %dma_wait3A_895 = arith.constant 0 : i32
      %dma_wait3A_896 = arith.constant 0 : i32
      %dma_wait3A_897 = tpu.memref_slice %arg2[%dma_wait3A_895, %dma_wait3A_896] : memref<10000x128xf32, #tpu.memory_space<hbm>> -> memref<10000x128xf32, #tpu.memory_space<hbm>>
      tpu.wait_indirect_dma semaphore(%arg14 : memref<!tpu.dma_semaphore, #tpu.memory_space<semaphore_mem>>) src(%dma_wait3A_897 : memref<10000x128xf32, #tpu.memory_space<hbm>>) dst(%dma_wait3A_889 : memref<64x128xf32, #tpu.memory_space<vmem>>)
      %dma_start3A_898 = arith.constant 11 : i32
      %dma_start3A_899 = arith.constant 0 : i32
      %dma_start3A_900 = arith.constant 0 : i32
      %dma_start3A_901 = tpu.memref_slice %arg9[%dma_start3A_899, %dma_start3A_900] : memref<128x128xf32, #tpu.memory_space<vmem>> -> memref<64x128xf32, #tpu.memory_space<vmem>>
      %dma_start3A_902 = arith.constant 0 : i32
      %dma_start3A_903 = tpu.memref_slice %arg11[%dma_start3A_898, %dma_start3A_902] : memref<16x128xi32, #tpu.memory_space<vmem>> -> memref<1x128xi32, #tpu.memory_space<vmem>>
      %dma_start3A_904 = tpu.memref_squeeze %dma_start3A_903 : memref<1x128xi32, #tpu.memory_space<vmem>> -> memref<128xi32, #tpu.memory_space<vmem>>
      %dma_start3A_905 = arith.constant 0 : i32
      %dma_start3A_906 = tpu.memref_slice %dma_start3A_904[%dma_start3A_905] : memref<128xi32, #tpu.memory_space<vmem>> -> memref<64xi32, #tpu.memory_space<vmem>>
      %dma_start3A_907 = arith.constant 0 : i32
      %dma_start3A_908 = arith.constant 0 : i32
      %dma_start3A_909 = tpu.memref_slice %arg2[%dma_start3A_907, %dma_start3A_908] : memref<10000x128xf32, #tpu.memory_space<hbm>> -> memref<10000x128xf32, #tpu.memory_space<hbm>>
      tpu.enqueue_indirect_dma source(%dma_start3A_909 : memref<10000x128xf32, #tpu.memory_space<hbm>>) target(%dma_start3A_901 : memref<64x128xf32, #tpu.memory_space<vmem>>) offsets(%dma_start3A_906 : memref<64xi32, #tpu.memory_space<vmem>>) semaphore(%arg15 : memref<!tpu.dma_semaphore, #tpu.memory_space<semaphore_mem>>)
      %dma_start3A_910 = arith.constant 11 : i32
      %dma_start3A_911 = arith.constant 64 : i32
      %dma_start3A_912 = arith.constant 0 : i32
      %dma_start3A_913 = tpu.memref_slice %arg9[%dma_start3A_911, %dma_start3A_912] : memref<128x128xf32, #tpu.memory_space<vmem>> -> memref<64x128xf32, #tpu.memory_space<vmem>>
      %dma_start3A_914 = arith.constant 0 : i32
      %dma_start3A_915 = tpu.memref_slice %arg11[%dma_start3A_910, %dma_start3A_914] : memref<16x128xi32, #tpu.memory_space<vmem>> -> memref<1x128xi32, #tpu.memory_space<vmem>>
      %dma_start3A_916 = tpu.memref_squeeze %dma_start3A_915 : memref<1x128xi32, #tpu.memory_space<vmem>> -> memref<128xi32, #tpu.memory_space<vmem>>
      %dma_start3A_917 = arith.constant 64 : i32
      %dma_start3A_918 = tpu.memref_slice %dma_start3A_916[%dma_start3A_917] : memref<128xi32, #tpu.memory_space<vmem>> -> memref<64xi32, #tpu.memory_space<vmem>>
      %dma_start3A_919 = arith.constant 0 : i32
      %dma_start3A_920 = arith.constant 0 : i32
      %dma_start3A_921 = tpu.memref_slice %arg2[%dma_start3A_919, %dma_start3A_920] : memref<10000x128xf32, #tpu.memory_space<hbm>> -> memref<10000x128xf32, #tpu.memory_space<hbm>>
      tpu.enqueue_indirect_dma source(%dma_start3A_921 : memref<10000x128xf32, #tpu.memory_space<hbm>>) target(%dma_start3A_913 : memref<64x128xf32, #tpu.memory_space<vmem>>) offsets(%dma_start3A_918 : memref<64xi32, #tpu.memory_space<vmem>>) semaphore(%arg16 : memref<!tpu.dma_semaphore, #tpu.memory_space<semaphore_mem>>)
      %get3A_922 = arith.constant 10 : i32
      %get3A_923 = arith.index_cast %get3A_922 : i32 to index
      %get3A_924 = arith.constant 0 : index
      %get3A_925 = tpu.vector_load %arg12[%get3A_923, %get3A_924] {strides = array<i32>} : memref<16x128xi32, #tpu.memory_space<vmem>>, vector<16xi32>,
      tpu.vector_store_idx %arg10[%get3A_925], %broadcast_in_dim3A_5 {add = true} : memref<10112xf32, #tpu.memory_space<vmem>>[vector<16xi32>], vector<16xf32>,
      %get3A_926 = arith.constant 10 : i32
      %get3A_927 = arith.index_cast %get3A_926 : i32 to index
      %get3A_928 = arith.constant 16 : index
      %get3A_929 = tpu.vector_load %arg12[%get3A_927, %get3A_928] {strides = array<i32>} : memref<16x128xi32, #tpu.memory_space<vmem>>, vector<16xi32>,
      tpu.vector_store_idx %arg10[%get3A_929], %broadcast_in_dim3A_5 {add = true} : memref<10112xf32, #tpu.memory_space<vmem>>[vector<16xi32>], vector<16xf32>,
      %get3A_930 = arith.constant 10 : i32
      %get3A_931 = arith.index_cast %get3A_930 : i32 to index
      %get3A_932 = arith.constant 32 : index
      %get3A_933 = tpu.vector_load %arg12[%get3A_931, %get3A_932] {strides = array<i32>} : memref<16x128xi32, #tpu.memory_space<vmem>>, vector<16xi32>,
      tpu.vector_store_idx %arg10[%get3A_933], %broadcast_in_dim3A_5 {add = true} : memref<10112xf32, #tpu.memory_space<vmem>>[vector<16xi32>], vector<16xf32>,
      %get3A_934 = arith.constant 10 : i32
      %get3A_935 = arith.index_cast %get3A_934 : i32 to index
      %get3A_936 = arith.constant 48 : index
      %get3A_937 = tpu.vector_load %arg12[%get3A_935, %get3A_936] {strides = array<i32>} : memref<16x128xi32, #tpu.memory_space<vmem>>, vector<16xi32>,
      tpu.vector_store_idx %arg10[%get3A_937], %broadcast_in_dim3A_5 {add = true} : memref<10112xf32, #tpu.memory_space<vmem>>[vector<16xi32>], vector<16xf32>,
      %get3A_938 = arith.constant 10 : i32
      %get3A_939 = arith.index_cast %get3A_938 : i32 to index
      %get3A_940 = arith.constant 64 : index
      %get3A_941 = tpu.vector_load %arg12[%get3A_939, %get3A_940] {strides = array<i32>} : memref<16x128xi32, #tpu.memory_space<vmem>>, vector<16xi32>,
      tpu.vector_store_idx %arg10[%get3A_941], %broadcast_in_dim3A_5 {add = true} : memref<10112xf32, #tpu.memory_space<vmem>>[vector<16xi32>], vector<16xf32>,
      %get3A_942 = arith.constant 10 : i32
      %get3A_943 = arith.index_cast %get3A_942 : i32 to index
      %get3A_944 = arith.constant 80 : index
      %get3A_945 = tpu.vector_load %arg12[%get3A_943, %get3A_944] {strides = array<i32>} : memref<16x128xi32, #tpu.memory_space<vmem>>, vector<16xi32>,
      tpu.vector_store_idx %arg10[%get3A_945], %broadcast_in_dim3A_5 {add = true} : memref<10112xf32, #tpu.memory_space<vmem>>[vector<16xi32>], vector<16xf32>,
      %get3A_946 = arith.constant 10 : i32
      %get3A_947 = arith.index_cast %get3A_946 : i32 to index
      %get3A_948 = arith.constant 96 : index
      %get3A_949 = tpu.vector_load %arg12[%get3A_947, %get3A_948] {strides = array<i32>} : memref<16x128xi32, #tpu.memory_space<vmem>>, vector<16xi32>,
      tpu.vector_store_idx %arg10[%get3A_949], %broadcast_in_dim3A_5 {add = true} : memref<10112xf32, #tpu.memory_space<vmem>>[vector<16xi32>], vector<16xf32>,
      %get3A_950 = arith.constant 10 : i32
      %get3A_951 = arith.index_cast %get3A_950 : i32 to index
      %get3A_952 = arith.constant 112 : index
      %get3A_953 = tpu.vector_load %arg12[%get3A_951, %get3A_952] {strides = array<i32>} : memref<16x128xi32, #tpu.memory_space<vmem>>, vector<16xi32>,
      tpu.vector_store_idx %arg10[%get3A_953], %broadcast_in_dim3A_5 {add = true} : memref<10112xf32, #tpu.memory_space<vmem>>[vector<16xi32>], vector<16xf32>,
      %run_scoped3A_954 = arith.constant 10 : i32
      "tpu.region"() ({
        %run_scoped3A_1336 = tpu.sem_alloc : memref<!tpu.dma_semaphore, #tpu.memory_space<semaphore_mem>>
        %dma_start3A_1337 = arith.constant 0 : i32
        %dma_start3A_1338 = tpu.memref_slice %arg12[%run_scoped3A_954, %dma_start3A_1337] : memref<16x128xi32, #tpu.memory_space<vmem>> -> memref<1x128xi32, #tpu.memory_space<vmem>>
        %dma_start3A_1339 = tpu.memref_squeeze %dma_start3A_1338 : memref<1x128xi32, #tpu.memory_space<vmem>> -> memref<128xi32, #tpu.memory_space<vmem>>
        %dma_start3A_1340 = arith.constant 0 : i32
        %dma_start3A_1341 = arith.constant 0 : i32
        %dma_start3A_1342 = tpu.memref_slice %arg7[%dma_start3A_1340, %dma_start3A_1341] : memref<10112x128xf32, #tpu.memory_space<vmem_shared>> -> memref<10112x128xf32, #tpu.memory_space<vmem_shared>>
        tpu.enqueue_indirect_dma source(%arg8 : memref<128x128xf32, #tpu.memory_space<vmem>>) target(%dma_start3A_1342 : memref<10112x128xf32, #tpu.memory_space<vmem_shared>>) offsets(%dma_start3A_1339 : memref<128xi32, #tpu.memory_space<vmem>>) semaphore(%run_scoped3A_1336 : memref<!tpu.dma_semaphore, #tpu.memory_space<semaphore_mem>>) {add = true}
        %dma_wait3A_1343 = arith.constant 0 : i32
        %dma_wait3A_1344 = tpu.memref_slice %arg12[%run_scoped3A_954, %dma_wait3A_1343] : memref<16x128xi32, #tpu.memory_space<vmem>> -> memref<1x128xi32, #tpu.memory_space<vmem>>
        %dma_wait3A_1345 = tpu.memref_squeeze %dma_wait3A_1344 : memref<1x128xi32, #tpu.memory_space<vmem>> -> memref<128xi32, #tpu.memory_space<vmem>>
        %dma_wait3A_1346 = arith.constant 0 : i32
        %dma_wait3A_1347 = arith.constant 0 : i32
        %dma_wait3A_1348 = tpu.memref_slice %arg7[%dma_wait3A_1346, %dma_wait3A_1347] : memref<10112x128xf32, #tpu.memory_space<vmem_shared>> -> memref<10112x128xf32, #tpu.memory_space<vmem_shared>>
        tpu.wait_indirect_dma semaphore(%run_scoped3A_1336 : memref<!tpu.dma_semaphore, #tpu.memory_space<semaphore_mem>>) src(%arg8 : memref<128x128xf32, #tpu.memory_space<vmem>>) dst(%dma_wait3A_1348 : memref<10112x128xf32, #tpu.memory_space<vmem_shared>>)
        tpu.yield
      }) : () -> ()
      %dma_wait3A_955 = arith.constant 11 : i32
      %dma_wait3A_956 = arith.constant 0 : i32
      %dma_wait3A_957 = arith.constant 0 : i32
      %dma_wait3A_958 = tpu.memref_slice %arg9[%dma_wait3A_956, %dma_wait3A_957] : memref<128x128xf32, #tpu.memory_space<vmem>> -> memref<64x128xf32, #tpu.memory_space<vmem>>
      %dma_wait3A_959 = arith.constant 0 : i32
      %dma_wait3A_960 = tpu.memref_slice %arg11[%dma_wait3A_955, %dma_wait3A_959] : memref<16x128xi32, #tpu.memory_space<vmem>> -> memref<1x128xi32, #tpu.memory_space<vmem>>
      %dma_wait3A_961 = tpu.memref_squeeze %dma_wait3A_960 : memref<1x128xi32, #tpu.memory_space<vmem>> -> memref<128xi32, #tpu.memory_space<vmem>>
      %dma_wait3A_962 = arith.constant 0 : i32
      %dma_wait3A_963 = tpu.memref_slice %dma_wait3A_961[%dma_wait3A_962] : memref<128xi32, #tpu.memory_space<vmem>> -> memref<64xi32, #tpu.memory_space<vmem>>
      %dma_wait3A_964 = arith.constant 0 : i32
      %dma_wait3A_965 = arith.constant 0 : i32
      %dma_wait3A_966 = tpu.memref_slice %arg2[%dma_wait3A_964, %dma_wait3A_965] : memref<10000x128xf32, #tpu.memory_space<hbm>> -> memref<10000x128xf32, #tpu.memory_space<hbm>>
      tpu.wait_indirect_dma semaphore(%arg15 : memref<!tpu.dma_semaphore, #tpu.memory_space<semaphore_mem>>) src(%dma_wait3A_966 : memref<10000x128xf32, #tpu.memory_space<hbm>>) dst(%dma_wait3A_958 : memref<64x128xf32, #tpu.memory_space<vmem>>)
      %dma_wait3A_967 = arith.constant 11 : i32
      %dma_wait3A_968 = arith.constant 64 : i32
      %dma_wait3A_969 = arith.constant 0 : i32
      %dma_wait3A_970 = tpu.memref_slice %arg9[%dma_wait3A_968, %dma_wait3A_969] : memref<128x128xf32, #tpu.memory_space<vmem>> -> memref<64x128xf32, #tpu.memory_space<vmem>>
      %dma_wait3A_971 = arith.constant 0 : i32
      %dma_wait3A_972 = tpu.memref_slice %arg11[%dma_wait3A_967, %dma_wait3A_971] : memref<16x128xi32, #tpu.memory_space<vmem>> -> memref<1x128xi32, #tpu.memory_space<vmem>>
      %dma_wait3A_973 = tpu.memref_squeeze %dma_wait3A_972 : memref<1x128xi32, #tpu.memory_space<vmem>> -> memref<128xi32, #tpu.memory_space<vmem>>
      %dma_wait3A_974 = arith.constant 64 : i32
      %dma_wait3A_975 = tpu.memref_slice %dma_wait3A_973[%dma_wait3A_974] : memref<128xi32, #tpu.memory_space<vmem>> -> memref<64xi32, #tpu.memory_space<vmem>>
      %dma_wait3A_976 = arith.constant 0 : i32
      %dma_wait3A_977 = arith.constant 0 : i32
      %dma_wait3A_978 = tpu.memref_slice %arg2[%dma_wait3A_976, %dma_wait3A_977] : memref<10000x128xf32, #tpu.memory_space<hbm>> -> memref<10000x128xf32, #tpu.memory_space<hbm>>
      tpu.wait_indirect_dma semaphore(%arg16 : memref<!tpu.dma_semaphore, #tpu.memory_space<semaphore_mem>>) src(%dma_wait3A_978 : memref<10000x128xf32, #tpu.memory_space<hbm>>) dst(%dma_wait3A_970 : memref<64x128xf32, #tpu.memory_space<vmem>>)
      %dma_start3A_979 = arith.constant 12 : i32
      %dma_start3A_980 = arith.constant 0 : i32
      %dma_start3A_981 = arith.constant 0 : i32
      %dma_start3A_982 = tpu.memref_slice %arg8[%dma_start3A_980, %dma_start3A_981] : memref<128x128xf32, #tpu.memory_space<vmem>> -> memref<64x128xf32, #tpu.memory_space<vmem>>
      %dma_start3A_983 = arith.constant 0 : i32
      %dma_start3A_984 = tpu.memref_slice %arg11[%dma_start3A_979, %dma_start3A_983] : memref<16x128xi32, #tpu.memory_space<vmem>> -> memref<1x128xi32, #tpu.memory_space<vmem>>
      %dma_start3A_985 = tpu.memref_squeeze %dma_start3A_984 : memref<1x128xi32, #tpu.memory_space<vmem>> -> memref<128xi32, #tpu.memory_space<vmem>>
      %dma_start3A_986 = arith.constant 0 : i32
      %dma_start3A_987 = tpu.memref_slice %dma_start3A_985[%dma_start3A_986] : memref<128xi32, #tpu.memory_space<vmem>> -> memref<64xi32, #tpu.memory_space<vmem>>
      %dma_start3A_988 = arith.constant 0 : i32
      %dma_start3A_989 = arith.constant 0 : i32
      %dma_start3A_990 = tpu.memref_slice %arg2[%dma_start3A_988, %dma_start3A_989] : memref<10000x128xf32, #tpu.memory_space<hbm>> -> memref<10000x128xf32, #tpu.memory_space<hbm>>
      tpu.enqueue_indirect_dma source(%dma_start3A_990 : memref<10000x128xf32, #tpu.memory_space<hbm>>) target(%dma_start3A_982 : memref<64x128xf32, #tpu.memory_space<vmem>>) offsets(%dma_start3A_987 : memref<64xi32, #tpu.memory_space<vmem>>) semaphore(%arg13 : memref<!tpu.dma_semaphore, #tpu.memory_space<semaphore_mem>>)
      %dma_start3A_991 = arith.constant 12 : i32
      %dma_start3A_992 = arith.constant 64 : i32
      %dma_start3A_993 = arith.constant 0 : i32
      %dma_start3A_994 = tpu.memref_slice %arg8[%dma_start3A_992, %dma_start3A_993] : memref<128x128xf32, #tpu.memory_space<vmem>> -> memref<64x128xf32, #tpu.memory_space<vmem>>
      %dma_start3A_995 = arith.constant 0 : i32
      %dma_start3A_996 = tpu.memref_slice %arg11[%dma_start3A_991, %dma_start3A_995] : memref<16x128xi32, #tpu.memory_space<vmem>> -> memref<1x128xi32, #tpu.memory_space<vmem>>
      %dma_start3A_997 = tpu.memref_squeeze %dma_start3A_996 : memref<1x128xi32, #tpu.memory_space<vmem>> -> memref<128xi32, #tpu.memory_space<vmem>>
      %dma_start3A_998 = arith.constant 64 : i32
      %dma_start3A_999 = tpu.memref_slice %dma_start3A_997[%dma_start3A_998] : memref<128xi32, #tpu.memory_space<vmem>> -> memref<64xi32, #tpu.memory_space<vmem>>
      %dma_start3A_1000 = arith.constant 0 : i32
      %dma_start3A_1001 = arith.constant 0 : i32
      %dma_start3A_1002 = tpu.memref_slice %arg2[%dma_start3A_1000, %dma_start3A_1001] : memref<10000x128xf32, #tpu.memory_space<hbm>> -> memref<10000x128xf32, #tpu.memory_space<hbm>>
      tpu.enqueue_indirect_dma source(%dma_start3A_1002 : memref<10000x128xf32, #tpu.memory_space<hbm>>) target(%dma_start3A_994 : memref<64x128xf32, #tpu.memory_space<vmem>>) offsets(%dma_start3A_999 : memref<64xi32, #tpu.memory_space<vmem>>) semaphore(%arg14 : memref<!tpu.dma_semaphore, #tpu.memory_space<semaphore_mem>>)
      %get3A_1003 = arith.constant 11 : i32
      %get3A_1004 = arith.index_cast %get3A_1003 : i32 to index
      %get3A_1005 = arith.constant 0 : index
      %get3A_1006 = tpu.vector_load %arg12[%get3A_1004, %get3A_1005] {strides = array<i32>} : memref<16x128xi32, #tpu.memory_space<vmem>>, vector<16xi32>,
      tpu.vector_store_idx %arg10[%get3A_1006], %broadcast_in_dim3A_5 {add = true} : memref<10112xf32, #tpu.memory_space<vmem>>[vector<16xi32>], vector<16xf32>,
      %get3A_1007 = arith.constant 11 : i32
      %get3A_1008 = arith.index_cast %get3A_1007 : i32 to index
      %get3A_1009 = arith.constant 16 : index
      %get3A_1010 = tpu.vector_load %arg12[%get3A_1008, %get3A_1009] {strides = array<i32>} : memref<16x128xi32, #tpu.memory_space<vmem>>, vector<16xi32>,
      tpu.vector_store_idx %arg10[%get3A_1010], %broadcast_in_dim3A_5 {add = true} : memref<10112xf32, #tpu.memory_space<vmem>>[vector<16xi32>], vector<16xf32>,
      %get3A_1011 = arith.constant 11 : i32
      %get3A_1012 = arith.index_cast %get3A_1011 : i32 to index
      %get3A_1013 = arith.constant 32 : index
      %get3A_1014 = tpu.vector_load %arg12[%get3A_1012, %get3A_1013] {strides = array<i32>} : memref<16x128xi32, #tpu.memory_space<vmem>>, vector<16xi32>,
      tpu.vector_store_idx %arg10[%get3A_1014], %broadcast_in_dim3A_5 {add = true} : memref<10112xf32, #tpu.memory_space<vmem>>[vector<16xi32>], vector<16xf32>,
      %get3A_1015 = arith.constant 11 : i32
      %get3A_1016 = arith.index_cast %get3A_1015 : i32 to index
      %get3A_1017 = arith.constant 48 : index
      %get3A_1018 = tpu.vector_load %arg12[%get3A_1016, %get3A_1017] {strides = array<i32>} : memref<16x128xi32, #tpu.memory_space<vmem>>, vector<16xi32>,
      tpu.vector_store_idx %arg10[%get3A_1018], %broadcast_in_dim3A_5 {add = true} : memref<10112xf32, #tpu.memory_space<vmem>>[vector<16xi32>], vector<16xf32>,
      %get3A_1019 = arith.constant 11 : i32
      %get3A_1020 = arith.index_cast %get3A_1019 : i32 to index
      %get3A_1021 = arith.constant 64 : index
      %get3A_1022 = tpu.vector_load %arg12[%get3A_1020, %get3A_1021] {strides = array<i32>} : memref<16x128xi32, #tpu.memory_space<vmem>>, vector<16xi32>,
      tpu.vector_store_idx %arg10[%get3A_1022], %broadcast_in_dim3A_5 {add = true} : memref<10112xf32, #tpu.memory_space<vmem>>[vector<16xi32>], vector<16xf32>,
      %get3A_1023 = arith.constant 11 : i32
      %get3A_1024 = arith.index_cast %get3A_1023 : i32 to index
      %get3A_1025 = arith.constant 80 : index
      %get3A_1026 = tpu.vector_load %arg12[%get3A_1024, %get3A_1025] {strides = array<i32>} : memref<16x128xi32, #tpu.memory_space<vmem>>, vector<16xi32>,
      tpu.vector_store_idx %arg10[%get3A_1026], %broadcast_in_dim3A_5 {add = true} : memref<10112xf32, #tpu.memory_space<vmem>>[vector<16xi32>], vector<16xf32>,
      %get3A_1027 = arith.constant 11 : i32
      %get3A_1028 = arith.index_cast %get3A_1027 : i32 to index
      %get3A_1029 = arith.constant 96 : index
      %get3A_1030 = tpu.vector_load %arg12[%get3A_1028, %get3A_1029] {strides = array<i32>} : memref<16x128xi32, #tpu.memory_space<vmem>>, vector<16xi32>,
      tpu.vector_store_idx %arg10[%get3A_1030], %broadcast_in_dim3A_5 {add = true} : memref<10112xf32, #tpu.memory_space<vmem>>[vector<16xi32>], vector<16xf32>,
      %get3A_1031 = arith.constant 11 : i32
      %get3A_1032 = arith.index_cast %get3A_1031 : i32 to index
      %get3A_1033 = arith.constant 112 : index
      %get3A_1034 = tpu.vector_load %arg12[%get3A_1032, %get3A_1033] {strides = array<i32>} : memref<16x128xi32, #tpu.memory_space<vmem>>, vector<16xi32>,
      tpu.vector_store_idx %arg10[%get3A_1034], %broadcast_in_dim3A_5 {add = true} : memref<10112xf32, #tpu.memory_space<vmem>>[vector<16xi32>], vector<16xf32>,
      %run_scoped3A_1035 = arith.constant 11 : i32
      "tpu.region"() ({
        %run_scoped3A_1336 = tpu.sem_alloc : memref<!tpu.dma_semaphore, #tpu.memory_space<semaphore_mem>>
        %dma_start3A_1337 = arith.constant 0 : i32
        %dma_start3A_1338 = tpu.memref_slice %arg12[%run_scoped3A_1035, %dma_start3A_1337] : memref<16x128xi32, #tpu.memory_space<vmem>> -> memref<1x128xi32, #tpu.memory_space<vmem>>
        %dma_start3A_1339 = tpu.memref_squeeze %dma_start3A_1338 : memref<1x128xi32, #tpu.memory_space<vmem>> -> memref<128xi32, #tpu.memory_space<vmem>>
        %dma_start3A_1340 = arith.constant 0 : i32
        %dma_start3A_1341 = arith.constant 0 : i32
        %dma_start3A_1342 = tpu.memref_slice %arg7[%dma_start3A_1340, %dma_start3A_1341] : memref<10112x128xf32, #tpu.memory_space<vmem_shared>> -> memref<10112x128xf32, #tpu.memory_space<vmem_shared>>
        tpu.enqueue_indirect_dma source(%arg9 : memref<128x128xf32, #tpu.memory_space<vmem>>) target(%dma_start3A_1342 : memref<10112x128xf32, #tpu.memory_space<vmem_shared>>) offsets(%dma_start3A_1339 : memref<128xi32, #tpu.memory_space<vmem>>) semaphore(%run_scoped3A_1336 : memref<!tpu.dma_semaphore, #tpu.memory_space<semaphore_mem>>) {add = true}
        %dma_wait3A_1343 = arith.constant 0 : i32
        %dma_wait3A_1344 = tpu.memref_slice %arg12[%run_scoped3A_1035, %dma_wait3A_1343] : memref<16x128xi32, #tpu.memory_space<vmem>> -> memref<1x128xi32, #tpu.memory_space<vmem>>
        %dma_wait3A_1345 = tpu.memref_squeeze %dma_wait3A_1344 : memref<1x128xi32, #tpu.memory_space<vmem>> -> memref<128xi32, #tpu.memory_space<vmem>>
        %dma_wait3A_1346 = arith.constant 0 : i32
        %dma_wait3A_1347 = arith.constant 0 : i32
        %dma_wait3A_1348 = tpu.memref_slice %arg7[%dma_wait3A_1346, %dma_wait3A_1347] : memref<10112x128xf32, #tpu.memory_space<vmem_shared>> -> memref<10112x128xf32, #tpu.memory_space<vmem_shared>>
        tpu.wait_indirect_dma semaphore(%run_scoped3A_1336 : memref<!tpu.dma_semaphore, #tpu.memory_space<semaphore_mem>>) src(%arg9 : memref<128x128xf32, #tpu.memory_space<vmem>>) dst(%dma_wait3A_1348 : memref<10112x128xf32, #tpu.memory_space<vmem_shared>>)
        tpu.yield
      }) : () -> ()
      %dma_wait3A_1036 = arith.constant 12 : i32
      %dma_wait3A_1037 = arith.constant 0 : i32
      %dma_wait3A_1038 = arith.constant 0 : i32
      %dma_wait3A_1039 = tpu.memref_slice %arg8[%dma_wait3A_1037, %dma_wait3A_1038] : memref<128x128xf32, #tpu.memory_space<vmem>> -> memref<64x128xf32, #tpu.memory_space<vmem>>
      %dma_wait3A_1040 = arith.constant 0 : i32
      %dma_wait3A_1041 = tpu.memref_slice %arg11[%dma_wait3A_1036, %dma_wait3A_1040] : memref<16x128xi32, #tpu.memory_space<vmem>> -> memref<1x128xi32, #tpu.memory_space<vmem>>
      %dma_wait3A_1042 = tpu.memref_squeeze %dma_wait3A_1041 : memref<1x128xi32, #tpu.memory_space<vmem>> -> memref<128xi32, #tpu.memory_space<vmem>>
      %dma_wait3A_1043 = arith.constant 0 : i32
      %dma_wait3A_1044 = tpu.memref_slice %dma_wait3A_1042[%dma_wait3A_1043] : memref<128xi32, #tpu.memory_space<vmem>> -> memref<64xi32, #tpu.memory_space<vmem>>
      %dma_wait3A_1045 = arith.constant 0 : i32
      %dma_wait3A_1046 = arith.constant 0 : i32
      %dma_wait3A_1047 = tpu.memref_slice %arg2[%dma_wait3A_1045, %dma_wait3A_1046] : memref<10000x128xf32, #tpu.memory_space<hbm>> -> memref<10000x128xf32, #tpu.memory_space<hbm>>
      tpu.wait_indirect_dma semaphore(%arg13 : memref<!tpu.dma_semaphore, #tpu.memory_space<semaphore_mem>>) src(%dma_wait3A_1047 : memref<10000x128xf32, #tpu.memory_space<hbm>>) dst(%dma_wait3A_1039 : memref<64x128xf32, #tpu.memory_space<vmem>>)
      %dma_wait3A_1048 = arith.constant 12 : i32
      %dma_wait3A_1049 = arith.constant 64 : i32
      %dma_wait3A_1050 = arith.constant 0 : i32
      %dma_wait3A_1051 = tpu.memref_slice %arg8[%dma_wait3A_1049, %dma_wait3A_1050] : memref<128x128xf32, #tpu.memory_space<vmem>> -> memref<64x128xf32, #tpu.memory_space<vmem>>
      %dma_wait3A_1052 = arith.constant 0 : i32
      %dma_wait3A_1053 = tpu.memref_slice %arg11[%dma_wait3A_1048, %dma_wait3A_1052] : memref<16x128xi32, #tpu.memory_space<vmem>> -> memref<1x128xi32, #tpu.memory_space<vmem>>
      %dma_wait3A_1054 = tpu.memref_squeeze %dma_wait3A_1053 : memref<1x128xi32, #tpu.memory_space<vmem>> -> memref<128xi32, #tpu.memory_space<vmem>>
      %dma_wait3A_1055 = arith.constant 64 : i32
      %dma_wait3A_1056 = tpu.memref_slice %dma_wait3A_1054[%dma_wait3A_1055] : memref<128xi32, #tpu.memory_space<vmem>> -> memref<64xi32, #tpu.memory_space<vmem>>
      %dma_wait3A_1057 = arith.constant 0 : i32
      %dma_wait3A_1058 = arith.constant 0 : i32
      %dma_wait3A_1059 = tpu.memref_slice %arg2[%dma_wait3A_1057, %dma_wait3A_1058] : memref<10000x128xf32, #tpu.memory_space<hbm>> -> memref<10000x128xf32, #tpu.memory_space<hbm>>
      tpu.wait_indirect_dma semaphore(%arg14 : memref<!tpu.dma_semaphore, #tpu.memory_space<semaphore_mem>>) src(%dma_wait3A_1059 : memref<10000x128xf32, #tpu.memory_space<hbm>>) dst(%dma_wait3A_1051 : memref<64x128xf32, #tpu.memory_space<vmem>>)
      %dma_start3A_1060 = arith.constant 13 : i32
      %dma_start3A_1061 = arith.constant 0 : i32
      %dma_start3A_1062 = arith.constant 0 : i32
      %dma_start3A_1063 = tpu.memref_slice %arg9[%dma_start3A_1061, %dma_start3A_1062] : memref<128x128xf32, #tpu.memory_space<vmem>> -> memref<64x128xf32, #tpu.memory_space<vmem>>
      %dma_start3A_1064 = arith.constant 0 : i32
      %dma_start3A_1065 = tpu.memref_slice %arg11[%dma_start3A_1060, %dma_start3A_1064] : memref<16x128xi32, #tpu.memory_space<vmem>> -> memref<1x128xi32, #tpu.memory_space<vmem>>
      %dma_start3A_1066 = tpu.memref_squeeze %dma_start3A_1065 : memref<1x128xi32, #tpu.memory_space<vmem>> -> memref<128xi32, #tpu.memory_space<vmem>>
      %dma_start3A_1067 = arith.constant 0 : i32
      %dma_start3A_1068 = tpu.memref_slice %dma_start3A_1066[%dma_start3A_1067] : memref<128xi32, #tpu.memory_space<vmem>> -> memref<64xi32, #tpu.memory_space<vmem>>
      %dma_start3A_1069 = arith.constant 0 : i32
      %dma_start3A_1070 = arith.constant 0 : i32
      %dma_start3A_1071 = tpu.memref_slice %arg2[%dma_start3A_1069, %dma_start3A_1070] : memref<10000x128xf32, #tpu.memory_space<hbm>> -> memref<10000x128xf32, #tpu.memory_space<hbm>>
      tpu.enqueue_indirect_dma source(%dma_start3A_1071 : memref<10000x128xf32, #tpu.memory_space<hbm>>) target(%dma_start3A_1063 : memref<64x128xf32, #tpu.memory_space<vmem>>) offsets(%dma_start3A_1068 : memref<64xi32, #tpu.memory_space<vmem>>) semaphore(%arg15 : memref<!tpu.dma_semaphore, #tpu.memory_space<semaphore_mem>>)
      %dma_start3A_1072 = arith.constant 13 : i32
      %dma_start3A_1073 = arith.constant 64 : i32
      %dma_start3A_1074 = arith.constant 0 : i32
      %dma_start3A_1075 = tpu.memref_slice %arg9[%dma_start3A_1073, %dma_start3A_1074] : memref<128x128xf32, #tpu.memory_space<vmem>> -> memref<64x128xf32, #tpu.memory_space<vmem>>
      %dma_start3A_1076 = arith.constant 0 : i32
      %dma_start3A_1077 = tpu.memref_slice %arg11[%dma_start3A_1072, %dma_start3A_1076] : memref<16x128xi32, #tpu.memory_space<vmem>> -> memref<1x128xi32, #tpu.memory_space<vmem>>
      %dma_start3A_1078 = tpu.memref_squeeze %dma_start3A_1077 : memref<1x128xi32, #tpu.memory_space<vmem>> -> memref<128xi32, #tpu.memory_space<vmem>>
      %dma_start3A_1079 = arith.constant 64 : i32
      %dma_start3A_1080 = tpu.memref_slice %dma_start3A_1078[%dma_start3A_1079] : memref<128xi32, #tpu.memory_space<vmem>> -> memref<64xi32, #tpu.memory_space<vmem>>
      %dma_start3A_1081 = arith.constant 0 : i32
      %dma_start3A_1082 = arith.constant 0 : i32
      %dma_start3A_1083 = tpu.memref_slice %arg2[%dma_start3A_1081, %dma_start3A_1082] : memref<10000x128xf32, #tpu.memory_space<hbm>> -> memref<10000x128xf32, #tpu.memory_space<hbm>>
      tpu.enqueue_indirect_dma source(%dma_start3A_1083 : memref<10000x128xf32, #tpu.memory_space<hbm>>) target(%dma_start3A_1075 : memref<64x128xf32, #tpu.memory_space<vmem>>) offsets(%dma_start3A_1080 : memref<64xi32, #tpu.memory_space<vmem>>) semaphore(%arg16 : memref<!tpu.dma_semaphore, #tpu.memory_space<semaphore_mem>>)
      %get3A_1084 = arith.constant 12 : i32
      %get3A_1085 = arith.index_cast %get3A_1084 : i32 to index
      %get3A_1086 = arith.constant 0 : index
      %get3A_1087 = tpu.vector_load %arg12[%get3A_1085, %get3A_1086] {strides = array<i32>} : memref<16x128xi32, #tpu.memory_space<vmem>>, vector<16xi32>,
      tpu.vector_store_idx %arg10[%get3A_1087], %broadcast_in_dim3A_5 {add = true} : memref<10112xf32, #tpu.memory_space<vmem>>[vector<16xi32>], vector<16xf32>,
      %get3A_1088 = arith.constant 12 : i32
      %get3A_1089 = arith.index_cast %get3A_1088 : i32 to index
      %get3A_1090 = arith.constant 16 : index
      %get3A_1091 = tpu.vector_load %arg12[%get3A_1089, %get3A_1090] {strides = array<i32>} : memref<16x128xi32, #tpu.memory_space<vmem>>, vector<16xi32>,
      tpu.vector_store_idx %arg10[%get3A_1091], %broadcast_in_dim3A_5 {add = true} : memref<10112xf32, #tpu.memory_space<vmem>>[vector<16xi32>], vector<16xf32>,
      %get3A_1092 = arith.constant 12 : i32
      %get3A_1093 = arith.index_cast %get3A_1092 : i32 to index
      %get3A_1094 = arith.constant 32 : index
      %get3A_1095 = tpu.vector_load %arg12[%get3A_1093, %get3A_1094] {strides = array<i32>} : memref<16x128xi32, #tpu.memory_space<vmem>>, vector<16xi32>,
      tpu.vector_store_idx %arg10[%get3A_1095], %broadcast_in_dim3A_5 {add = true} : memref<10112xf32, #tpu.memory_space<vmem>>[vector<16xi32>], vector<16xf32>,
      %get3A_1096 = arith.constant 12 : i32
      %get3A_1097 = arith.index_cast %get3A_1096 : i32 to index
      %get3A_1098 = arith.constant 48 : index
      %get3A_1099 = tpu.vector_load %arg12[%get3A_1097, %get3A_1098] {strides = array<i32>} : memref<16x128xi32, #tpu.memory_space<vmem>>, vector<16xi32>,
      tpu.vector_store_idx %arg10[%get3A_1099], %broadcast_in_dim3A_5 {add = true} : memref<10112xf32, #tpu.memory_space<vmem>>[vector<16xi32>], vector<16xf32>,
      %get3A_1100 = arith.constant 12 : i32
      %get3A_1101 = arith.index_cast %get3A_1100 : i32 to index
      %get3A_1102 = arith.constant 64 : index
      %get3A_1103 = tpu.vector_load %arg12[%get3A_1101, %get3A_1102] {strides = array<i32>} : memref<16x128xi32, #tpu.memory_space<vmem>>, vector<16xi32>,
      tpu.vector_store_idx %arg10[%get3A_1103], %broadcast_in_dim3A_5 {add = true} : memref<10112xf32, #tpu.memory_space<vmem>>[vector<16xi32>], vector<16xf32>,
      %get3A_1104 = arith.constant 12 : i32
      %get3A_1105 = arith.index_cast %get3A_1104 : i32 to index
      %get3A_1106 = arith.constant 80 : index
      %get3A_1107 = tpu.vector_load %arg12[%get3A_1105, %get3A_1106] {strides = array<i32>} : memref<16x128xi32, #tpu.memory_space<vmem>>, vector<16xi32>,
      tpu.vector_store_idx %arg10[%get3A_1107], %broadcast_in_dim3A_5 {add = true} : memref<10112xf32, #tpu.memory_space<vmem>>[vector<16xi32>], vector<16xf32>,
      %get3A_1108 = arith.constant 12 : i32
      %get3A_1109 = arith.index_cast %get3A_1108 : i32 to index
      %get3A_1110 = arith.constant 96 : index
      %get3A_1111 = tpu.vector_load %arg12[%get3A_1109, %get3A_1110] {strides = array<i32>} : memref<16x128xi32, #tpu.memory_space<vmem>>, vector<16xi32>,
      tpu.vector_store_idx %arg10[%get3A_1111], %broadcast_in_dim3A_5 {add = true} : memref<10112xf32, #tpu.memory_space<vmem>>[vector<16xi32>], vector<16xf32>,
      %get3A_1112 = arith.constant 12 : i32
      %get3A_1113 = arith.index_cast %get3A_1112 : i32 to index
      %get3A_1114 = arith.constant 112 : index
      %get3A_1115 = tpu.vector_load %arg12[%get3A_1113, %get3A_1114] {strides = array<i32>} : memref<16x128xi32, #tpu.memory_space<vmem>>, vector<16xi32>,
      tpu.vector_store_idx %arg10[%get3A_1115], %broadcast_in_dim3A_5 {add = true} : memref<10112xf32, #tpu.memory_space<vmem>>[vector<16xi32>], vector<16xf32>,
      %run_scoped3A_1116 = arith.constant 12 : i32
      "tpu.region"() ({
        %run_scoped3A_1336 = tpu.sem_alloc : memref<!tpu.dma_semaphore, #tpu.memory_space<semaphore_mem>>
        %dma_start3A_1337 = arith.constant 0 : i32
        %dma_start3A_1338 = tpu.memref_slice %arg12[%run_scoped3A_1116, %dma_start3A_1337] : memref<16x128xi32, #tpu.memory_space<vmem>> -> memref<1x128xi32, #tpu.memory_space<vmem>>
        %dma_start3A_1339 = tpu.memref_squeeze %dma_start3A_1338 : memref<1x128xi32, #tpu.memory_space<vmem>> -> memref<128xi32, #tpu.memory_space<vmem>>
        %dma_start3A_1340 = arith.constant 0 : i32
        %dma_start3A_1341 = arith.constant 0 : i32
        %dma_start3A_1342 = tpu.memref_slice %arg7[%dma_start3A_1340, %dma_start3A_1341] : memref<10112x128xf32, #tpu.memory_space<vmem_shared>> -> memref<10112x128xf32, #tpu.memory_space<vmem_shared>>
        tpu.enqueue_indirect_dma source(%arg8 : memref<128x128xf32, #tpu.memory_space<vmem>>) target(%dma_start3A_1342 : memref<10112x128xf32, #tpu.memory_space<vmem_shared>>) offsets(%dma_start3A_1339 : memref<128xi32, #tpu.memory_space<vmem>>) semaphore(%run_scoped3A_1336 : memref<!tpu.dma_semaphore, #tpu.memory_space<semaphore_mem>>) {add = true}
        %dma_wait3A_1343 = arith.constant 0 : i32
        %dma_wait3A_1344 = tpu.memref_slice %arg12[%run_scoped3A_1116, %dma_wait3A_1343] : memref<16x128xi32, #tpu.memory_space<vmem>> -> memref<1x128xi32, #tpu.memory_space<vmem>>
        %dma_wait3A_1345 = tpu.memref_squeeze %dma_wait3A_1344 : memref<1x128xi32, #tpu.memory_space<vmem>> -> memref<128xi32, #tpu.memory_space<vmem>>
        %dma_wait3A_1346 = arith.constant 0 : i32
        %dma_wait3A_1347 = arith.constant 0 : i32
        %dma_wait3A_1348 = tpu.memref_slice %arg7[%dma_wait3A_1346, %dma_wait3A_1347] : memref<10112x128xf32, #tpu.memory_space<vmem_shared>> -> memref<10112x128xf32, #tpu.memory_space<vmem_shared>>
        tpu.wait_indirect_dma semaphore(%run_scoped3A_1336 : memref<!tpu.dma_semaphore, #tpu.memory_space<semaphore_mem>>) src(%arg8 : memref<128x128xf32, #tpu.memory_space<vmem>>) dst(%dma_wait3A_1348 : memref<10112x128xf32, #tpu.memory_space<vmem_shared>>)
        tpu.yield
      }) : () -> ()
      %dma_wait3A_1117 = arith.constant 13 : i32
      %dma_wait3A_1118 = arith.constant 0 : i32
      %dma_wait3A_1119 = arith.constant 0 : i32
      %dma_wait3A_1120 = tpu.memref_slice %arg9[%dma_wait3A_1118, %dma_wait3A_1119] : memref<128x128xf32, #tpu.memory_space<vmem>> -> memref<64x128xf32, #tpu.memory_space<vmem>>
      %dma_wait3A_1121 = arith.constant 0 : i32
      %dma_wait3A_1122 = tpu.memref_slice %arg11[%dma_wait3A_1117, %dma_wait3A_1121] : memref<16x128xi32, #tpu.memory_space<vmem>> -> memref<1x128xi32, #tpu.memory_space<vmem>>
      %dma_wait3A_1123 = tpu.memref_squeeze %dma_wait3A_1122 : memref<1x128xi32, #tpu.memory_space<vmem>> -> memref<128xi32, #tpu.memory_space<vmem>>
      %dma_wait3A_1124 = arith.constant 0 : i32
      %dma_wait3A_1125 = tpu.memref_slice %dma_wait3A_1123[%dma_wait3A_1124] : memref<128xi32, #tpu.memory_space<vmem>> -> memref<64xi32, #tpu.memory_space<vmem>>
      %dma_wait3A_1126 = arith.constant 0 : i32
      %dma_wait3A_1127 = arith.constant 0 : i32
      %dma_wait3A_1128 = tpu.memref_slice %arg2[%dma_wait3A_1126, %dma_wait3A_1127] : memref<10000x128xf32, #tpu.memory_space<hbm>> -> memref<10000x128xf32, #tpu.memory_space<hbm>>
      tpu.wait_indirect_dma semaphore(%arg15 : memref<!tpu.dma_semaphore, #tpu.memory_space<semaphore_mem>>) src(%dma_wait3A_1128 : memref<10000x128xf32, #tpu.memory_space<hbm>>) dst(%dma_wait3A_1120 : memref<64x128xf32, #tpu.memory_space<vmem>>)
      %dma_wait3A_1129 = arith.constant 13 : i32
      %dma_wait3A_1130 = arith.constant 64 : i32
      %dma_wait3A_1131 = arith.constant 0 : i32
      %dma_wait3A_1132 = tpu.memref_slice %arg9[%dma_wait3A_1130, %dma_wait3A_1131] : memref<128x128xf32, #tpu.memory_space<vmem>> -> memref<64x128xf32, #tpu.memory_space<vmem>>
      %dma_wait3A_1133 = arith.constant 0 : i32
      %dma_wait3A_1134 = tpu.memref_slice %arg11[%dma_wait3A_1129, %dma_wait3A_1133] : memref<16x128xi32, #tpu.memory_space<vmem>> -> memref<1x128xi32, #tpu.memory_space<vmem>>
      %dma_wait3A_1135 = tpu.memref_squeeze %dma_wait3A_1134 : memref<1x128xi32, #tpu.memory_space<vmem>> -> memref<128xi32, #tpu.memory_space<vmem>>
      %dma_wait3A_1136 = arith.constant 64 : i32
      %dma_wait3A_1137 = tpu.memref_slice %dma_wait3A_1135[%dma_wait3A_1136] : memref<128xi32, #tpu.memory_space<vmem>> -> memref<64xi32, #tpu.memory_space<vmem>>
      %dma_wait3A_1138 = arith.constant 0 : i32
      %dma_wait3A_1139 = arith.constant 0 : i32
      %dma_wait3A_1140 = tpu.memref_slice %arg2[%dma_wait3A_1138, %dma_wait3A_1139] : memref<10000x128xf32, #tpu.memory_space<hbm>> -> memref<10000x128xf32, #tpu.memory_space<hbm>>
      tpu.wait_indirect_dma semaphore(%arg16 : memref<!tpu.dma_semaphore, #tpu.memory_space<semaphore_mem>>) src(%dma_wait3A_1140 : memref<10000x128xf32, #tpu.memory_space<hbm>>) dst(%dma_wait3A_1132 : memref<64x128xf32, #tpu.memory_space<vmem>>)
      %dma_start3A_1141 = arith.constant 14 : i32
      %dma_start3A_1142 = arith.constant 0 : i32
      %dma_start3A_1143 = arith.constant 0 : i32
      %dma_start3A_1144 = tpu.memref_slice %arg8[%dma_start3A_1142, %dma_start3A_1143] : memref<128x128xf32, #tpu.memory_space<vmem>> -> memref<64x128xf32, #tpu.memory_space<vmem>>
      %dma_start3A_1145 = arith.constant 0 : i32
      %dma_start3A_1146 = tpu.memref_slice %arg11[%dma_start3A_1141, %dma_start3A_1145] : memref<16x128xi32, #tpu.memory_space<vmem>> -> memref<1x128xi32, #tpu.memory_space<vmem>>
      %dma_start3A_1147 = tpu.memref_squeeze %dma_start3A_1146 : memref<1x128xi32, #tpu.memory_space<vmem>> -> memref<128xi32, #tpu.memory_space<vmem>>
      %dma_start3A_1148 = arith.constant 0 : i32
      %dma_start3A_1149 = tpu.memref_slice %dma_start3A_1147[%dma_start3A_1148] : memref<128xi32, #tpu.memory_space<vmem>> -> memref<64xi32, #tpu.memory_space<vmem>>
      %dma_start3A_1150 = arith.constant 0 : i32
      %dma_start3A_1151 = arith.constant 0 : i32
      %dma_start3A_1152 = tpu.memref_slice %arg2[%dma_start3A_1150, %dma_start3A_1151] : memref<10000x128xf32, #tpu.memory_space<hbm>> -> memref<10000x128xf32, #tpu.memory_space<hbm>>
      tpu.enqueue_indirect_dma source(%dma_start3A_1152 : memref<10000x128xf32, #tpu.memory_space<hbm>>) target(%dma_start3A_1144 : memref<64x128xf32, #tpu.memory_space<vmem>>) offsets(%dma_start3A_1149 : memref<64xi32, #tpu.memory_space<vmem>>) semaphore(%arg13 : memref<!tpu.dma_semaphore, #tpu.memory_space<semaphore_mem>>)
      %dma_start3A_1153 = arith.constant 14 : i32
      %dma_start3A_1154 = arith.constant 64 : i32
      %dma_start3A_1155 = arith.constant 0 : i32
      %dma_start3A_1156 = tpu.memref_slice %arg8[%dma_start3A_1154, %dma_start3A_1155] : memref<128x128xf32, #tpu.memory_space<vmem>> -> memref<64x128xf32, #tpu.memory_space<vmem>>
      %dma_start3A_1157 = arith.constant 0 : i32
      %dma_start3A_1158 = tpu.memref_slice %arg11[%dma_start3A_1153, %dma_start3A_1157] : memref<16x128xi32, #tpu.memory_space<vmem>> -> memref<1x128xi32, #tpu.memory_space<vmem>>
      %dma_start3A_1159 = tpu.memref_squeeze %dma_start3A_1158 : memref<1x128xi32, #tpu.memory_space<vmem>> -> memref<128xi32, #tpu.memory_space<vmem>>
      %dma_start3A_1160 = arith.constant 64 : i32
      %dma_start3A_1161 = tpu.memref_slice %dma_start3A_1159[%dma_start3A_1160] : memref<128xi32, #tpu.memory_space<vmem>> -> memref<64xi32, #tpu.memory_space<vmem>>
      %dma_start3A_1162 = arith.constant 0 : i32
      %dma_start3A_1163 = arith.constant 0 : i32
      %dma_start3A_1164 = tpu.memref_slice %arg2[%dma_start3A_1162, %dma_start3A_1163] : memref<10000x128xf32, #tpu.memory_space<hbm>> -> memref<10000x128xf32, #tpu.memory_space<hbm>>
      tpu.enqueue_indirect_dma source(%dma_start3A_1164 : memref<10000x128xf32, #tpu.memory_space<hbm>>) target(%dma_start3A_1156 : memref<64x128xf32, #tpu.memory_space<vmem>>) offsets(%dma_start3A_1161 : memref<64xi32, #tpu.memory_space<vmem>>) semaphore(%arg14 : memref<!tpu.dma_semaphore, #tpu.memory_space<semaphore_mem>>)
      %get3A_1165 = arith.constant 13 : i32
      %get3A_1166 = arith.index_cast %get3A_1165 : i32 to index
      %get3A_1167 = arith.constant 0 : index
      %get3A_1168 = tpu.vector_load %arg12[%get3A_1166, %get3A_1167] {strides = array<i32>} : memref<16x128xi32, #tpu.memory_space<vmem>>, vector<16xi32>,
      tpu.vector_store_idx %arg10[%get3A_1168], %broadcast_in_dim3A_5 {add = true} : memref<10112xf32, #tpu.memory_space<vmem>>[vector<16xi32>], vector<16xf32>,
      %get3A_1169 = arith.constant 13 : i32
      %get3A_1170 = arith.index_cast %get3A_1169 : i32 to index
      %get3A_1171 = arith.constant 16 : index
      %get3A_1172 = tpu.vector_load %arg12[%get3A_1170, %get3A_1171] {strides = array<i32>} : memref<16x128xi32, #tpu.memory_space<vmem>>, vector<16xi32>,
      tpu.vector_store_idx %arg10[%get3A_1172], %broadcast_in_dim3A_5 {add = true} : memref<10112xf32, #tpu.memory_space<vmem>>[vector<16xi32>], vector<16xf32>,
      %get3A_1173 = arith.constant 13 : i32
      %get3A_1174 = arith.index_cast %get3A_1173 : i32 to index
      %get3A_1175 = arith.constant 32 : index
      %get3A_1176 = tpu.vector_load %arg12[%get3A_1174, %get3A_1175] {strides = array<i32>} : memref<16x128xi32, #tpu.memory_space<vmem>>, vector<16xi32>,
      tpu.vector_store_idx %arg10[%get3A_1176], %broadcast_in_dim3A_5 {add = true} : memref<10112xf32, #tpu.memory_space<vmem>>[vector<16xi32>], vector<16xf32>,
      %get3A_1177 = arith.constant 13 : i32
      %get3A_1178 = arith.index_cast %get3A_1177 : i32 to index
      %get3A_1179 = arith.constant 48 : index
      %get3A_1180 = tpu.vector_load %arg12[%get3A_1178, %get3A_1179] {strides = array<i32>} : memref<16x128xi32, #tpu.memory_space<vmem>>, vector<16xi32>,
      tpu.vector_store_idx %arg10[%get3A_1180], %broadcast_in_dim3A_5 {add = true} : memref<10112xf32, #tpu.memory_space<vmem>>[vector<16xi32>], vector<16xf32>,
      %get3A_1181 = arith.constant 13 : i32
      %get3A_1182 = arith.index_cast %get3A_1181 : i32 to index
      %get3A_1183 = arith.constant 64 : index
      %get3A_1184 = tpu.vector_load %arg12[%get3A_1182, %get3A_1183] {strides = array<i32>} : memref<16x128xi32, #tpu.memory_space<vmem>>, vector<16xi32>,
      tpu.vector_store_idx %arg10[%get3A_1184], %broadcast_in_dim3A_5 {add = true} : memref<10112xf32, #tpu.memory_space<vmem>>[vector<16xi32>], vector<16xf32>,
      %get3A_1185 = arith.constant 13 : i32
      %get3A_1186 = arith.index_cast %get3A_1185 : i32 to index
      %get3A_1187 = arith.constant 80 : index
      %get3A_1188 = tpu.vector_load %arg12[%get3A_1186, %get3A_1187] {strides = array<i32>} : memref<16x128xi32, #tpu.memory_space<vmem>>, vector<16xi32>,
      tpu.vector_store_idx %arg10[%get3A_1188], %broadcast_in_dim3A_5 {add = true} : memref<10112xf32, #tpu.memory_space<vmem>>[vector<16xi32>], vector<16xf32>,
      %get3A_1189 = arith.constant 13 : i32
      %get3A_1190 = arith.index_cast %get3A_1189 : i32 to index
      %get3A_1191 = arith.constant 96 : index
      %get3A_1192 = tpu.vector_load %arg12[%get3A_1190, %get3A_1191] {strides = array<i32>} : memref<16x128xi32, #tpu.memory_space<vmem>>, vector<16xi32>,
      tpu.vector_store_idx %arg10[%get3A_1192], %broadcast_in_dim3A_5 {add = true} : memref<10112xf32, #tpu.memory_space<vmem>>[vector<16xi32>], vector<16xf32>,
      %get3A_1193 = arith.constant 13 : i32
      %get3A_1194 = arith.index_cast %get3A_1193 : i32 to index
      %get3A_1195 = arith.constant 112 : index
      %get3A_1196 = tpu.vector_load %arg12[%get3A_1194, %get3A_1195] {strides = array<i32>} : memref<16x128xi32, #tpu.memory_space<vmem>>, vector<16xi32>,
      tpu.vector_store_idx %arg10[%get3A_1196], %broadcast_in_dim3A_5 {add = true} : memref<10112xf32, #tpu.memory_space<vmem>>[vector<16xi32>], vector<16xf32>,
      %run_scoped3A_1197 = arith.constant 13 : i32
      "tpu.region"() ({
        %run_scoped3A_1336 = tpu.sem_alloc : memref<!tpu.dma_semaphore, #tpu.memory_space<semaphore_mem>>
        %dma_start3A_1337 = arith.constant 0 : i32
        %dma_start3A_1338 = tpu.memref_slice %arg12[%run_scoped3A_1197, %dma_start3A_1337] : memref<16x128xi32, #tpu.memory_space<vmem>> -> memref<1x128xi32, #tpu.memory_space<vmem>>
        %dma_start3A_1339 = tpu.memref_squeeze %dma_start3A_1338 : memref<1x128xi32, #tpu.memory_space<vmem>> -> memref<128xi32, #tpu.memory_space<vmem>>
        %dma_start3A_1340 = arith.constant 0 : i32
        %dma_start3A_1341 = arith.constant 0 : i32
        %dma_start3A_1342 = tpu.memref_slice %arg7[%dma_start3A_1340, %dma_start3A_1341] : memref<10112x128xf32, #tpu.memory_space<vmem_shared>> -> memref<10112x128xf32, #tpu.memory_space<vmem_shared>>
        tpu.enqueue_indirect_dma source(%arg9 : memref<128x128xf32, #tpu.memory_space<vmem>>) target(%dma_start3A_1342 : memref<10112x128xf32, #tpu.memory_space<vmem_shared>>) offsets(%dma_start3A_1339 : memref<128xi32, #tpu.memory_space<vmem>>) semaphore(%run_scoped3A_1336 : memref<!tpu.dma_semaphore, #tpu.memory_space<semaphore_mem>>) {add = true}
        %dma_wait3A_1343 = arith.constant 0 : i32
        %dma_wait3A_1344 = tpu.memref_slice %arg12[%run_scoped3A_1197, %dma_wait3A_1343] : memref<16x128xi32, #tpu.memory_space<vmem>> -> memref<1x128xi32, #tpu.memory_space<vmem>>
        %dma_wait3A_1345 = tpu.memref_squeeze %dma_wait3A_1344 : memref<1x128xi32, #tpu.memory_space<vmem>> -> memref<128xi32, #tpu.memory_space<vmem>>
        %dma_wait3A_1346 = arith.constant 0 : i32
        %dma_wait3A_1347 = arith.constant 0 : i32
        %dma_wait3A_1348 = tpu.memref_slice %arg7[%dma_wait3A_1346, %dma_wait3A_1347] : memref<10112x128xf32, #tpu.memory_space<vmem_shared>> -> memref<10112x128xf32, #tpu.memory_space<vmem_shared>>
        tpu.wait_indirect_dma semaphore(%run_scoped3A_1336 : memref<!tpu.dma_semaphore, #tpu.memory_space<semaphore_mem>>) src(%arg9 : memref<128x128xf32, #tpu.memory_space<vmem>>) dst(%dma_wait3A_1348 : memref<10112x128xf32, #tpu.memory_space<vmem_shared>>)
        tpu.yield
      }) : () -> ()
      %dma_wait3A_1198 = arith.constant 14 : i32
      %dma_wait3A_1199 = arith.constant 0 : i32
      %dma_wait3A_1200 = arith.constant 0 : i32
      %dma_wait3A_1201 = tpu.memref_slice %arg8[%dma_wait3A_1199, %dma_wait3A_1200] : memref<128x128xf32, #tpu.memory_space<vmem>> -> memref<64x128xf32, #tpu.memory_space<vmem>>
      %dma_wait3A_1202 = arith.constant 0 : i32
      %dma_wait3A_1203 = tpu.memref_slice %arg11[%dma_wait3A_1198, %dma_wait3A_1202] : memref<16x128xi32, #tpu.memory_space<vmem>> -> memref<1x128xi32, #tpu.memory_space<vmem>>
      %dma_wait3A_1204 = tpu.memref_squeeze %dma_wait3A_1203 : memref<1x128xi32, #tpu.memory_space<vmem>> -> memref<128xi32, #tpu.memory_space<vmem>>
      %dma_wait3A_1205 = arith.constant 0 : i32
      %dma_wait3A_1206 = tpu.memref_slice %dma_wait3A_1204[%dma_wait3A_1205] : memref<128xi32, #tpu.memory_space<vmem>> -> memref<64xi32, #tpu.memory_space<vmem>>
      %dma_wait3A_1207 = arith.constant 0 : i32
      %dma_wait3A_1208 = arith.constant 0 : i32
      %dma_wait3A_1209 = tpu.memref_slice %arg2[%dma_wait3A_1207, %dma_wait3A_1208] : memref<10000x128xf32, #tpu.memory_space<hbm>> -> memref<10000x128xf32, #tpu.memory_space<hbm>>
      tpu.wait_indirect_dma semaphore(%arg13 : memref<!tpu.dma_semaphore, #tpu.memory_space<semaphore_mem>>) src(%dma_wait3A_1209 : memref<10000x128xf32, #tpu.memory_space<hbm>>) dst(%dma_wait3A_1201 : memref<64x128xf32, #tpu.memory_space<vmem>>)
      %dma_wait3A_1210 = arith.constant 14 : i32
      %dma_wait3A_1211 = arith.constant 64 : i32
      %dma_wait3A_1212 = arith.constant 0 : i32
      %dma_wait3A_1213 = tpu.memref_slice %arg8[%dma_wait3A_1211, %dma_wait3A_1212] : memref<128x128xf32, #tpu.memory_space<vmem>> -> memref<64x128xf32, #tpu.memory_space<vmem>>
      %dma_wait3A_1214 = arith.constant 0 : i32
      %dma_wait3A_1215 = tpu.memref_slice %arg11[%dma_wait3A_1210, %dma_wait3A_1214] : memref<16x128xi32, #tpu.memory_space<vmem>> -> memref<1x128xi32, #tpu.memory_space<vmem>>
      %dma_wait3A_1216 = tpu.memref_squeeze %dma_wait3A_1215 : memref<1x128xi32, #tpu.memory_space<vmem>> -> memref<128xi32, #tpu.memory_space<vmem>>
      %dma_wait3A_1217 = arith.constant 64 : i32
      %dma_wait3A_1218 = tpu.memref_slice %dma_wait3A_1216[%dma_wait3A_1217] : memref<128xi32, #tpu.memory_space<vmem>> -> memref<64xi32, #tpu.memory_space<vmem>>
      %dma_wait3A_1219 = arith.constant 0 : i32
      %dma_wait3A_1220 = arith.constant 0 : i32
      %dma_wait3A_1221 = tpu.memref_slice %arg2[%dma_wait3A_1219, %dma_wait3A_1220] : memref<10000x128xf32, #tpu.memory_space<hbm>> -> memref<10000x128xf32, #tpu.memory_space<hbm>>
      tpu.wait_indirect_dma semaphore(%arg14 : memref<!tpu.dma_semaphore, #tpu.memory_space<semaphore_mem>>) src(%dma_wait3A_1221 : memref<10000x128xf32, #tpu.memory_space<hbm>>) dst(%dma_wait3A_1213 : memref<64x128xf32, #tpu.memory_space<vmem>>)
      %dma_start3A_1222 = arith.constant 15 : i32
      %dma_start3A_1223 = arith.constant 0 : i32
      %dma_start3A_1224 = arith.constant 0 : i32
      %dma_start3A_1225 = tpu.memref_slice %arg9[%dma_start3A_1223, %dma_start3A_1224] : memref<128x128xf32, #tpu.memory_space<vmem>> -> memref<64x128xf32, #tpu.memory_space<vmem>>
      %dma_start3A_1226 = arith.constant 0 : i32
      %dma_start3A_1227 = tpu.memref_slice %arg11[%dma_start3A_1222, %dma_start3A_1226] : memref<16x128xi32, #tpu.memory_space<vmem>> -> memref<1x128xi32, #tpu.memory_space<vmem>>
      %dma_start3A_1228 = tpu.memref_squeeze %dma_start3A_1227 : memref<1x128xi32, #tpu.memory_space<vmem>> -> memref<128xi32, #tpu.memory_space<vmem>>
      %dma_start3A_1229 = arith.constant 0 : i32
      %dma_start3A_1230 = tpu.memref_slice %dma_start3A_1228[%dma_start3A_1229] : memref<128xi32, #tpu.memory_space<vmem>> -> memref<64xi32, #tpu.memory_space<vmem>>
      %dma_start3A_1231 = arith.constant 0 : i32
      %dma_start3A_1232 = arith.constant 0 : i32
      %dma_start3A_1233 = tpu.memref_slice %arg2[%dma_start3A_1231, %dma_start3A_1232] : memref<10000x128xf32, #tpu.memory_space<hbm>> -> memref<10000x128xf32, #tpu.memory_space<hbm>>
      tpu.enqueue_indirect_dma source(%dma_start3A_1233 : memref<10000x128xf32, #tpu.memory_space<hbm>>) target(%dma_start3A_1225 : memref<64x128xf32, #tpu.memory_space<vmem>>) offsets(%dma_start3A_1230 : memref<64xi32, #tpu.memory_space<vmem>>) semaphore(%arg15 : memref<!tpu.dma_semaphore, #tpu.memory_space<semaphore_mem>>)
      %dma_start3A_1234 = arith.constant 15 : i32
      %dma_start3A_1235 = arith.constant 64 : i32
      %dma_start3A_1236 = arith.constant 0 : i32
      %dma_start3A_1237 = tpu.memref_slice %arg9[%dma_start3A_1235, %dma_start3A_1236] : memref<128x128xf32, #tpu.memory_space<vmem>> -> memref<64x128xf32, #tpu.memory_space<vmem>>
      %dma_start3A_1238 = arith.constant 0 : i32
      %dma_start3A_1239 = tpu.memref_slice %arg11[%dma_start3A_1234, %dma_start3A_1238] : memref<16x128xi32, #tpu.memory_space<vmem>> -> memref<1x128xi32, #tpu.memory_space<vmem>>
      %dma_start3A_1240 = tpu.memref_squeeze %dma_start3A_1239 : memref<1x128xi32, #tpu.memory_space<vmem>> -> memref<128xi32, #tpu.memory_space<vmem>>
      %dma_start3A_1241 = arith.constant 64 : i32
      %dma_start3A_1242 = tpu.memref_slice %dma_start3A_1240[%dma_start3A_1241] : memref<128xi32, #tpu.memory_space<vmem>> -> memref<64xi32, #tpu.memory_space<vmem>>
      %dma_start3A_1243 = arith.constant 0 : i32
      %dma_start3A_1244 = arith.constant 0 : i32
      %dma_start3A_1245 = tpu.memref_slice %arg2[%dma_start3A_1243, %dma_start3A_1244] : memref<10000x128xf32, #tpu.memory_space<hbm>> -> memref<10000x128xf32, #tpu.memory_space<hbm>>
      tpu.enqueue_indirect_dma source(%dma_start3A_1245 : memref<10000x128xf32, #tpu.memory_space<hbm>>) target(%dma_start3A_1237 : memref<64x128xf32, #tpu.memory_space<vmem>>) offsets(%dma_start3A_1242 : memref<64xi32, #tpu.memory_space<vmem>>) semaphore(%arg16 : memref<!tpu.dma_semaphore, #tpu.memory_space<semaphore_mem>>)
      %get3A_1246 = arith.constant 14 : i32
      %get3A_1247 = arith.index_cast %get3A_1246 : i32 to index
      %get3A_1248 = arith.constant 0 : index
      %get3A_1249 = tpu.vector_load %arg12[%get3A_1247, %get3A_1248] {strides = array<i32>} : memref<16x128xi32, #tpu.memory_space<vmem>>, vector<16xi32>,
      tpu.vector_store_idx %arg10[%get3A_1249], %broadcast_in_dim3A_5 {add = true} : memref<10112xf32, #tpu.memory_space<vmem>>[vector<16xi32>], vector<16xf32>,
      %get3A_1250 = arith.constant 14 : i32
      %get3A_1251 = arith.index_cast %get3A_1250 : i32 to index
      %get3A_1252 = arith.constant 16 : index
      %get3A_1253 = tpu.vector_load %arg12[%get3A_1251, %get3A_1252] {strides = array<i32>} : memref<16x128xi32, #tpu.memory_space<vmem>>, vector<16xi32>,
      tpu.vector_store_idx %arg10[%get3A_1253], %broadcast_in_dim3A_5 {add = true} : memref<10112xf32, #tpu.memory_space<vmem>>[vector<16xi32>], vector<16xf32>,
      %get3A_1254 = arith.constant 14 : i32
      %get3A_1255 = arith.index_cast %get3A_1254 : i32 to index
      %get3A_1256 = arith.constant 32 : index
      %get3A_1257 = tpu.vector_load %arg12[%get3A_1255, %get3A_1256] {strides = array<i32>} : memref<16x128xi32, #tpu.memory_space<vmem>>, vector<16xi32>,
      tpu.vector_store_idx %arg10[%get3A_1257], %broadcast_in_dim3A_5 {add = true} : memref<10112xf32, #tpu.memory_space<vmem>>[vector<16xi32>], vector<16xf32>,
      %get3A_1258 = arith.constant 14 : i32
      %get3A_1259 = arith.index_cast %get3A_1258 : i32 to index
      %get3A_1260 = arith.constant 48 : index
      %get3A_1261 = tpu.vector_load %arg12[%get3A_1259, %get3A_1260] {strides = array<i32>} : memref<16x128xi32, #tpu.memory_space<vmem>>, vector<16xi32>,
      tpu.vector_store_idx %arg10[%get3A_1261], %broadcast_in_dim3A_5 {add = true} : memref<10112xf32, #tpu.memory_space<vmem>>[vector<16xi32>], vector<16xf32>,
      %get3A_1262 = arith.constant 14 : i32
      %get3A_1263 = arith.index_cast %get3A_1262 : i32 to index
      %get3A_1264 = arith.constant 64 : index
      %get3A_1265 = tpu.vector_load %arg12[%get3A_1263, %get3A_1264] {strides = array<i32>} : memref<16x128xi32, #tpu.memory_space<vmem>>, vector<16xi32>,
      tpu.vector_store_idx %arg10[%get3A_1265], %broadcast_in_dim3A_5 {add = true} : memref<10112xf32, #tpu.memory_space<vmem>>[vector<16xi32>], vector<16xf32>,
      %get3A_1266 = arith.constant 14 : i32
      %get3A_1267 = arith.index_cast %get3A_1266 : i32 to index
      %get3A_1268 = arith.constant 80 : index
      %get3A_1269 = tpu.vector_load %arg12[%get3A_1267, %get3A_1268] {strides = array<i32>} : memref<16x128xi32, #tpu.memory_space<vmem>>, vector<16xi32>,
      tpu.vector_store_idx %arg10[%get3A_1269], %broadcast_in_dim3A_5 {add = true} : memref<10112xf32, #tpu.memory_space<vmem>>[vector<16xi32>], vector<16xf32>,
      %get3A_1270 = arith.constant 14 : i32
      %get3A_1271 = arith.index_cast %get3A_1270 : i32 to index
      %get3A_1272 = arith.constant 96 : index
      %get3A_1273 = tpu.vector_load %arg12[%get3A_1271, %get3A_1272] {strides = array<i32>} : memref<16x128xi32, #tpu.memory_space<vmem>>, vector<16xi32>,
      tpu.vector_store_idx %arg10[%get3A_1273], %broadcast_in_dim3A_5 {add = true} : memref<10112xf32, #tpu.memory_space<vmem>>[vector<16xi32>], vector<16xf32>,
      %get3A_1274 = arith.constant 14 : i32
      %get3A_1275 = arith.index_cast %get3A_1274 : i32 to index
      %get3A_1276 = arith.constant 112 : index
      %get3A_1277 = tpu.vector_load %arg12[%get3A_1275, %get3A_1276] {strides = array<i32>} : memref<16x128xi32, #tpu.memory_space<vmem>>, vector<16xi32>,
      tpu.vector_store_idx %arg10[%get3A_1277], %broadcast_in_dim3A_5 {add = true} : memref<10112xf32, #tpu.memory_space<vmem>>[vector<16xi32>], vector<16xf32>,
      %run_scoped3A_1278 = arith.constant 14 : i32
      "tpu.region"() ({
        %run_scoped3A_1336 = tpu.sem_alloc : memref<!tpu.dma_semaphore, #tpu.memory_space<semaphore_mem>>
        %dma_start3A_1337 = arith.constant 0 : i32
        %dma_start3A_1338 = tpu.memref_slice %arg12[%run_scoped3A_1278, %dma_start3A_1337] : memref<16x128xi32, #tpu.memory_space<vmem>> -> memref<1x128xi32, #tpu.memory_space<vmem>>
        %dma_start3A_1339 = tpu.memref_squeeze %dma_start3A_1338 : memref<1x128xi32, #tpu.memory_space<vmem>> -> memref<128xi32, #tpu.memory_space<vmem>>
        %dma_start3A_1340 = arith.constant 0 : i32
        %dma_start3A_1341 = arith.constant 0 : i32
        %dma_start3A_1342 = tpu.memref_slice %arg7[%dma_start3A_1340, %dma_start3A_1341] : memref<10112x128xf32, #tpu.memory_space<vmem_shared>> -> memref<10112x128xf32, #tpu.memory_space<vmem_shared>>
        tpu.enqueue_indirect_dma source(%arg8 : memref<128x128xf32, #tpu.memory_space<vmem>>) target(%dma_start3A_1342 : memref<10112x128xf32, #tpu.memory_space<vmem_shared>>) offsets(%dma_start3A_1339 : memref<128xi32, #tpu.memory_space<vmem>>) semaphore(%run_scoped3A_1336 : memref<!tpu.dma_semaphore, #tpu.memory_space<semaphore_mem>>) {add = true}
        %dma_wait3A_1343 = arith.constant 0 : i32
        %dma_wait3A_1344 = tpu.memref_slice %arg12[%run_scoped3A_1278, %dma_wait3A_1343] : memref<16x128xi32, #tpu.memory_space<vmem>> -> memref<1x128xi32, #tpu.memory_space<vmem>>
        %dma_wait3A_1345 = tpu.memref_squeeze %dma_wait3A_1344 : memref<1x128xi32, #tpu.memory_space<vmem>> -> memref<128xi32, #tpu.memory_space<vmem>>
        %dma_wait3A_1346 = arith.constant 0 : i32
        %dma_wait3A_1347 = arith.constant 0 : i32
        %dma_wait3A_1348 = tpu.memref_slice %arg7[%dma_wait3A_1346, %dma_wait3A_1347] : memref<10112x128xf32, #tpu.memory_space<vmem_shared>> -> memref<10112x128xf32, #tpu.memory_space<vmem_shared>>
        tpu.wait_indirect_dma semaphore(%run_scoped3A_1336 : memref<!tpu.dma_semaphore, #tpu.memory_space<semaphore_mem>>) src(%arg8 : memref<128x128xf32, #tpu.memory_space<vmem>>) dst(%dma_wait3A_1348 : memref<10112x128xf32, #tpu.memory_space<vmem_shared>>)
        tpu.yield
      }) : () -> ()
      %dma_wait3A_1279 = arith.constant 15 : i32
      %dma_wait3A_1280 = arith.constant 0 : i32
      %dma_wait3A_1281 = arith.constant 0 : i32
      %dma_wait3A_1282 = tpu.memref_slice %arg9[%dma_wait3A_1280, %dma_wait3A_1281] : memref<128x128xf32, #tpu.memory_space<vmem>> -> memref<64x128xf32, #tpu.memory_space<vmem>>
      %dma_wait3A_1283 = arith.constant 0 : i32
      %dma_wait3A_1284 = tpu.memref_slice %arg11[%dma_wait3A_1279, %dma_wait3A_1283] : memref<16x128xi32, #tpu.memory_space<vmem>> -> memref<1x128xi32, #tpu.memory_space<vmem>>
      %dma_wait3A_1285 = tpu.memref_squeeze %dma_wait3A_1284 : memref<1x128xi32, #tpu.memory_space<vmem>> -> memref<128xi32, #tpu.memory_space<vmem>>
      %dma_wait3A_1286 = arith.constant 0 : i32
      %dma_wait3A_1287 = tpu.memref_slice %dma_wait3A_1285[%dma_wait3A_1286] : memref<128xi32, #tpu.memory_space<vmem>> -> memref<64xi32, #tpu.memory_space<vmem>>
      %dma_wait3A_1288 = arith.constant 0 : i32
      %dma_wait3A_1289 = arith.constant 0 : i32
      %dma_wait3A_1290 = tpu.memref_slice %arg2[%dma_wait3A_1288, %dma_wait3A_1289] : memref<10000x128xf32, #tpu.memory_space<hbm>> -> memref<10000x128xf32, #tpu.memory_space<hbm>>
      tpu.wait_indirect_dma semaphore(%arg15 : memref<!tpu.dma_semaphore, #tpu.memory_space<semaphore_mem>>) src(%dma_wait3A_1290 : memref<10000x128xf32, #tpu.memory_space<hbm>>) dst(%dma_wait3A_1282 : memref<64x128xf32, #tpu.memory_space<vmem>>)
      %dma_wait3A_1291 = arith.constant 15 : i32
      %dma_wait3A_1292 = arith.constant 64 : i32
      %dma_wait3A_1293 = arith.constant 0 : i32
      %dma_wait3A_1294 = tpu.memref_slice %arg9[%dma_wait3A_1292, %dma_wait3A_1293] : memref<128x128xf32, #tpu.memory_space<vmem>> -> memref<64x128xf32, #tpu.memory_space<vmem>>
      %dma_wait3A_1295 = arith.constant 0 : i32
      %dma_wait3A_1296 = tpu.memref_slice %arg11[%dma_wait3A_1291, %dma_wait3A_1295] : memref<16x128xi32, #tpu.memory_space<vmem>> -> memref<1x128xi32, #tpu.memory_space<vmem>>
      %dma_wait3A_1297 = tpu.memref_squeeze %dma_wait3A_1296 : memref<1x128xi32, #tpu.memory_space<vmem>> -> memref<128xi32, #tpu.memory_space<vmem>>
      %dma_wait3A_1298 = arith.constant 64 : i32
      %dma_wait3A_1299 = tpu.memref_slice %dma_wait3A_1297[%dma_wait3A_1298] : memref<128xi32, #tpu.memory_space<vmem>> -> memref<64xi32, #tpu.memory_space<vmem>>
      %dma_wait3A_1300 = arith.constant 0 : i32
      %dma_wait3A_1301 = arith.constant 0 : i32
      %dma_wait3A_1302 = tpu.memref_slice %arg2[%dma_wait3A_1300, %dma_wait3A_1301] : memref<10000x128xf32, #tpu.memory_space<hbm>> -> memref<10000x128xf32, #tpu.memory_space<hbm>>
      tpu.wait_indirect_dma semaphore(%arg16 : memref<!tpu.dma_semaphore, #tpu.memory_space<semaphore_mem>>) src(%dma_wait3A_1302 : memref<10000x128xf32, #tpu.memory_space<hbm>>) dst(%dma_wait3A_1294 : memref<64x128xf32, #tpu.memory_space<vmem>>)
      %get3A_1303 = arith.constant 15 : i32
      %get3A_1304 = arith.index_cast %get3A_1303 : i32 to index
      %get3A_1305 = arith.constant 0 : index
      %get3A_1306 = tpu.vector_load %arg12[%get3A_1304, %get3A_1305] {strides = array<i32>} : memref<16x128xi32, #tpu.memory_space<vmem>>, vector<16xi32>,
      tpu.vector_store_idx %arg10[%get3A_1306], %broadcast_in_dim3A_5 {add = true} : memref<10112xf32, #tpu.memory_space<vmem>>[vector<16xi32>], vector<16xf32>,
      %get3A_1307 = arith.constant 15 : i32
      %get3A_1308 = arith.index_cast %get3A_1307 : i32 to index
      %get3A_1309 = arith.constant 16 : index
      %get3A_1310 = tpu.vector_load %arg12[%get3A_1308, %get3A_1309] {strides = array<i32>} : memref<16x128xi32, #tpu.memory_space<vmem>>, vector<16xi32>,
      tpu.vector_store_idx %arg10[%get3A_1310], %broadcast_in_dim3A_5 {add = true} : memref<10112xf32, #tpu.memory_space<vmem>>[vector<16xi32>], vector<16xf32>,
      %get3A_1311 = arith.constant 15 : i32
      %get3A_1312 = arith.index_cast %get3A_1311 : i32 to index
      %get3A_1313 = arith.constant 32 : index
      %get3A_1314 = tpu.vector_load %arg12[%get3A_1312, %get3A_1313] {strides = array<i32>} : memref<16x128xi32, #tpu.memory_space<vmem>>, vector<16xi32>,
      tpu.vector_store_idx %arg10[%get3A_1314], %broadcast_in_dim3A_5 {add = true} : memref<10112xf32, #tpu.memory_space<vmem>>[vector<16xi32>], vector<16xf32>,
      %get3A_1315 = arith.constant 15 : i32
      %get3A_1316 = arith.index_cast %get3A_1315 : i32 to index
      %get3A_1317 = arith.constant 48 : index
      %get3A_1318 = tpu.vector_load %arg12[%get3A_1316, %get3A_1317] {strides = array<i32>} : memref<16x128xi32, #tpu.memory_space<vmem>>, vector<16xi32>,
      tpu.vector_store_idx %arg10[%get3A_1318], %broadcast_in_dim3A_5 {add = true} : memref<10112xf32, #tpu.memory_space<vmem>>[vector<16xi32>], vector<16xf32>,
      %get3A_1319 = arith.constant 15 : i32
      %get3A_1320 = arith.index_cast %get3A_1319 : i32 to index
      %get3A_1321 = arith.constant 64 : index
      %get3A_1322 = tpu.vector_load %arg12[%get3A_1320, %get3A_1321] {strides = array<i32>} : memref<16x128xi32, #tpu.memory_space<vmem>>, vector<16xi32>,
      tpu.vector_store_idx %arg10[%get3A_1322], %broadcast_in_dim3A_5 {add = true} : memref<10112xf32, #tpu.memory_space<vmem>>[vector<16xi32>], vector<16xf32>,
      %get3A_1323 = arith.constant 15 : i32
      %get3A_1324 = arith.index_cast %get3A_1323 : i32 to index
      %get3A_1325 = arith.constant 80 : index
      %get3A_1326 = tpu.vector_load %arg12[%get3A_1324, %get3A_1325] {strides = array<i32>} : memref<16x128xi32, #tpu.memory_space<vmem>>, vector<16xi32>,
      tpu.vector_store_idx %arg10[%get3A_1326], %broadcast_in_dim3A_5 {add = true} : memref<10112xf32, #tpu.memory_space<vmem>>[vector<16xi32>], vector<16xf32>,
      %get3A_1327 = arith.constant 15 : i32
      %get3A_1328 = arith.index_cast %get3A_1327 : i32 to index
      %get3A_1329 = arith.constant 96 : index
      %get3A_1330 = tpu.vector_load %arg12[%get3A_1328, %get3A_1329] {strides = array<i32>} : memref<16x128xi32, #tpu.memory_space<vmem>>, vector<16xi32>,
      tpu.vector_store_idx %arg10[%get3A_1330], %broadcast_in_dim3A_5 {add = true} : memref<10112xf32, #tpu.memory_space<vmem>>[vector<16xi32>], vector<16xf32>,
      %get3A_1331 = arith.constant 15 : i32
      %get3A_1332 = arith.index_cast %get3A_1331 : i32 to index
      %get3A_1333 = arith.constant 112 : index
      %get3A_1334 = tpu.vector_load %arg12[%get3A_1332, %get3A_1333] {strides = array<i32>} : memref<16x128xi32, #tpu.memory_space<vmem>>, vector<16xi32>,
      tpu.vector_store_idx %arg10[%get3A_1334], %broadcast_in_dim3A_5 {add = true} : memref<10112xf32, #tpu.memory_space<vmem>>[vector<16xi32>], vector<16xf32>,
      %run_scoped3A_1335 = arith.constant 15 : i32
      "tpu.region"() ({
        %run_scoped3A_1336 = tpu.sem_alloc : memref<!tpu.dma_semaphore, #tpu.memory_space<semaphore_mem>>
        %dma_start3A_1337 = arith.constant 0 : i32
        %dma_start3A_1338 = tpu.memref_slice %arg12[%run_scoped3A_1335, %dma_start3A_1337] : memref<16x128xi32, #tpu.memory_space<vmem>> -> memref<1x128xi32, #tpu.memory_space<vmem>>
        %dma_start3A_1339 = tpu.memref_squeeze %dma_start3A_1338 : memref<1x128xi32, #tpu.memory_space<vmem>> -> memref<128xi32, #tpu.memory_space<vmem>>
        %dma_start3A_1340 = arith.constant 0 : i32
        %dma_start3A_1341 = arith.constant 0 : i32
        %dma_start3A_1342 = tpu.memref_slice %arg7[%dma_start3A_1340, %dma_start3A_1341] : memref<10112x128xf32, #tpu.memory_space<vmem_shared>> -> memref<10112x128xf32, #tpu.memory_space<vmem_shared>>
        tpu.enqueue_indirect_dma source(%arg9 : memref<128x128xf32, #tpu.memory_space<vmem>>) target(%dma_start3A_1342 : memref<10112x128xf32, #tpu.memory_space<vmem_shared>>) offsets(%dma_start3A_1339 : memref<128xi32, #tpu.memory_space<vmem>>) semaphore(%run_scoped3A_1336 : memref<!tpu.dma_semaphore, #tpu.memory_space<semaphore_mem>>) {add = true}
        %dma_wait3A_1343 = arith.constant 0 : i32
        %dma_wait3A_1344 = tpu.memref_slice %arg12[%run_scoped3A_1335, %dma_wait3A_1343] : memref<16x128xi32, #tpu.memory_space<vmem>> -> memref<1x128xi32, #tpu.memory_space<vmem>>
        %dma_wait3A_1345 = tpu.memref_squeeze %dma_wait3A_1344 : memref<1x128xi32, #tpu.memory_space<vmem>> -> memref<128xi32, #tpu.memory_space<vmem>>
        %dma_wait3A_1346 = arith.constant 0 : i32
        %dma_wait3A_1347 = arith.constant 0 : i32
        %dma_wait3A_1348 = tpu.memref_slice %arg7[%dma_wait3A_1346, %dma_wait3A_1347] : memref<10112x128xf32, #tpu.memory_space<vmem_shared>> -> memref<10112x128xf32, #tpu.memory_space<vmem_shared>>
        tpu.wait_indirect_dma semaphore(%run_scoped3A_1336 : memref<!tpu.dma_semaphore, #tpu.memory_space<semaphore_mem>>) src(%arg9 : memref<128x128xf32, #tpu.memory_space<vmem>>) dst(%dma_wait3A_1348 : memref<10112x128xf32, #tpu.memory_space<vmem_shared>>)
        tpu.yield
      }) : () -> ()
    }
    %scan3A_26 = arith.constant 5 : i32
    %barrier3A_27 = arith.constant 0 : index
    tpu.barrier barrier_id(%barrier3A_27)
    %scan3A_28 = arith.constant 0 : i32
    %scan3A_29 = arith.constant 4 : i32
    %scan3A_30 = arith.addi %scan3A_28, %scan3A_29 : i32
    %scan3A_31 = arith.constant 1 : i32
    scf.for %scan3A_35 = %scan3A_28 to %scan3A_30 step %scan3A_31  : i32 {
      %mul3A_36 = arith.constant 1 : i32
      %mul3A_37 = arith.muli %scan3A_35, %mul3A_36 : i32
      %add3A_38 = arith.constant 0 : i32
      %add3A_39 = arith.addi %add3A_38, %mul3A_37 : i32
      %mul3A_40 = arith.constant 128 : i32
      %mul3A_41 = arith.muli %add3A_39, %mul3A_40 : i32
      %add3A_42 = arith.addi %mul3A_2, %mul3A_41 : i32
      "tpu.region"() ({
        %run_scoped3A = tpu.sem_alloc : memref<!tpu.dma_semaphore, #tpu.memory_space<semaphore_mem>>
        %dma_start3A = arith.constant 0 : i32
        %dma_start3A_43 = tpu.memref_slice %arg5[%arg0, %add3A_42, %dma_start3A] : memref<2x10112x128xf32, #tpu.memory_space<hbm>> -> memref<1x128x128xf32, #tpu.memory_space<hbm>>
        %dma_start3A_44 = tpu.memref_squeeze %dma_start3A_43 : memref<1x128x128xf32, #tpu.memory_space<hbm>> -> memref<128x128xf32, #tpu.memory_space<hbm>>
        %dma_start3A_45 = arith.constant 0 : i32
        %dma_start3A_46 = tpu.memref_slice %arg7[%add3A_42, %dma_start3A_45] : memref<10112x128xf32, #tpu.memory_space<vmem_shared>> -> memref<128x128xf32, #tpu.memory_space<vmem_shared>>
        tpu.enqueue_dma source(%dma_start3A_46 : memref<128x128xf32, #tpu.memory_space<vmem_shared>>) target(%dma_start3A_44 : memref<128x128xf32, #tpu.memory_space<hbm>>) target_semaphore(%run_scoped3A : memref<!tpu.dma_semaphore, #tpu.memory_space<semaphore_mem>>)
        %dma_wait3A = arith.constant 0 : i32
        %dma_wait3A_47 = tpu.memref_slice %arg5[%arg0, %add3A_42, %dma_wait3A] : memref<2x10112x128xf32, #tpu.memory_space<hbm>> -> memref<1x128x128xf32, #tpu.memory_space<hbm>>
        %dma_wait3A_48 = tpu.memref_squeeze %dma_wait3A_47 : memref<1x128x128xf32, #tpu.memory_space<hbm>> -> memref<128x128xf32, #tpu.memory_space<hbm>>
        %dma_wait3A_49 = arith.constant 0 : i32
        %dma_wait3A_50 = tpu.memref_slice %arg7[%add3A_42, %dma_wait3A_49] : memref<10112x128xf32, #tpu.memory_space<vmem_shared>> -> memref<128x128xf32, #tpu.memory_space<vmem_shared>>
        tpu.wait_dma2 semaphore(%run_scoped3A : memref<!tpu.dma_semaphore, #tpu.memory_space<semaphore_mem>>) src(%dma_wait3A_50 : memref<128x128xf32, #tpu.memory_space<vmem_shared>>) dst(%dma_wait3A_48 : memref<128x128xf32, #tpu.memory_space<hbm>>)
        tpu.yield
      }) : () -> ()
    }
    %scan3A_32 = arith.constant 4 : i32
    %add3A_33 = arith.constant 512 : i32
    %add3A_34 = arith.addi %mul3A_2, %add3A_33 : i32
    "tpu.region"() ({
      %run_scoped3A = tpu.sem_alloc : memref<!tpu.dma_semaphore, #tpu.memory_space<semaphore_mem>>
      %dma_start3A = arith.constant 0 : i32
      %dma_start3A_35 = tpu.memref_slice %arg5[%arg0, %add3A_34, %dma_start3A] : memref<2x10112x128xf32, #tpu.memory_space<hbm>> -> memref<1x120x128xf32, #tpu.memory_space<hbm>>
      %dma_start3A_36 = tpu.memref_squeeze %dma_start3A_35 : memref<1x120x128xf32, #tpu.memory_space<hbm>> -> memref<120x128xf32, #tpu.memory_space<hbm>>
      %dma_start3A_37 = arith.constant 0 : i32
      %dma_start3A_38 = tpu.memref_slice %arg7[%add3A_34, %dma_start3A_37] : memref<10112x128xf32, #tpu.memory_space<vmem_shared>> -> memref<120x128xf32, #tpu.memory_space<vmem_shared>>
      tpu.enqueue_dma source(%dma_start3A_38 : memref<120x128xf32, #tpu.memory_space<vmem_shared>>) target(%dma_start3A_36 : memref<120x128xf32, #tpu.memory_space<hbm>>) target_semaphore(%run_scoped3A : memref<!tpu.dma_semaphore, #tpu.memory_space<semaphore_mem>>)
      %dma_wait3A = arith.constant 0 : i32
      %dma_wait3A_39 = tpu.memref_slice %arg5[%arg0, %add3A_34, %dma_wait3A] : memref<2x10112x128xf32, #tpu.memory_space<hbm>> -> memref<1x120x128xf32, #tpu.memory_space<hbm>>
      %dma_wait3A_40 = tpu.memref_squeeze %dma_wait3A_39 : memref<1x120x128xf32, #tpu.memory_space<hbm>> -> memref<120x128xf32, #tpu.memory_space<hbm>>
      %dma_wait3A_41 = arith.constant 0 : i32
      %dma_wait3A_42 = tpu.memref_slice %arg7[%add3A_34, %dma_wait3A_41] : memref<10112x128xf32, #tpu.memory_space<vmem_shared>> -> memref<120x128xf32, #tpu.memory_space<vmem_shared>>
      tpu.wait_dma2 semaphore(%run_scoped3A : memref<!tpu.dma_semaphore, #tpu.memory_space<semaphore_mem>>) src(%dma_wait3A_42 : memref<120x128xf32, #tpu.memory_space<vmem_shared>>) dst(%dma_wait3A_40 : memref<120x128xf32, #tpu.memory_space<hbm>>)
      tpu.yield
    }) : () -> ()
    "tpu.region"() ({
      %run_scoped3A = tpu.sem_alloc : memref<!tpu.dma_semaphore, #tpu.memory_space<semaphore_mem>>
      %dma_start3A = arith.constant 0 : i32
      %dma_start3A_35 = tpu.memref_slice %arg6[%add3A, %dma_start3A] : memref<32x10112xf32, #tpu.memory_space<hbm>> -> memref<1x10112xf32, #tpu.memory_space<hbm>>
      %dma_start3A_36 = tpu.memref_squeeze %dma_start3A_35 : memref<1x10112xf32, #tpu.memory_space<hbm>> -> memref<10112xf32, #tpu.memory_space<hbm>>
      %dma_start3A_37 = arith.constant 0 : i32
      %dma_start3A_38 = tpu.memref_slice %arg6[%add3A, %dma_start3A_37] : memref<32x10112xf32, #tpu.memory_space<hbm>> -> memref<1x10112xf32, #tpu.memory_space<hbm>>
      %dma_start3A_39 = tpu.memref_squeeze %dma_start3A_38 : memref<1x10112xf32, #tpu.memory_space<hbm>> -> memref<10112xf32, #tpu.memory_space<hbm>>
      tpu.enqueue_dma source(%arg10 : memref<10112xf32, #tpu.memory_space<vmem>>) target(%dma_start3A_39 : memref<10112xf32, #tpu.memory_space<hbm>>) target_semaphore(%run_scoped3A : memref<!tpu.dma_semaphore, #tpu.memory_space<semaphore_mem>>)
      %dma_wait3A = arith.constant 0 : i32
      %dma_wait3A_40 = tpu.memref_slice %arg6[%add3A, %dma_wait3A] : memref<32x10112xf32, #tpu.memory_space<hbm>> -> memref<1x10112xf32, #tpu.memory_space<hbm>>
      %dma_wait3A_41 = tpu.memref_squeeze %dma_wait3A_40 : memref<1x10112xf32, #tpu.memory_space<hbm>> -> memref<10112xf32, #tpu.memory_space<hbm>>
      %dma_wait3A_42 = arith.constant 0 : i32
      %dma_wait3A_43 = tpu.memref_slice %arg6[%add3A, %dma_wait3A_42] : memref<32x10112xf32, #tpu.memory_space<hbm>> -> memref<1x10112xf32, #tpu.memory_space<hbm>>
      %dma_wait3A_44 = tpu.memref_squeeze %dma_wait3A_43 : memref<1x10112xf32, #tpu.memory_space<hbm>> -> memref<10112xf32, #tpu.memory_space<hbm>>
      tpu.wait_dma2 semaphore(%run_scoped3A : memref<!tpu.dma_semaphore, #tpu.memory_space<semaphore_mem>>) src(%arg10 : memref<10112xf32, #tpu.memory_space<vmem>>) dst(%dma_wait3A_44 : memref<10112xf32, #tpu.memory_space<hbm>>)
      tpu.yield
    }) : () -> ()
    return
  }
}

</mosaic_0001>

<sc_bundles>
// kernel: _sc_accumulate.3.cloned.1.call-start
scs
__scs_entry_jumppad:
0x0: {  	(pc) =	sbr.rel $0x88, $3  }
0x1: {  	(tag) =	ssettag $0x0;
	lr =	simm.s32 $0x1  }
0x2: {  	[smem:$0x3F9E] =	sst lr;
	_ =	strace $0xD0000000  }
0x3: {  	_ = 	snop  }
0x4: {  	_ = 	snop  }
0x5: {  	_ = 	snop  }
0x6: {  	_ = 	snop  }
0x7: {  	_ = 	snop  }
__scs_overlays_trampoline_lowered:
0x8: {  	[smem:$0x3FAD] =	sst s0  }
0x9: {  	[smem:$0x3FAE] =	sst s1  }
0xa: {  	[smem:$0x3FAF] =	sst s2  }
0xb: {  	[smem:$0x3FB0] =	sst s3  }
0xc: {  	[smem:$0x3FB1] =	sst s4  }
0xd: {  	[smem:$0x3FB2] =	sst s5  }
0xe: {  	[smem:$0x3FB3] =	sst s6  }
0xf: {  	[smem:$0x3FB4] =	sst s7  }
0x10: {  	[smem:$0x3FB5] =	sst s8  }
0x11: {  	[smem:$0x3FB6] =	sst s9;
	s0 =	simm.s32 @!p0 $0x0  }
0x12: {  	s1 =	sld [smem:$0x3F9C];
	s0 =	simm.s32 @p0 $0x1  }
0x13: {  	[smem:$0x3FB7] =	sst s0;
	s0 =	simm.s32 @!p1 $0x0  }
0x14: {  	s2 =	sld [smem:$0x3F9B];
	s0 =	simm.s32 @p1 $0x1  }
0x15: {  	[smem:$0x3FB8] =	sst s0;
	s0 =	simm.s32 @!p2 $0x0  }
0x16: {  	s3 =	sld [smem:$0x3FDB];
	s0 =	simm.s32 @p2 $0x1  }
0x17: {  	s4 =	simm.s32 $0x1BF5;
	[smem:$0x3FBA] =	sst s0  }
0x18: {  	s0 =	sld [smem:$0x3F9D];
	_ =	swait.ge [sflag:s4], $0x0  }
0x19: {  	s7 =	sld [smem:$0x3F9E]  }
0x1a: {  	s8 =	sadd.s32 $0xFFFFE003, lr  }
0x1b: {  	s9 =	sadd.s32 $0xFFFFFEF7, lr;
	s5 =	simm.s32 $0xFFFFFFFF;
	p2 =	slt.u32 s8, $0xFFFFF086  }
0x1c: {  	p1 =	slt.u32 s9, $0xF7A;
	s5 =	simm.s32 @!p2 $0x0  }
0x1d: {  	s5 =	simm.s32 @p1 $0x1;
	p0 =	seq.s32 s7, s2  }
0x1e: {  	s7 =	smul.u32 @!p0 $0xF7A, s2;
	p2 =	seq.s32 @!p0 s5, $0x0  }
0x1f: {  	s9 =	smul.u32 $0xF7A, s1;
	s8 =	simm.s32 @!p0 $0x1BF5;
	p2 =	por !p2, p0  }
0x20: {  	[sflag:s8] =	ssyncset.s32 @!p0 $0xFFFFF086;
	s6 =	sadd.s32 @!p0 s3, s7;
	s7 =	simm.s32 @!p0 $0x108  }
0x21: {  	s3 =	sadd.s32 s3, s9;
	s6 =	sadd.s32 @!p0 $0x88, s6;
	s7 =	simm.s32 @p2 $0x1082  }
0x22: {  	[simem:s7], [sflag:s8] =	dma.local @!p0 [hbm:s6], $0xF7A  }
0x23: {  	s9 =	sor.u32 $0xD0000000, s2;
	s6 =	simm.s32 $0x108;
	_ =	swait.ge @!p0 [sflag:s8], $0x0  }
0x24: {  	s3 =	sadd.s32 $0x88, s3;
	s6 =	simm.s32 @!p1 $0x1082;
	[sflag:s4] =	ssyncset.s32 $0xFFFFF086  }
0x25: {  	[simem:s6], [sflag:s4] =	dma.local [hbm:s3], $0xF7A  }
0x26: {  	[smem:$0x3F9E] =	sst s1;
	(tag) =	ssettag s2;
	_ =	strace s9  }
0x27: {  	s1 =	sld [smem:$0x3FAE]  }
0x28: {  	s2 =	sld [smem:$0x3FAF]  }
0x29: {  	s4 =	sld [smem:$0x3FB1]  }
0x2a: {  	p0 =	seq.s32 s5, $0x0;
	s5 =	sld [smem:$0x3FB2]  }
0x2b: {  	s6 =	sld [smem:$0x3FB3]  }
0x2c: {  	s7 =	sld [smem:$0x3FB4]  }
0x2d: {  	s3 =	simm.s32 $0x108;
	s8 =	sld [smem:$0x3FB5]  }
0x2e: {  	s3 =	simm.s32 @!p0 $0x1082;
	s9 =	sld [smem:$0x3FB6]  }
0x2f: {  	lr =	sadd.s32 s0, s3;
	s0 =	sld [smem:$0x3FAD]  }
0x30: {  	s3 =	sld [smem:$0x3FB0]  }
0x31: {  	[smem:$0x3FB9] =	sst s10  }
0x32: {  	s10 =	sld [smem:$0x3FB7];
	_ =	sdelay $0x3  }
0x33: {  	p0 =	seq.s32 s10, $0x1;
	s10 =	sld [smem:$0x3FB9];
	_ =	sdelay $0x3  }
0x34: {  	[smem:$0x3FB9] =	sst s10  }
0x35: {  	s10 =	sld [smem:$0x3FB8];
	_ =	sdelay $0x3  }
0x36: {  	p1 =	seq.s32 s10, $0x1;
	s10 =	sld [smem:$0x3FB9];
	_ =	sdelay $0x3  }
0x37: {  	[smem:$0x3FB9] =	sst s10  }
0x38: {  	s10 =	sld [smem:$0x3FBA]  }
0x39: {  	_ = 	snop;
	(pc) =	sbr.ind lr, $3  }
0x3a: {  	_ = 	snop  }
0x3b: {  	_ = 	snop  }
0x3c: {  	p2 =	seq.s32 s10, $0x1;
	s10 =	sld [smem:$0x3FB9]  }
0x3d: {  	_ =	shalt  }
0x3e: {  	_ =	shalt  }
0x3f: {  	_ =	shalt  }
0x40: {  	_ =	shalt  }
0x41: {  	_ =	shalt  }
0x42: {  	_ =	shalt  }
0x43: {  	_ =	shalt  }
0x44: {  	_ =	shalt  }
0x45: {  	_ =	shalt  }
0x46: {  	_ =	shalt  }
0x47: {  	_ =	shalt  }
0x48: {  	_ =	shalt  }
0x49: {  	_ =	shalt  }
0x4a: {  	_ =	shalt  }
0x4b: {  	_ =	shalt  }
0x4c: {  	_ =	shalt  }
0x4d: {  	_ =	shalt  }
0x4e: {  	_ =	shalt  }
0x4f: {  	_ =	shalt  }
0x50: {  	_ =	shalt  }
0x51: {  	_ =	shalt  }
0x52: {  	_ =	shalt  }
0x53: {  	_ =	shalt  }
0x54: {  	_ =	shalt  }
0x55: {  	_ =	shalt  }
0x56: {  	_ =	shalt  }
0x57: {  	_ =	shalt  }
0x58: {  	_ =	shalt  }
0x59: {  	_ =	shalt  }
0x5a: {  	_ =	shalt  }
0x5b: {  	_ =	shalt  }
0x5c: {  	_ =	shalt  }
0x5d: {  	_ =	shalt  }
0x5e: {  	_ =	shalt  }
0x5f: {  	_ =	shalt  }
0x60: {  	_ =	shalt  }
0x61: {  	_ =	shalt  }
0x62: {  	_ =	shalt  }
0x63: {  	_ =	shalt  }
0x64: {  	_ =	shalt  }
0x65: {  	_ =	shalt  }
0x66: {  	_ =	shalt  }
0x67: {  	_ =	shalt  }
0x68: {  	_ =	shalt  }
0x69: {  	_ =	shalt  }
0x6a: {  	_ =	shalt  }
0x6b: {  	_ =	shalt  }
0x6c: {  	_ =	shalt  }
0x6d: {  	_ =	shalt  }
0x6e: {  	_ =	shalt  }
0x6f: {  	_ =	shalt  }
0x70: {  	_ =	shalt  }
0x71: {  	_ =	shalt  }
0x72: {  	_ =	shalt  }
0x73: {  	_ =	shalt  }
0x74: {  	_ =	shalt  }
0x75: {  	_ =	shalt  }
0x76: {  	_ =	shalt  }
0x77: {  	_ =	shalt  }
0x78: {  	_ =	shalt  }
0x79: {  	_ =	shalt  }
0x7a: {  	_ =	shalt  }
0x7b: {  	_ =	shalt  }
0x7c: {  	_ =	shalt  }
0x7d: {  	_ =	shalt  }
0x7e: {  	_ =	shalt  }
0x7f: {  	_ =	shalt  }
0x80: {  	_ =	shalt  }
0x81: {  	_ =	shalt  }
0x82: {  	_ =	shalt  }
0x83: {  	_ =	shalt  }
0x84: {  	_ =	shalt  }
0x85: {  	_ =	shalt  }
0x86: {  	_ =	shalt  }
0x87: {  	_ =	shalt  }
.Lfunc_end0:
.L_simem_size_0:
called_computation_lowered:
.L_overlay_start_0:
0x88: {  	s2 =	sld [smem:$0x3FD9]  }
0x89: {  	s3 =	sld [smem:$0x3FFE];
	_ =	sdelay $0x1  }
0x8a: {  	s1 =	srdreg.scid  }
0x8b: {  	s0 =	sand.u32 $0x1, s1  }
0x8c: {  	s15 =	sshll.u32 s0, $0xA;
	s2 =	sadd.s32 s3, s2  }
0x8d: {  	s2 =	sadd.s32 s2, s15  }
0x8e: {  	[smem:$0x3FC5] =	sst s2  }
0x8f: {  	_ = 	snop  }
0x90: {  	s2 =	sld [smem:$0x3FD0]  }
0x91: {  	s16 =	sld [smem:$0x3FC9]  }
0x92: {  	s4 =	sld [smem:$0x3FC8]  }
0x93: {  	s6 =	simm.s32 $0xA;
	s7 =	simm.s32 $0x10;
	s5 =	sld [smem:$0x3FC7]  }
0x94: {  	[smem:s7], [sflag:s6] =	dma.local [hbm:s2], $0x1  }
0x95: {  	_ =	swait.eq [sflag:s6], $0x1  }
0x96: {  	[sflag:s6] =	ssyncset.done $0x0  }
0x97: {  	s17 =	sld [smem:$0x10];
	[sflag:s6] =	ssyncadd.s32 $0xFFFFFFFF  }
0x98: {  	s18 =	sld [smem:$0x11];
	(tm) =	ssettm $0x1  }
0x99: {  	s19 =	sld [smem:$0x3FFB];
	_ =	sdelay $0x3  }
0x9a: {  	_ =	strace s19  }
0x9b: {  	s7 =	sld [smem:$0x3FFC];
	_ =	sdelay $0x3  }
0x9c: {  	_ =	strace s7  }
0x9d: {  	s7 =	sld [smem:$0x3FFD];
	_ =	sdelay $0x3  }
0x9e: {  	_ =	strace s7  }
0x9f: {  	_ =	strace $0x8FFFFFFF  }
0xa0: {  	s20 =	sld [smem:$0x3FDB];
	_ =	sdelay $0x1  }
0xa1: {  	s8 =	simm.s32 $_scs_section_size  }
0xa2: {  	s9 =	simm.s32 $_size__tile_overlayer_lowered;
	s10 =	simm.s32 $_tile_overlayer_lowered  }
0xa3: {  	s23 =	simm.s32 $0x1BFF;
	s22 =	sshll.u32 s10, $0x1;
	s7 =	sadd.s32 s8, s20  }
0xa4: {  	s11 =	simm.s32 $0x0;
	s21 =	sshll.u32 s9, $0x1;
	s9 =	sadd.s32 s22, s7  }
0xa5: {  	[timem:s11], [sflag:s23] =	dma.local [hbm:s9], s21  }
0xa6: {  	_ =	swait.ge [sflag:s23], s21  }
0xa7: {  	s8 =	ssub.s32 $0x0, s21;
	[sflag:s23] =	ssyncset.done $0x0  }
0xa8: {  	[sflag:s23] =	ssyncadd.s32 s8;
	_ =	sdelay $0x1  }
0xa9: {  	s24 =	simm.s32 $0x1B8B  }
0xaa: {  	_ =	swait.ge [sflag:s24], $0x1  }
0xab: {  	[sflag:s24] =	ssyncset.done $0x0  }
0xac: {  	s25 =	simm.s32 $0x1B8E;
	[sflag:s24] =	ssyncadd.s32 $0xFFFFFFFF  }
0xad: {  	s26 =	simm.s32 $execute0_lowered;
	[smem:$0x3FD2] =	sst s25  }
0xae: {  	s8 =	sshll.u32 s26, $0x1;
	_ =	strace $0x80000046;
	[dreg:$0x1] =	wrdreg $0xFFFFFFFF  }
0xaf: {  	s28 =	simm.s32 $_size_execute0_lowered;
	s7 =	sadd.s32 s7, s8;
	[dreg:$0x0] =	wrdreg $0x0  }
0xb0: {  	s8 =	sshll.u32 s28, $0x1;
	[dreg:$0x2] =	wrdreg s7  }
0xb1: {  	[dreg:$0x3] =	wrdreg s8  }
0xb2: {  	[dreg:$0x4] =	wrdreg $0xC0  }
0xb3: {  	_ =	task [dreg:s11], $0x5FFFF  }
0xb4: {  	[dreg:$0x1] =	wrdreg $0xFFFFFFFF  }
0xb5: {  	[dreg:$0x0] =	wrdreg $0x60  }
0xb6: {  	[dreg:$0x2] =	wrdreg s16  }
0xb7: {  	[dreg:$0x3] =	wrdreg s4  }
0xb8: {  	[dreg:$0x4] =	wrdreg s5  }
0xb9: {  	[dreg:$0x5] =	wrdreg s17  }
0xba: {  	[dreg:$0x6] =	wrdreg s18  }
0xbb: {  	[dreg:$0x7] =	wrdreg $0x0  }
0xbc: {  	[dreg:$0x8] =	wrdreg $0x9  }
0xbd: {  	_ =	task.clear_ibuf [dreg:s11], $0x9FFFF;
	_ =	strace $0x90000046  }
0xbe: {  	s29 =	simm.s32 $0x9;
	_ =	strace $0x80000048  }
0xbf: {  	_ =	swait.ge [sflag:s29], $0x1  }
0xc0: {  	[sflag:s29] =	ssyncadd.s32 $0xFFFFFFFF  }
0xc1: {  	_ =	strace $0x90000048  }
0xc2: {  	_ =	sfence  }
0xc3: {  	s30 =	sld [smem:$0x0];
	_ =	sdelay $0x2  }
0xc4: {  	s31 =	sshll.u32 s1, $0xD;
	s1 =	sshrl.u32 s1, $0x2  }
0xc5: {  	s3 =	sand.u32 $0x4000, s31;
	s1 =	sadd.s32 s1, s30  }
0xc6: {  	s0 =	sor.u32 s3, s0;
	s1 =	sshll.u32 s1, $0x11  }
0xc7: {  	s0 =	sor.u32 s1, s0  }
0xc8: {  	s0 =	sadd.s32 $0x8F2B, s0  }
0xc9: {  	[sflag:s0] =	ssyncadd.remote.s32 $0x1  }
0xca: {  	_ =	sfence.sel $0xFFFF  }
0xcb: {  	[dreg:$0x0] =	wrdreg $0xFFFFFFFF;
	(pc) =	sbr.abs _section_cstart, $3  }
0xcc: {  	[dreg:$0x1] =	wrdreg $0xFFFFFFFF  }
0xcd: {  	_ =	task.clear_ibuf [dreg:s11], $0x2FFFF;
	_ =	strace $0x9FFFFFFF  }
0xce: {  	(tm) =	ssettm $0x7FFFFFFF  }
0xcf: {  	_ =	shalt  }
tec
execute0_lowered:
.L_overlay_start_1:
0x0: {  	(tag) =	ssettag $0x1  }
0x1: {  	s0 =	rddreg [dreg:$0x0]  }
0x2: {  	s6 =	rddreg [dreg:$0x1]  }
0x3: {  	s7 =	rddreg [dreg:$0x2]  }
0x4: {  	s1 =	rddreg [dreg:$0x3]  }
0x5: {  	s8 =	rddreg [dreg:$0x4]  }
0x6: {  	s2 =	rddreg [dreg:$0x5]  }
0x7: {  	s3 =	srdreg.scid;
	s4 =	simm.s32 $0x0;
	s15 =	stileid.u32  }
0x8: {  	s24 =	simm.s32 $0x1E3C0;
	s26 =	simm.s32 $0x1E400;
	s16 =	simm.s32 $0x1E4C0  }
0x9: {  	s17 =	simm.s32 $0x1EC00;
	s19 =	simm.s32 $0x1E500;
	[smem:$0x7FF] =	sst s4  }
0xa: {  	s11 =	smul.u32 $0x2800, s15;
	_ =	strace $0x80000047;
	[dreg:$0x9] =	wrdreg s24  }
0xb: {  	s9 =	sand.u32 $0x1, s3;
	s12 =	smul.u32 $0x4F000, s15;
	[dreg:$0xa] =	wrdreg s26  }
0xc: {  	s18 =	sshll.u32 s15, $0x7;
	s3 =	ssub.s32 $0x2, s9;
	[dreg:$0xd] =	wrdreg s16  }
0xd: {  	s5 =	smul.u32 $0x28000, s9;
	s13 =	sshll.u32 s9, $0x4;
	[dreg:$0xe] =	wrdreg s17  }
0xe: {  	[dreg:$0xf] =	wrdreg s19;
	s26 =	simm.s32 $0x1E600;
	s16 =	simm.s32 $0x1EE00  }
0xf: {  	s10 =	sshrl.u32 s3, $0x1;
	s20 =	sor.u32 s15, s13;
	[dreg:$0x15] =	wrdreg s26  }
0x10: {  	s12 =	sshrl.u32 s12, $0x2;
	s13 =	simm.s32 $0x1E480;
	[dreg:$0x1a] =	wrdreg s16  }
0x11: {  	s26 =	simm.s32 $0x1EF00;
	s16 =	simm.s32 $0x1E8C0;
	[dreg:$0xc] =	wrdreg s13  }
0x12: {  	s10 =	ssub.s32 s3, s10;
	s3 =	smul.u32 $0x13C00, s15;
	[smem:$0x7EC] =	sst s26  }
0x13: {  	s5 =	sadd.s32 s11, s5;
	s13 =	simm.s32 $0x1E680;
	[smem:$0x7F2] =	sst s16  }
0x14: {  	s11 =	sand.u32 $0x380, s18;
	s15 =	simm.s32 $0x1E6C0;
	[dreg:$0x18] =	wrdreg s13  }
0x15: {  	s18 =	simm.s32 $0x1E700;
	s21 =	sshrl.u32 s5, $0x3;
	[dreg:$0x19] =	wrdreg s15  }
0x16: {  	s5 =	sadd.s32 s12, s2;
	s12 =	simm.s32 $0x1E440;
	[dreg:$0x1b] =	wrdreg s18  }
0x17: {  	s10 =	smax.u32 s10, $0x1;
	[dreg:$0xb] =	wrdreg s12  }
0x18: {  	[smem:$0x7E6] =	sst s10  }
0x19: {  	s15 =	simm.s32 $0x1E880;
	[smem:$0x7E9] =	sst s5  }
0x1a: {  	s28 =	simm.s32 $0x2;
	s18 =	simm.s32 $0x1E900;
	[smem:$0x7F1] =	sst s15  }
0x1b: {  	s29 =	simm.s32 $0x17C00;
	s14 =	sadd.s32 s21, s7;
	[smem:$0x7F5] =	sst s18  }
0x1c: {  	s30 =	simm.s32 $0x19C00;
	s6 =	sadd.s32 s21, s6;
	[dreg:$0x7] =	wrdreg s14  }
0x1d: {  	s31 =	simm.s32 $0x1BC00;
	s21 =	simm.s32 $0x1EC80;
	[dreg:$0x8] =	wrdreg s6  }
0x1e: {  	s22 =	sadd.s32 $0x10000, s3;
	s12 =	sadd.s32 $0x4000, s5;
	[dreg:$0x11] =	wrdreg s21  }
0x1f: {  	s16 =	simm.s32 $0x1F280;
	s23 =	sadd.s32 s22, s2;
	[smem:$0x7E7] =	sst s12  }
0x20: {  	s14 =	sshrl.u32 s20, $0x3;
	s20 =	simm.s32 $0x1E540;
	[smem:$0x7E2] =	sst s23  }
0x21: {  	s7 =	smul.u32 $0x13C000, s9;
	s21 =	simm.s32 $0x1EE80;
	[dreg:$0x10] =	wrdreg s20  }
0x22: {  	s17 =	sadd.s32 $0x4000, s3;
	s12 =	simm.s32 $0x1E840;
	[dreg:$0x1d] =	wrdreg s21  }
0x23: {  	s25 =	sadd.s32 s7, s22;
	s22 =	simm.s32 $0x1E580;
	[smem:$0x7EF] =	sst s12  }
0x24: {  	s18 =	simm.s32 $0x5;
	s23 =	simm.s32 $0x1E5C0;
	[dreg:$0x12] =	wrdreg s22  }
0x25: {  	s15 =	simm.s32 $0x1EB40;
	s20 =	simm.s32 $0x1E740;
	[dreg:$0x13] =	wrdreg s23  }
0x26: {  	s24 =	sadd.s32 s7, s3;
	s21 =	simm.s32 $0x1E980;
	[dreg:$0x1c] =	wrdreg s20  }
0x27: {  	s9 =	sshrl.u32 s25, $0x3;
	s25 =	simm.s32 $0x1ED00;
	[smem:$0x7F8] =	sst s21  }
0x28: {  	s19 =	sadd.s32 s7, s17;
	s23 =	simm.s32 $0x1E780;
	[dreg:$0x14] =	wrdreg s25  }
0x29: {  	s12 =	simm.s32 $0x1EAC0;
	s20 =	simm.s32 $0x1F080;
	[dreg:$0x1e] =	wrdreg s23  }
0x2a: {  	s21 =	simm.s32 $0x40;
	s9 =	sadd.s32 s1, s9;
	[smem:$0x7F7] =	sst s20  }
0x2b: {  	s25 =	sadd.s32 $0x8000, s3;
	s23 =	simm.s32 $0x1F100;
	[smem:$0x7E3] =	sst s9  }
0x2c: {  	s9 =	smul.u32 $0x13C00, s14;
	s14 =	sadd.s32 $0x8000, s5;
	[smem:$0x7FA] =	sst s23  }
0x2d: {  	s3 =	sadd.s32 $0xC000, s3;
	s5 =	sadd.s32 $0xC000, s5;
	[smem:$0x7E8] =	sst s14  }
0x2e: {  	s20 =	simm.s32 $0x1EB80;
	s23 =	simm.s32 $0x1F300;
	[smem:$0x7EA] =	sst s5  }
0x2f: {  	s5 =	sadd.s32 s7, s25;
	s14 =	simm.s32 $0x1EF80;
	s7 =	sadd.s32 s7, s3  }
0x30: {  	s3 =	sadd.s32 s3, s2;
	s9 =	sor.u32 s11, s9;
	s11 =	simm.s32 $0x1ED80  }
0x31: {  	s10 =	sshrl.u32 s5, $0x3;
	[smem:$0x7F0] =	sst s14;
	s7 =	sshrl.u32 s7, $0x3  }
0x32: {  	s26 =	sshrl.u32 s3, $0x3;
	s3 =	simm.s32 $0x3;
	s14 =	simm.s32 $0x1EB00  }
0x33: {  	s9 =	sshrl.u32 s9, $0x3;
	[dreg:$0x17] =	wrdreg s11;
	s11 =	simm.s32 $0x1E800  }
0x34: {  	s13 =	sadd.s32 s1, s10;
	[smem:$0x7FD] =	sst s26;
	s26 =	simm.s32 $0x1  }
0x35: {  	s10 =	simm.s32 $0x1F180;
	s8 =	sadd.s32 s8, s9;
	[smem:$0x7ED] =	sst s11  }
0x36: {  	s9 =	simm.s32 $0x1E640;
	[smem:$0x7EE] =	sst s13;
	s11 =	simm.s32 $0x1EA80  }
0x37: {  	s13 =	simm.s32 $0x1F200;
	[smem:$0x7E4] =	sst s8;
	s8 =	sshrl.u32 s24, $0x3  }
0x38: {  	[dreg:$0x16] =	wrdreg s9;
	s9 =	sshrl.u32 s19, $0x3;
	s24 =	simm.s32 $0x1E7C0  }
0x39: {  	s19 =	simm.s32 $0x1E940;
	s8 =	sadd.s32 s1, s8;
	[dreg:$0x1f] =	wrdreg s24  }
0x3a: {  	s22 =	sadd.s32 s1, s9;
	s9 =	sadd.s32 s25, s2;
	[smem:$0x7F6] =	sst s19  }
0x3b: {  	s1 =	sadd.s32 s1, s7;
	s19 =	simm.s32 $0x1E380;
	[smem:$0x7E5] =	sst s8  }
0x3c: {  	s7 =	simm.s32 $0x4;
	[smem:$0x7EB] =	sst s22;
	s8 =	sadd.s32 s17, s2  }
0x3d: {  	s17 =	simm.s32 $0x1F000;
	[smem:$0x7F4] =	sst s1;
	s22 =	simm.s32 $0x1E9C0  }
0x3e: {  	s25 =	sshrl.u32 s9, $0x3;
	s1 =	simm.s32 $0x80;
	[smem:$0x7F3] =	sst s17  }
0x3f: {  	s9 =	simm.s32 $0x1EA40;
	s17 =	simm.s32 $0x13C00;
	[smem:$0x7F9] =	sst s22  }
0x40: {  	s22 =	simm.s32 $0x15C00;
	s24 =	sshrl.u32 s8, $0x3;
	[smem:$0x7FC] =	sst s25  }
0x41: {  	v0 =	vimm.f32 $0.0e+00;
	v1 =	vimm.f32 $1.000000000e+00;
	s8 =	simm.s32 $0x1EA00;
	[smem:$0x7FB] =	sst s24;
	s24 =	simm.s32 $0x0  }
.LBB2_1:
0x42: {  	s25 =	simm.s32 $0x0;
	s6 =	simm.s32 $0x200  }
.LBB2_2:
0x43: {  	p0 =	sne.s32 s6, $0xFE00;
	[tilespmem:s25+$0x13C70] =	vst v0  }
0x44: {  	[tilespmem:s25+$0x13C00] =	vst v0  }
0x45: {  	[tilespmem:s25+$0x13C10] =	vst v0  }
.Ltmp0:
0x46: {  	[tilespmem:s25+$0x13C20] =	vst v0;
	(pc) =	sbr.rel @p0 .LBB2_2-.Ltmp0, $4  }
0x47: {  	[tilespmem:s25+$0x13C30] =	vst v0  }
0x48: {  	[tilespmem:s25+$0x13C40] =	vst v0  }
0x49: {  	[tilespmem:s25+$0x13C50] =	vst v0  }
0x4a: {  	[tilespmem:s25+$0x13C60] =	vst v0;
	s25 =	sshra.s32 s6, $0x2;
	s6 =	sadd.s32 $0x200, s6  }
0x4b: {  	[tilespmem:s25+$0x13C70] =	vst v0  }
0x4c: {  	[tilespmem:s25+$0x13C00] =	vst v0  }
0x4d: {  	[tilespmem:s25+$0x13C10] =	vst v0  }
0x4e: {  	[tilespmem:s25+$0x13C20] =	vst v0  }
0x4f: {  	[tilespmem:s25+$0x13C30] =	vst v0  }
0x50: {  	[tilespmem:s25+$0x13C40] =	vst v0  }
0x51: {  	[tilespmem:s25+$0x13C50] =	vst v0  }
0x52: {  	[tilespmem:s25+$0x13C60] =	vst v0;
	s6 =	simm.s32 $0x40;
	s25 =	simm.s32 $0x0  }
.LBB2_4:
0x53: {  	p0 =	sne.s32 s6, $0x9DC0;
	[tilespmem:s25+$0x1BC00] =	vst v0;
	s25 =	smov.u32 s6;
	s6 =	sadd.s32 $0x40, s6  }
.Ltmp1:
0x54: {  	(pc) =	sbr.rel @p0 .LBB2_4-.Ltmp1, $2  }
0x55: {  	_ =	sdelay $0x2  }
0x56: {  	s25 =	sshra.s32 s25, $0x2  }
0x57: {  	s5 =	sld [smem:$0x7E9];
	_ =	sdelay $0x1  }
0x58: {  	[tilespmem:s25+$0x1BC00] =	vst v0  }
0x59: {  	[spmem:s5] =	stream.linear.scatter [tilespmem:s17], [sflag:$0x5], $0x4000, $0x38;
	[tilespmem:$0x1F380] =	vst v63  }
0x5a: {  	_ =	swait.ge [sflag:s18], $0x4000  }
0x5b: {  	s6 =	sld [smem:$0x7E7]  }
0x5c: {  	[sflag:s18] =	ssyncset.done $0x0  }
0x5d: {  	[sflag:s18] =	ssyncadd.s32 $0xFFFFC000  }
0x5e: {  	[spmem:s6] =	stream.linear.scatter [tilespmem:s17], [sflag:$0x5], $0x4000, $0x38;
	[tilespmem:$0x1F380] =	vst v63  }
0x5f: {  	_ =	swait.ge [sflag:s18], $0x4000  }
0x60: {  	s25 =	sld [smem:$0x7E8]  }
0x61: {  	[sflag:s18] =	ssyncset.done $0x0  }
0x62: {  	[sflag:s18] =	ssyncadd.s32 $0xFFFFC000  }
0x63: {  	[spmem:s25] =	stream.linear.scatter [tilespmem:s17], [sflag:$0x5], $0x4000, $0x38;
	[tilespmem:$0x1F380] =	vst v63  }
0x64: {  	_ =	swait.ge [sflag:s18], $0x4000  }
0x65: {  	s6 =	sld [smem:$0x7EA]  }
0x66: {  	[sflag:s18] =	ssyncset.done $0x0  }
0x67: {  	[sflag:s18] =	ssyncadd.s32 $0xFFFFC000  }
0x68: {  	[spmem:s6] =	stream.linear.scatter [tilespmem:s17], [sflag:$0x5], $0x4000, $0x38;
	[tilespmem:$0x1F380] =	vst v63  }
0x69: {  	_ =	swait.ge [sflag:s18], $0x4000  }
0x6a: {  	s25 =	sld [smem:$0x7E2]  }
0x6b: {  	[sflag:s18] =	ssyncset.done $0x0  }
0x6c: {  	[sflag:s18] =	ssyncadd.s32 $0xFFFFC000  }
0x6d: {  	[spmem:s25] =	stream.linear.scatter [tilespmem:s17], [sflag:$0x5], $0x3C00, $0x38;
	[tilespmem:$0x1F380] =	vst v63  }
0x6e: {  	_ =	swait.ge [sflag:s18], $0x3C00  }
0x6f: {  	[sflag:s18] =	ssyncset.done $0x0  }
0x70: {  	[sflag:s18] =	ssyncadd.s32 $0xFFFFC400  }
0x71: {  	s25 =	simm.s32 $0x0;
	[bflag:$0x0] =	sbarrier.arrive $0xFFFF  }
.LBB2_6:
0x72: {  	s6 =	rddreg [dreg:$0x8]  }
0x73: {  	s6 =	sadd.s32 s25, s6  }
0x74: {  	[tilespmem:s19], [sflag:$0x5] =	stream.linear.gather [hbm4b:s6+s4], $0x800, $0x38;
	[tilespmem:$0x1F380] =	vst v63  }
0x75: {  	_ =	swait.ge [sflag:s18], $0x800  }
0x76: {  	s5 =	rddreg [dreg:$0x7];
	[sflag:s18] =	ssyncset.done $0x0  }
0x77: {  	[sflag:s18] =	ssyncadd.s32 $0xFFFFF800;
	s6 =	sadd.s32 s25, s5  }
0x78: {  	[tilespmem:s20], [sflag:$0x5] =	stream.linear.gather [hbm4b:s6+s4], $0x800, $0x38;
	[tilespmem:$0x1F380] =	vst v63  }
0x79: {  	_ =	swait.ge [sflag:s18], $0x800  }
0x7a: {  	[sflag:s18] =	ssyncset.done $0x0  }
0x7b: {  	[sflag:s18] =	ssyncadd.s32 $0xFFFFF800  }
0x7c: {  	[tilespmem:s17], [sflag:$0x1] =	stream.indirect.gather [hbm4b:s0+s21], $0x80, s19, s21, $0xb8;
	[tilespmem:$0x1F380] =	vst v63  }
0x7d: {  	s5 =	rddreg [dreg:$0x9]  }
0x7e: {  	[tilespmem:s22], [sflag:$0x2] =	stream.indirect.gather [hbm4b:s0+s21], $0x80, s5, s21, $0xb8;
	[tilespmem:$0x1F380] =	vst v63  }
0x7f: {  	_ =	swait.ge [sflag:s26], $0x2000  }
0x80: {  	[sflag:s26] =	ssyncset.done $0x0  }
0x81: {  	[sflag:s26] =	ssyncadd.s32 $0xFFFFE000  }
0x82: {  	_ =	swait.ge [sflag:s28], $0x2000  }
0x83: {  	[sflag:s28] =	ssyncset.done $0x0  }
0x84: {  	s6 =	rddreg [dreg:$0xa];
	[sflag:s28] =	ssyncadd.s32 $0xFFFFE000  }
0x85: {  	[tilespmem:s29], [sflag:$0x3] =	stream.indirect.gather [hbm4b:s0+s21], $0x80, s6, s21, $0xb8;
	[tilespmem:$0x1F380] =	vst v63  }
0x86: {  	s5 =	rddreg [dreg:$0xb]  }
0x87: {  	[tilespmem:s30], [sflag:$0x4] =	stream.indirect.gather [hbm4b:s0+s21], $0x80, s5, s21, $0xb8;
	[tilespmem:$0x1F380] =	vst v63  }
0x88: {  	v2 =	vld [tilespmem:$0x1EB80];
	_ =	sdelay $0x7  }
0x89: {  	[tilespmem:v2+s31+$0x0] =	vst.idx.add.f32.msk $0xffff, v1  }
0x8a: {  	v2 =	vld [tilespmem:$0x1EB90];
	_ =	sdelay $0x7  }
0x8b: {  	[tilespmem:v2+s31+$0x0] =	vst.idx.add.f32.msk $0xffff, v1  }
0x8c: {  	v2 =	vld [tilespmem:$0x1EBA0];
	_ =	sdelay $0x7  }
0x8d: {  	[tilespmem:v2+s31+$0x0] =	vst.idx.add.f32.msk $0xffff, v1  }
0x8e: {  	v2 =	vld [tilespmem:$0x1EBB0];
	_ =	sdelay $0x7  }
0x8f: {  	[tilespmem:v2+s31+$0x0] =	vst.idx.add.f32.msk $0xffff, v1  }
0x90: {  	v2 =	vld [tilespmem:$0x1EBC0];
	_ =	sdelay $0x7  }
0x91: {  	[tilespmem:v2+s31+$0x0] =	vst.idx.add.f32.msk $0xffff, v1  }
0x92: {  	v2 =	vld [tilespmem:$0x1EBD0];
	_ =	sdelay $0x7  }
0x93: {  	[tilespmem:v2+s31+$0x0] =	vst.idx.add.f32.msk $0xffff, v1  }
0x94: {  	v2 =	vld [tilespmem:$0x1EBE0];
	_ =	sdelay $0x7  }
0x95: {  	[tilespmem:v2+s31+$0x0] =	vst.idx.add.f32.msk $0xffff, v1  }
0x96: {  	v2 =	vld [tilespmem:$0x1EBF0];
	_ =	sdelay $0x7  }
0x97: {  	[tilespmem:v2+s31+$0x0] =	vst.idx.add.f32.msk $0xffff, v1  }
0x98: {  	[spmem:s2] =	stream.indirect.scatter.add.f32 [tilespmem:s17], [sflag:$0x5], $0x80, s20, s1, $0xb8;
	[tilespmem:$0x1F380] =	vst v63  }
0x99: {  	_ =	swait.ge [sflag:s18], $0x4000  }
0x9a: {  	[sflag:s18] =	ssyncset.done $0x0  }
0x9b: {  	[sflag:s18] =	ssyncadd.s32 $0xFFFFC000  }
0x9c: {  	_ =	swait.ge [sflag:s3], $0x2000  }
0x9d: {  	[sflag:s3] =	ssyncset.done $0x0  }
0x9e: {  	[sflag:s3] =	ssyncadd.s32 $0xFFFFE000  }
0x9f: {  	_ =	swait.ge [sflag:s7], $0x2000  }
0xa0: {  	[sflag:s7] =	ssyncset.done $0x0  }
0xa1: {  	s5 =	rddreg [dreg:$0xc];
	[sflag:s7] =	ssyncadd.s32 $0xFFFFE000  }
0xa2: {  	[tilespmem:s17], [sflag:$0x1] =	stream.indirect.gather [hbm4b:s0+s21], $0x80, s5, s21, $0xb8;
	[tilespmem:$0x1F380] =	vst v63  }
0xa3: {  	s6 =	rddreg [dreg:$0xd]  }
0xa4: {  	[tilespmem:s22], [sflag:$0x2] =	stream.indirect.gather [hbm4b:s0+s21], $0x80, s6, s21, $0xb8;
	[tilespmem:$0x1F380] =	vst v63  }
0xa5: {  	v2 =	vld [tilespmem:$0x1EC00];
	_ =	sdelay $0x7  }
0xa6: {  	[tilespmem:v2+s31+$0x0] =	vst.idx.add.f32.msk $0xffff, v1  }
0xa7: {  	v2 =	vld [tilespmem:$0x1EC10];
	_ =	sdelay $0x7  }
0xa8: {  	[tilespmem:v2+s31+$0x0] =	vst.idx.add.f32.msk $0xffff, v1  }
0xa9: {  	v2 =	vld [tilespmem:$0x1EC20];
	_ =	sdelay $0x7  }
0xaa: {  	[tilespmem:v2+s31+$0x0] =	vst.idx.add.f32.msk $0xffff, v1  }
0xab: {  	v2 =	vld [tilespmem:$0x1EC30];
	_ =	sdelay $0x7  }
0xac: {  	[tilespmem:v2+s31+$0x0] =	vst.idx.add.f32.msk $0xffff, v1  }
0xad: {  	v2 =	vld [tilespmem:$0x1EC40];
	_ =	sdelay $0x7  }
0xae: {  	[tilespmem:v2+s31+$0x0] =	vst.idx.add.f32.msk $0xffff, v1  }
0xaf: {  	v2 =	vld [tilespmem:$0x1EC50];
	_ =	sdelay $0x7  }
0xb0: {  	[tilespmem:v2+s31+$0x0] =	vst.idx.add.f32.msk $0xffff, v1  }
0xb1: {  	v2 =	vld [tilespmem:$0x1EC60];
	_ =	sdelay $0x7  }
0xb2: {  	[tilespmem:v2+s31+$0x0] =	vst.idx.add.f32.msk $0xffff, v1  }
0xb3: {  	v2 =	vld [tilespmem:$0x1EC70];
	_ =	sdelay $0x7  }
0xb4: {  	s6 =	rddreg [dreg:$0xe];
	[tilespmem:v2+s31+$0x0] =	vst.idx.add.f32.msk $0xffff, v1  }
0xb5: {  	[spmem:s2] =	stream.indirect.scatter.add.f32 [tilespmem:s29], [sflag:$0x5], $0x80, s6, s1, $0xb8;
	[tilespmem:$0x1F380] =	vst v63  }
0xb6: {  	_ =	swait.ge [sflag:s18], $0x4000  }
0xb7: {  	[sflag:s18] =	ssyncset.done $0x0  }
0xb8: {  	[sflag:s18] =	ssyncadd.s32 $0xFFFFC000  }
0xb9: {  	_ =	swait.ge [sflag:s26], $0x2000  }
0xba: {  	[sflag:s26] =	ssyncset.done $0x0  }
0xbb: {  	[sflag:s26] =	ssyncadd.s32 $0xFFFFE000  }
0xbc: {  	_ =	swait.ge [sflag:s28], $0x2000  }
0xbd: {  	[sflag:s28] =	ssyncset.done $0x0  }
0xbe: {  	s5 =	rddreg [dreg:$0xf];
	[sflag:s28] =	ssyncadd.s32 $0xFFFFE000  }
0xbf: {  	[tilespmem:s29], [sflag:$0x3] =	stream.indirect.gather [hbm4b:s0+s21], $0x80, s5, s21, $0xb8;
	[tilespmem:$0x1F380] =	vst v63  }
0xc0: {  	s6 =	rddreg [dreg:$0x10]  }
0xc1: {  	[tilespmem:s30], [sflag:$0x4] =	stream.indirect.gather [hbm4b:s0+s21], $0x80, s6, s21, $0xb8;
	[tilespmem:$0x1F380] =	vst v63  }
0xc2: {  	v2 =	vld [tilespmem:$0x1EC80];
	_ =	sdelay $0x7  }
0xc3: {  	[tilespmem:v2+s31+$0x0] =	vst.idx.add.f32.msk $0xffff, v1  }
0xc4: {  	v2 =	vld [tilespmem:$0x1EC90];
	_ =	sdelay $0x7  }
0xc5: {  	[tilespmem:v2+s31+$0x0] =	vst.idx.add.f32.msk $0xffff, v1  }
0xc6: {  	v2 =	vld [tilespmem:$0x1ECA0];
	_ =	sdelay $0x7  }
0xc7: {  	[tilespmem:v2+s31+$0x0] =	vst.idx.add.f32.msk $0xffff, v1  }
0xc8: {  	v2 =	vld [tilespmem:$0x1ECB0];
	_ =	sdelay $0x7  }
0xc9: {  	[tilespmem:v2+s31+$0x0] =	vst.idx.add.f32.msk $0xffff, v1  }
0xca: {  	v2 =	vld [tilespmem:$0x1ECC0];
	_ =	sdelay $0x7  }
0xcb: {  	[tilespmem:v2+s31+$0x0] =	vst.idx.add.f32.msk $0xffff, v1  }
0xcc: {  	v2 =	vld [tilespmem:$0x1ECD0];
	_ =	sdelay $0x7  }
0xcd: {  	[tilespmem:v2+s31+$0x0] =	vst.idx.add.f32.msk $0xffff, v1  }
0xce: {  	v2 =	vld [tilespmem:$0x1ECE0];
	_ =	sdelay $0x7  }
0xcf: {  	[tilespmem:v2+s31+$0x0] =	vst.idx.add.f32.msk $0xffff, v1  }
0xd0: {  	v2 =	vld [tilespmem:$0x1ECF0];
	_ =	sdelay $0x7  }
0xd1: {  	s6 =	rddreg [dreg:$0x11];
	[tilespmem:v2+s31+$0x0] =	vst.idx.add.f32.msk $0xffff, v1  }
0xd2: {  	[spmem:s2] =	stream.indirect.scatter.add.f32 [tilespmem:s17], [sflag:$0x5], $0x80, s6, s1, $0xb8;
	[tilespmem:$0x1F380] =	vst v63  }
0xd3: {  	_ =	swait.ge [sflag:s18], $0x4000  }
0xd4: {  	[sflag:s18] =	ssyncset.done $0x0  }
0xd5: {  	[sflag:s18] =	ssyncadd.s32 $0xFFFFC000  }
0xd6: {  	_ =	swait.ge [sflag:s3], $0x2000  }
0xd7: {  	[sflag:s3] =	ssyncset.done $0x0  }
0xd8: {  	[sflag:s3] =	ssyncadd.s32 $0xFFFFE000  }
0xd9: {  	_ =	swait.ge [sflag:s7], $0x2000  }
0xda: {  	[sflag:s7] =	ssyncset.done $0x0  }
0xdb: {  	s5 =	rddreg [dreg:$0x12];
	[sflag:s7] =	ssyncadd.s32 $0xFFFFE000  }
0xdc: {  	[tilespmem:s17], [sflag:$0x1] =	stream.indirect.gather [hbm4b:s0+s21], $0x80, s5, s21, $0xb8;
	[tilespmem:$0x1F380] =	vst v63  }
0xdd: {  	s6 =	rddreg [dreg:$0x13]  }
0xde: {  	[tilespmem:s22], [sflag:$0x2] =	stream.indirect.gather [hbm4b:s0+s21], $0x80, s6, s21, $0xb8;
	[tilespmem:$0x1F380] =	vst v63  }
0xdf: {  	v2 =	vld [tilespmem:$0x1ED00];
	_ =	sdelay $0x7  }
0xe0: {  	[tilespmem:v2+s31+$0x0] =	vst.idx.add.f32.msk $0xffff, v1  }
0xe1: {  	v2 =	vld [tilespmem:$0x1ED10];
	_ =	sdelay $0x7  }
0xe2: {  	[tilespmem:v2+s31+$0x0] =	vst.idx.add.f32.msk $0xffff, v1  }
0xe3: {  	v2 =	vld [tilespmem:$0x1ED20];
	_ =	sdelay $0x7  }
0xe4: {  	[tilespmem:v2+s31+$0x0] =	vst.idx.add.f32.msk $0xffff, v1  }
0xe5: {  	v2 =	vld [tilespmem:$0x1ED30];
	_ =	sdelay $0x7  }
0xe6: {  	[tilespmem:v2+s31+$0x0] =	vst.idx.add.f32.msk $0xffff, v1  }
0xe7: {  	v2 =	vld [tilespmem:$0x1ED40];
	_ =	sdelay $0x7  }
0xe8: {  	[tilespmem:v2+s31+$0x0] =	vst.idx.add.f32.msk $0xffff, v1  }
0xe9: {  	v2 =	vld [tilespmem:$0x1ED50];
	_ =	sdelay $0x7  }
0xea: {  	[tilespmem:v2+s31+$0x0] =	vst.idx.add.f32.msk $0xffff, v1  }
0xeb: {  	v2 =	vld [tilespmem:$0x1ED60];
	_ =	sdelay $0x7  }
0xec: {  	[tilespmem:v2+s31+$0x0] =	vst.idx.add.f32.msk $0xffff, v1  }
0xed: {  	v2 =	vld [tilespmem:$0x1ED70];
	_ =	sdelay $0x7  }
0xee: {  	s6 =	rddreg [dreg:$0x14];
	[tilespmem:v2+s31+$0x0] =	vst.idx.add.f32.msk $0xffff, v1  }
0xef: {  	[spmem:s2] =	stream.indirect.scatter.add.f32 [tilespmem:s29], [sflag:$0x5], $0x80, s6, s1, $0xb8;
	[tilespmem:$0x1F380] =	vst v63  }
0xf0: {  	_ =	swait.ge [sflag:s18], $0x4000  }
0xf1: {  	[sflag:s18] =	ssyncset.done $0x0  }
0xf2: {  	[sflag:s18] =	ssyncadd.s32 $0xFFFFC000  }
0xf3: {  	_ =	swait.ge [sflag:s26], $0x2000  }
0xf4: {  	[sflag:s26] =	ssyncset.done $0x0  }
0xf5: {  	[sflag:s26] =	ssyncadd.s32 $0xFFFFE000  }
0xf6: {  	_ =	swait.ge [sflag:s28], $0x2000  }
0xf7: {  	[sflag:s28] =	ssyncset.done $0x0  }
0xf8: {  	s5 =	rddreg [dreg:$0x15];
	[sflag:s28] =	ssyncadd.s32 $0xFFFFE000  }
0xf9: {  	[tilespmem:s29], [sflag:$0x3] =	stream.indirect.gather [hbm4b:s0+s21], $0x80, s5, s21, $0xb8;
	[tilespmem:$0x1F380] =	vst v63  }
0xfa: {  	s6 =	rddreg [dreg:$0x16]  }
0xfb: {  	[tilespmem:s30], [sflag:$0x4] =	stream.indirect.gather [hbm4b:s0+s21], $0x80, s6, s21, $0xb8;
	[tilespmem:$0x1F380] =	vst v63  }
0xfc: {  	v2 =	vld [tilespmem:$0x1ED80];
	_ =	sdelay $0x7  }
0xfd: {  	[tilespmem:v2+s31+$0x0] =	vst.idx.add.f32.msk $0xffff, v1  }
0xfe: {  	v2 =	vld [tilespmem:$0x1ED90];
	_ =	sdelay $0x7  }
0xff: {  	[tilespmem:v2+s31+$0x0] =	vst.idx.add.f32.msk $0xffff, v1  }
0x100: {  	v2 =	vld [tilespmem:$0x1EDA0];
	_ =	sdelay $0x7  }
0x101: {  	[tilespmem:v2+s31+$0x0] =	vst.idx.add.f32.msk $0xffff, v1  }
0x102: {  	v2 =	vld [tilespmem:$0x1EDB0];
	_ =	sdelay $0x7  }
0x103: {  	[tilespmem:v2+s31+$0x0] =	vst.idx.add.f32.msk $0xffff, v1  }
0x104: {  	v2 =	vld [tilespmem:$0x1EDC0];
	_ =	sdelay $0x7  }
0x105: {  	[tilespmem:v2+s31+$0x0] =	vst.idx.add.f32.msk $0xffff, v1  }
0x106: {  	v2 =	vld [tilespmem:$0x1EDD0];
	_ =	sdelay $0x7  }
0x107: {  	[tilespmem:v2+s31+$0x0] =	vst.idx.add.f32.msk $0xffff, v1  }
0x108: {  	v2 =	vld [tilespmem:$0x1EDE0];
	_ =	sdelay $0x7  }
0x109: {  	[tilespmem:v2+s31+$0x0] =	vst.idx.add.f32.msk $0xffff, v1  }
0x10a: {  	v2 =	vld [tilespmem:$0x1EDF0];
	_ =	sdelay $0x7  }
0x10b: {  	s6 =	rddreg [dreg:$0x17];
	[tilespmem:v2+s31+$0x0] =	vst.idx.add.f32.msk $0xffff, v1  }
0x10c: {  	[spmem:s2] =	stream.indirect.scatter.add.f32 [tilespmem:s17], [sflag:$0x5], $0x80, s6, s1, $0xb8;
	[tilespmem:$0x1F380] =	vst v63  }
0x10d: {  	_ =	swait.ge [sflag:s18], $0x4000  }
0x10e: {  	[sflag:s18] =	ssyncset.done $0x0  }
0x10f: {  	[sflag:s18] =	ssyncadd.s32 $0xFFFFC000  }
0x110: {  	_ =	swait.ge [sflag:s3], $0x2000  }
0x111: {  	[sflag:s3] =	ssyncset.done $0x0  }
0x112: {  	[sflag:s3] =	ssyncadd.s32 $0xFFFFE000  }
0x113: {  	_ =	swait.ge [sflag:s7], $0x2000  }
0x114: {  	[sflag:s7] =	ssyncset.done $0x0  }
0x115: {  	s5 =	rddreg [dreg:$0x18];
	[sflag:s7] =	ssyncadd.s32 $0xFFFFE000  }
0x116: {  	[tilespmem:s17], [sflag:$0x1] =	stream.indirect.gather [hbm4b:s0+s21], $0x80, s5, s21, $0xb8;
	[tilespmem:$0x1F380] =	vst v63  }
0x117: {  	s6 =	rddreg [dreg:$0x19]  }
0x118: {  	[tilespmem:s22], [sflag:$0x2] =	stream.indirect.gather [hbm4b:s0+s21], $0x80, s6, s21, $0xb8;
	[tilespmem:$0x1F380] =	vst v63  }
0x119: {  	v2 =	vld [tilespmem:$0x1EE00];
	_ =	sdelay $0x7  }
0x11a: {  	[tilespmem:v2+s31+$0x0] =	vst.idx.add.f32.msk $0xffff, v1  }
0x11b: {  	v2 =	vld [tilespmem:$0x1EE10];
	_ =	sdelay $0x7  }
0x11c: {  	[tilespmem:v2+s31+$0x0] =	vst.idx.add.f32.msk $0xffff, v1  }
0x11d: {  	v2 =	vld [tilespmem:$0x1EE20];
	_ =	sdelay $0x7  }
0x11e: {  	[tilespmem:v2+s31+$0x0] =	vst.idx.add.f32.msk $0xffff, v1  }
0x11f: {  	v2 =	vld [tilespmem:$0x1EE30];
	_ =	sdelay $0x7  }
0x120: {  	[tilespmem:v2+s31+$0x0] =	vst.idx.add.f32.msk $0xffff, v1  }
0x121: {  	v2 =	vld [tilespmem:$0x1EE40];
	_ =	sdelay $0x7  }
0x122: {  	[tilespmem:v2+s31+$0x0] =	vst.idx.add.f32.msk $0xffff, v1  }
0x123: {  	v2 =	vld [tilespmem:$0x1EE50];
	_ =	sdelay $0x7  }
0x124: {  	[tilespmem:v2+s31+$0x0] =	vst.idx.add.f32.msk $0xffff, v1  }
0x125: {  	v2 =	vld [tilespmem:$0x1EE60];
	_ =	sdelay $0x7  }
0x126: {  	[tilespmem:v2+s31+$0x0] =	vst.idx.add.f32.msk $0xffff, v1  }
0x127: {  	v2 =	vld [tilespmem:$0x1EE70];
	_ =	sdelay $0x7  }
0x128: {  	s6 =	rddreg [dreg:$0x1a];
	[tilespmem:v2+s31+$0x0] =	vst.idx.add.f32.msk $0xffff, v1  }
0x129: {  	[spmem:s2] =	stream.indirect.scatter.add.f32 [tilespmem:s29], [sflag:$0x5], $0x80, s6, s1, $0xb8;
	[tilespmem:$0x1F380] =	vst v63  }
0x12a: {  	_ =	swait.ge [sflag:s18], $0x4000  }
0x12b: {  	[sflag:s18] =	ssyncset.done $0x0  }
0x12c: {  	[sflag:s18] =	ssyncadd.s32 $0xFFFFC000  }
0x12d: {  	_ =	swait.ge [sflag:s26], $0x2000  }
0x12e: {  	[sflag:s26] =	ssyncset.done $0x0  }
0x12f: {  	[sflag:s26] =	ssyncadd.s32 $0xFFFFE000  }
0x130: {  	_ =	swait.ge [sflag:s28], $0x2000  }
0x131: {  	[sflag:s28] =	ssyncset.done $0x0  }
0x132: {  	s5 =	rddreg [dreg:$0x1b];
	[sflag:s28] =	ssyncadd.s32 $0xFFFFE000  }
0x133: {  	[tilespmem:s29], [sflag:$0x3] =	stream.indirect.gather [hbm4b:s0+s21], $0x80, s5, s21, $0xb8;
	[tilespmem:$0x1F380] =	vst v63  }
0x134: {  	s6 =	rddreg [dreg:$0x1c]  }
0x135: {  	[tilespmem:s30], [sflag:$0x4] =	stream.indirect.gather [hbm4b:s0+s21], $0x80, s6, s21, $0xb8;
	[tilespmem:$0x1F380] =	vst v63  }
0x136: {  	v2 =	vld [tilespmem:$0x1EE80];
	_ =	sdelay $0x7  }
0x137: {  	[tilespmem:v2+s31+$0x0] =	vst.idx.add.f32.msk $0xffff, v1  }
0x138: {  	v2 =	vld [tilespmem:$0x1EE90];
	_ =	sdelay $0x7  }
0x139: {  	[tilespmem:v2+s31+$0x0] =	vst.idx.add.f32.msk $0xffff, v1  }
0x13a: {  	v2 =	vld [tilespmem:$0x1EEA0];
	_ =	sdelay $0x7  }
0x13b: {  	[tilespmem:v2+s31+$0x0] =	vst.idx.add.f32.msk $0xffff, v1  }
0x13c: {  	v2 =	vld [tilespmem:$0x1EEB0];
	_ =	sdelay $0x7  }
0x13d: {  	[tilespmem:v2+s31+$0x0] =	vst.idx.add.f32.msk $0xffff, v1  }
0x13e: {  	v2 =	vld [tilespmem:$0x1EEC0];
	_ =	sdelay $0x7  }
0x13f: {  	[tilespmem:v2+s31+$0x0] =	vst.idx.add.f32.msk $0xffff, v1  }
0x140: {  	v2 =	vld [tilespmem:$0x1EED0];
	_ =	sdelay $0x7  }
0x141: {  	[tilespmem:v2+s31+$0x0] =	vst.idx.add.f32.msk $0xffff, v1  }
0x142: {  	v2 =	vld [tilespmem:$0x1EEE0];
	_ =	sdelay $0x7  }
0x143: {  	[tilespmem:v2+s31+$0x0] =	vst.idx.add.f32.msk $0xffff, v1  }
0x144: {  	v2 =	vld [tilespmem:$0x1EEF0];
	_ =	sdelay $0x7  }
0x145: {  	s6 =	rddreg [dreg:$0x1d];
	[tilespmem:v2+s31+$0x0] =	vst.idx.add.f32.msk $0xffff, v1  }
0x146: {  	[spmem:s2] =	stream.indirect.scatter.add.f32 [tilespmem:s17], [sflag:$0x5], $0x80, s6, s1, $0xb8;
	[tilespmem:$0x1F380] =	vst v63  }
0x147: {  	_ =	swait.ge [sflag:s18], $0x4000  }
0x148: {  	[sflag:s18] =	ssyncset.done $0x0  }
0x149: {  	[sflag:s18] =	ssyncadd.s32 $0xFFFFC000  }
0x14a: {  	_ =	swait.ge [sflag:s3], $0x2000  }
0x14b: {  	[sflag:s3] =	ssyncset.done $0x0  }
0x14c: {  	[sflag:s3] =	ssyncadd.s32 $0xFFFFE000  }
0x14d: {  	_ =	swait.ge [sflag:s7], $0x2000  }
0x14e: {  	[sflag:s7] =	ssyncset.done $0x0  }
0x14f: {  	s5 =	rddreg [dreg:$0x1e];
	[sflag:s7] =	ssyncadd.s32 $0xFFFFE000  }
0x150: {  	[tilespmem:s17], [sflag:$0x1] =	stream.indirect.gather [hbm4b:s0+s21], $0x80, s5, s21, $0xb8;
	[tilespmem:$0x1F380] =	vst v63  }
0x151: {  	s6 =	rddreg [dreg:$0x1f]  }
0x152: {  	[tilespmem:s22], [sflag:$0x2] =	stream.indirect.gather [hbm4b:s0+s21], $0x80, s6, s21, $0xb8;
	[tilespmem:$0x1F380] =	vst v63  }
0x153: {  	v2 =	vld [tilespmem:$0x1EF00];
	_ =	sdelay $0x7  }
0x154: {  	[tilespmem:v2+s31+$0x0] =	vst.idx.add.f32.msk $0xffff, v1  }
0x155: {  	v2 =	vld [tilespmem:$0x1EF10];
	_ =	sdelay $0x7  }
0x156: {  	[tilespmem:v2+s31+$0x0] =	vst.idx.add.f32.msk $0xffff, v1  }
0x157: {  	v2 =	vld [tilespmem:$0x1EF20];
	_ =	sdelay $0x7  }
0x158: {  	[tilespmem:v2+s31+$0x0] =	vst.idx.add.f32.msk $0xffff, v1  }
0x159: {  	v2 =	vld [tilespmem:$0x1EF30];
	_ =	sdelay $0x7  }
0x15a: {  	[tilespmem:v2+s31+$0x0] =	vst.idx.add.f32.msk $0xffff, v1  }
0x15b: {  	v2 =	vld [tilespmem:$0x1EF40];
	_ =	sdelay $0x7  }
0x15c: {  	[tilespmem:v2+s31+$0x0] =	vst.idx.add.f32.msk $0xffff, v1  }
0x15d: {  	v2 =	vld [tilespmem:$0x1EF50];
	_ =	sdelay $0x7  }
0x15e: {  	[tilespmem:v2+s31+$0x0] =	vst.idx.add.f32.msk $0xffff, v1  }
0x15f: {  	v2 =	vld [tilespmem:$0x1EF60];
	_ =	sdelay $0x7  }
0x160: {  	[tilespmem:v2+s31+$0x0] =	vst.idx.add.f32.msk $0xffff, v1  }
0x161: {  	v2 =	vld [tilespmem:$0x1EF70];
	_ =	sdelay $0x5  }
0x162: {  	s6 =	sld [smem:$0x7EC];
	_ =	sdelay $0x1  }
0x163: {  	[tilespmem:v2+s31+$0x0] =	vst.idx.add.f32.msk $0xffff, v1  }
0x164: {  	[spmem:s2] =	stream.indirect.scatter.add.f32 [tilespmem:s29], [sflag:$0x5], $0x80, s6, s1, $0xb8;
	[tilespmem:$0x1F380] =	vst v63  }
0x165: {  	_ =	swait.ge [sflag:s18], $0x4000  }
0x166: {  	[sflag:s18] =	ssyncset.done $0x0  }
0x167: {  	[sflag:s18] =	ssyncadd.s32 $0xFFFFC000  }
0x168: {  	_ =	swait.ge [sflag:s26], $0x2000  }
0x169: {  	[sflag:s26] =	ssyncset.done $0x0  }
0x16a: {  	[sflag:s26] =	ssyncadd.s32 $0xFFFFE000  }
0x16b: {  	_ =	swait.ge [sflag:s28], $0x2000  }
0x16c: {  	s5 =	sld [smem:$0x7ED]  }
0x16d: {  	[sflag:s28] =	ssyncset.done $0x0  }
0x16e: {  	s6 =	sld [smem:$0x7EF];
	[sflag:s28] =	ssyncadd.s32 $0xFFFFE000  }
0x16f: {  	[tilespmem:s29], [sflag:$0x3] =	stream.indirect.gather [hbm4b:s0+s21], $0x80, s5, s21, $0xb8;
	[tilespmem:$0x1F380] =	vst v63  }
0x170: {  	_ = 	snop  }
0x171: {  	[tilespmem:s30], [sflag:$0x4] =	stream.indirect.gather [hbm4b:s0+s21], $0x80, s6, s21, $0xb8;
	[tilespmem:$0x1F380] =	vst v63  }
0x172: {  	v2 =	vld [tilespmem:$0x1EF80];
	_ =	sdelay $0x7  }
0x173: {  	[tilespmem:v2+s31+$0x0] =	vst.idx.add.f32.msk $0xffff, v1  }
0x174: {  	v2 =	vld [tilespmem:$0x1EF90];
	_ =	sdelay $0x7  }
0x175: {  	[tilespmem:v2+s31+$0x0] =	vst.idx.add.f32.msk $0xffff, v1  }
0x176: {  	v2 =	vld [tilespmem:$0x1EFA0];
	_ =	sdelay $0x7  }
0x177: {  	[tilespmem:v2+s31+$0x0] =	vst.idx.add.f32.msk $0xffff, v1  }
0x178: {  	v2 =	vld [tilespmem:$0x1EFB0];
	_ =	sdelay $0x7  }
0x179: {  	[tilespmem:v2+s31+$0x0] =	vst.idx.add.f32.msk $0xffff, v1  }
0x17a: {  	v2 =	vld [tilespmem:$0x1EFC0];
	_ =	sdelay $0x7  }
0x17b: {  	[tilespmem:v2+s31+$0x0] =	vst.idx.add.f32.msk $0xffff, v1  }
0x17c: {  	v2 =	vld [tilespmem:$0x1EFD0];
	_ =	sdelay $0x7  }
0x17d: {  	[tilespmem:v2+s31+$0x0] =	vst.idx.add.f32.msk $0xffff, v1  }
0x17e: {  	v2 =	vld [tilespmem:$0x1EFE0];
	_ =	sdelay $0x7  }
0x17f: {  	[tilespmem:v2+s31+$0x0] =	vst.idx.add.f32.msk $0xffff, v1  }
0x180: {  	v2 =	vld [tilespmem:$0x1EFF0];
	_ =	sdelay $0x5  }
0x181: {  	s6 =	sld [smem:$0x7F0];
	_ =	sdelay $0x1  }
0x182: {  	[tilespmem:v2+s31+$0x0] =	vst.idx.add.f32.msk $0xffff, v1  }
0x183: {  	[spmem:s2] =	stream.indirect.scatter.add.f32 [tilespmem:s17], [sflag:$0x5], $0x80, s6, s1, $0xb8;
	[tilespmem:$0x1F380] =	vst v63  }
0x184: {  	_ =	swait.ge [sflag:s18], $0x4000  }
0x185: {  	[sflag:s18] =	ssyncset.done $0x0  }
0x186: {  	[sflag:s18] =	ssyncadd.s32 $0xFFFFC000  }
0x187: {  	_ =	swait.ge [sflag:s3], $0x2000  }
0x188: {  	[sflag:s3] =	ssyncset.done $0x0  }
0x189: {  	[sflag:s3] =	ssyncadd.s32 $0xFFFFE000  }
0x18a: {  	_ =	swait.ge [sflag:s7], $0x2000  }
0x18b: {  	s5 =	sld [smem:$0x7F1]  }
0x18c: {  	[sflag:s7] =	ssyncset.done $0x0  }
0x18d: {  	s6 =	sld [smem:$0x7F2];
	[sflag:s7] =	ssyncadd.s32 $0xFFFFE000  }
0x18e: {  	[tilespmem:s17], [sflag:$0x1] =	stream.indirect.gather [hbm4b:s0+s21], $0x80, s5, s21, $0xb8;
	[tilespmem:$0x1F380] =	vst v63  }
0x18f: {  	_ = 	snop  }
0x190: {  	[tilespmem:s22], [sflag:$0x2] =	stream.indirect.gather [hbm4b:s0+s21], $0x80, s6, s21, $0xb8;
	[tilespmem:$0x1F380] =	vst v63  }
0x191: {  	v2 =	vld [tilespmem:$0x1F000];
	_ =	sdelay $0x7  }
0x192: {  	[tilespmem:v2+s31+$0x0] =	vst.idx.add.f32.msk $0xffff, v1  }
0x193: {  	v2 =	vld [tilespmem:$0x1F010];
	_ =	sdelay $0x7  }
0x194: {  	[tilespmem:v2+s31+$0x0] =	vst.idx.add.f32.msk $0xffff, v1  }
0x195: {  	v2 =	vld [tilespmem:$0x1F020];
	_ =	sdelay $0x7  }
0x196: {  	[tilespmem:v2+s31+$0x0] =	vst.idx.add.f32.msk $0xffff, v1  }
0x197: {  	v2 =	vld [tilespmem:$0x1F030];
	_ =	sdelay $0x7  }
0x198: {  	[tilespmem:v2+s31+$0x0] =	vst.idx.add.f32.msk $0xffff, v1  }
0x199: {  	v2 =	vld [tilespmem:$0x1F040];
	_ =	sdelay $0x7  }
0x19a: {  	[tilespmem:v2+s31+$0x0] =	vst.idx.add.f32.msk $0xffff, v1  }
0x19b: {  	v2 =	vld [tilespmem:$0x1F050];
	_ =	sdelay $0x7  }
0x19c: {  	[tilespmem:v2+s31+$0x0] =	vst.idx.add.f32.msk $0xffff, v1  }
0x19d: {  	v2 =	vld [tilespmem:$0x1F060];
	_ =	sdelay $0x7  }
0x19e: {  	[tilespmem:v2+s31+$0x0] =	vst.idx.add.f32.msk $0xffff, v1  }
0x19f: {  	v2 =	vld [tilespmem:$0x1F070];
	_ =	sdelay $0x5  }
0x1a0: {  	s6 =	sld [smem:$0x7F3];
	_ =	sdelay $0x1  }
0x1a1: {  	[tilespmem:v2+s31+$0x0] =	vst.idx.add.f32.msk $0xffff, v1  }
0x1a2: {  	[spmem:s2] =	stream.indirect.scatter.add.f32 [tilespmem:s29], [sflag:$0x5], $0x80, s6, s1, $0xb8;
	[tilespmem:$0x1F380] =	vst v63  }
0x1a3: {  	_ =	swait.ge [sflag:s18], $0x4000  }
0x1a4: {  	[sflag:s18] =	ssyncset.done $0x0  }
0x1a5: {  	[sflag:s18] =	ssyncadd.s32 $0xFFFFC000  }
0x1a6: {  	_ =	swait.ge [sflag:s26], $0x2000  }
0x1a7: {  	[sflag:s26] =	ssyncset.done $0x0  }
0x1a8: {  	[sflag:s26] =	ssyncadd.s32 $0xFFFFE000  }
0x1a9: {  	_ =	swait.ge [sflag:s28], $0x2000  }
0x1aa: {  	s5 =	sld [smem:$0x7F5]  }
0x1ab: {  	[sflag:s28] =	ssyncset.done $0x0  }
0x1ac: {  	s6 =	sld [smem:$0x7F6];
	[sflag:s28] =	ssyncadd.s32 $0xFFFFE000  }
0x1ad: {  	[tilespmem:s29], [sflag:$0x3] =	stream.indirect.gather [hbm4b:s0+s21], $0x80, s5, s21, $0xb8;
	[tilespmem:$0x1F380] =	vst v63  }
0x1ae: {  	_ = 	snop  }
0x1af: {  	[tilespmem:s30], [sflag:$0x4] =	stream.indirect.gather [hbm4b:s0+s21], $0x80, s6, s21, $0xb8;
	[tilespmem:$0x1F380] =	vst v63  }
0x1b0: {  	v2 =	vld [tilespmem:$0x1F080];
	_ =	sdelay $0x7  }
0x1b1: {  	[tilespmem:v2+s31+$0x0] =	vst.idx.add.f32.msk $0xffff, v1  }
0x1b2: {  	v2 =	vld [tilespmem:$0x1F090];
	_ =	sdelay $0x7  }
0x1b3: {  	[tilespmem:v2+s31+$0x0] =	vst.idx.add.f32.msk $0xffff, v1  }
0x1b4: {  	v2 =	vld [tilespmem:$0x1F0A0];
	_ =	sdelay $0x7  }
0x1b5: {  	[tilespmem:v2+s31+$0x0] =	vst.idx.add.f32.msk $0xffff, v1  }
0x1b6: {  	v2 =	vld [tilespmem:$0x1F0B0];
	_ =	sdelay $0x7  }
0x1b7: {  	[tilespmem:v2+s31+$0x0] =	vst.idx.add.f32.msk $0xffff, v1  }
0x1b8: {  	v2 =	vld [tilespmem:$0x1F0C0];
	_ =	sdelay $0x7  }
0x1b9: {  	[tilespmem:v2+s31+$0x0] =	vst.idx.add.f32.msk $0xffff, v1  }
0x1ba: {  	v2 =	vld [tilespmem:$0x1F0D0];
	_ =	sdelay $0x7  }
0x1bb: {  	[tilespmem:v2+s31+$0x0] =	vst.idx.add.f32.msk $0xffff, v1  }
0x1bc: {  	v2 =	vld [tilespmem:$0x1F0E0];
	_ =	sdelay $0x7  }
0x1bd: {  	[tilespmem:v2+s31+$0x0] =	vst.idx.add.f32.msk $0xffff, v1  }
0x1be: {  	v2 =	vld [tilespmem:$0x1F0F0];
	_ =	sdelay $0x5  }
0x1bf: {  	s6 =	sld [smem:$0x7F7];
	_ =	sdelay $0x1  }
0x1c0: {  	[tilespmem:v2+s31+$0x0] =	vst.idx.add.f32.msk $0xffff, v1  }
0x1c1: {  	[spmem:s2] =	stream.indirect.scatter.add.f32 [tilespmem:s17], [sflag:$0x5], $0x80, s6, s1, $0xb8;
	[tilespmem:$0x1F380] =	vst v63  }
0x1c2: {  	_ =	swait.ge [sflag:s18], $0x4000  }
0x1c3: {  	[sflag:s18] =	ssyncset.done $0x0  }
0x1c4: {  	[sflag:s18] =	ssyncadd.s32 $0xFFFFC000  }
0x1c5: {  	_ =	swait.ge [sflag:s3], $0x2000  }
0x1c6: {  	[sflag:s3] =	ssyncset.done $0x0  }
0x1c7: {  	[sflag:s3] =	ssyncadd.s32 $0xFFFFE000  }
0x1c8: {  	_ =	swait.ge [sflag:s7], $0x2000  }
0x1c9: {  	s5 =	sld [smem:$0x7F8]  }
0x1ca: {  	[sflag:s7] =	ssyncset.done $0x0  }
0x1cb: {  	s6 =	sld [smem:$0x7F9];
	[sflag:s7] =	ssyncadd.s32 $0xFFFFE000  }
0x1cc: {  	[tilespmem:s17], [sflag:$0x1] =	stream.indirect.gather [hbm4b:s0+s21], $0x80, s5, s21, $0xb8;
	[tilespmem:$0x1F380] =	vst v63  }
0x1cd: {  	_ = 	snop  }
0x1ce: {  	[tilespmem:s22], [sflag:$0x2] =	stream.indirect.gather [hbm4b:s0+s21], $0x80, s6, s21, $0xb8;
	[tilespmem:$0x1F380] =	vst v63  }
0x1cf: {  	v2 =	vld [tilespmem:$0x1F100];
	_ =	sdelay $0x7  }
0x1d0: {  	[tilespmem:v2+s31+$0x0] =	vst.idx.add.f32.msk $0xffff, v1  }
0x1d1: {  	v2 =	vld [tilespmem:$0x1F110];
	_ =	sdelay $0x7  }
0x1d2: {  	[tilespmem:v2+s31+$0x0] =	vst.idx.add.f32.msk $0xffff, v1  }
0x1d3: {  	v2 =	vld [tilespmem:$0x1F120];
	_ =	sdelay $0x7  }
0x1d4: {  	[tilespmem:v2+s31+$0x0] =	vst.idx.add.f32.msk $0xffff, v1  }
0x1d5: {  	v2 =	vld [tilespmem:$0x1F130];
	_ =	sdelay $0x7  }
0x1d6: {  	[tilespmem:v2+s31+$0x0] =	vst.idx.add.f32.msk $0xffff, v1  }
0x1d7: {  	v2 =	vld [tilespmem:$0x1F140];
	_ =	sdelay $0x7  }
0x1d8: {  	[tilespmem:v2+s31+$0x0] =	vst.idx.add.f32.msk $0xffff, v1  }
0x1d9: {  	v2 =	vld [tilespmem:$0x1F150];
	_ =	sdelay $0x7  }
0x1da: {  	[tilespmem:v2+s31+$0x0] =	vst.idx.add.f32.msk $0xffff, v1  }
0x1db: {  	v2 =	vld [tilespmem:$0x1F160];
	_ =	sdelay $0x7  }
0x1dc: {  	[tilespmem:v2+s31+$0x0] =	vst.idx.add.f32.msk $0xffff, v1  }
0x1dd: {  	v2 =	vld [tilespmem:$0x1F170];
	_ =	sdelay $0x5  }
0x1de: {  	s6 =	sld [smem:$0x7FA];
	_ =	sdelay $0x1  }
0x1df: {  	[tilespmem:v2+s31+$0x0] =	vst.idx.add.f32.msk $0xffff, v1  }
0x1e0: {  	[spmem:s2] =	stream.indirect.scatter.add.f32 [tilespmem:s29], [sflag:$0x5], $0x80, s6, s1, $0xb8;
	[tilespmem:$0x1F380] =	vst v63  }
0x1e1: {  	_ =	swait.ge [sflag:s18], $0x4000  }
0x1e2: {  	[sflag:s18] =	ssyncset.done $0x0  }
0x1e3: {  	[sflag:s18] =	ssyncadd.s32 $0xFFFFC000  }
0x1e4: {  	_ =	swait.ge [sflag:s26], $0x2000  }
0x1e5: {  	[sflag:s26] =	ssyncset.done $0x0  }
0x1e6: {  	[sflag:s26] =	ssyncadd.s32 $0xFFFFE000  }
0x1e7: {  	_ =	swait.ge [sflag:s28], $0x2000  }
0x1e8: {  	[sflag:s28] =	ssyncset.done $0x0  }
0x1e9: {  	[sflag:s28] =	ssyncadd.s32 $0xFFFFE000  }
0x1ea: {  	[tilespmem:s29], [sflag:$0x3] =	stream.indirect.gather [hbm4b:s0+s21], $0x80, s8, s21, $0xb8;
	[tilespmem:$0x1F380] =	vst v63  }
0x1eb: {  	_ = 	snop  }
0x1ec: {  	[tilespmem:s30], [sflag:$0x4] =	stream.indirect.gather [hbm4b:s0+s21], $0x80, s9, s21, $0xb8;
	[tilespmem:$0x1F380] =	vst v63  }
0x1ed: {  	v2 =	vld [tilespmem:$0x1F180];
	_ =	sdelay $0x7  }
0x1ee: {  	[tilespmem:v2+s31+$0x0] =	vst.idx.add.f32.msk $0xffff, v1  }
0x1ef: {  	v2 =	vld [tilespmem:$0x1F190];
	_ =	sdelay $0x7  }
0x1f0: {  	[tilespmem:v2+s31+$0x0] =	vst.idx.add.f32.msk $0xffff, v1  }
0x1f1: {  	v2 =	vld [tilespmem:$0x1F1A0];
	_ =	sdelay $0x7  }
0x1f2: {  	[tilespmem:v2+s31+$0x0] =	vst.idx.add.f32.msk $0xffff, v1  }
0x1f3: {  	v2 =	vld [tilespmem:$0x1F1B0];
	_ =	sdelay $0x7  }
0x1f4: {  	[tilespmem:v2+s31+$0x0] =	vst.idx.add.f32.msk $0xffff, v1  }
0x1f5: {  	v2 =	vld [tilespmem:$0x1F1C0];
	_ =	sdelay $0x7  }
0x1f6: {  	[tilespmem:v2+s31+$0x0] =	vst.idx.add.f32.msk $0xffff, v1  }
0x1f7: {  	v2 =	vld [tilespmem:$0x1F1D0];
	_ =	sdelay $0x7  }
0x1f8: {  	[tilespmem:v2+s31+$0x0] =	vst.idx.add.f32.msk $0xffff, v1  }
0x1f9: {  	v2 =	vld [tilespmem:$0x1F1E0];
	_ =	sdelay $0x7  }
0x1fa: {  	[tilespmem:v2+s31+$0x0] =	vst.idx.add.f32.msk $0xffff, v1  }
0x1fb: {  	v2 =	vld [tilespmem:$0x1F1F0];
	_ =	sdelay $0x7  }
0x1fc: {  	[tilespmem:v2+s31+$0x0] =	vst.idx.add.f32.msk $0xffff, v1  }
0x1fd: {  	[spmem:s2] =	stream.indirect.scatter.add.f32 [tilespmem:s17], [sflag:$0x5], $0x80, s10, s1, $0xb8;
	[tilespmem:$0x1F380] =	vst v63  }
0x1fe: {  	_ =	swait.ge [sflag:s18], $0x4000  }
0x1ff: {  	[sflag:s18] =	ssyncset.done $0x0  }
0x200: {  	[sflag:s18] =	ssyncadd.s32 $0xFFFFC000  }
0x201: {  	_ =	swait.ge [sflag:s3], $0x2000  }
0x202: {  	[sflag:s3] =	ssyncset.done $0x0  }
0x203: {  	[sflag:s3] =	ssyncadd.s32 $0xFFFFE000  }
0x204: {  	_ =	swait.ge [sflag:s7], $0x2000  }
0x205: {  	[sflag:s7] =	ssyncset.done $0x0  }
0x206: {  	[sflag:s7] =	ssyncadd.s32 $0xFFFFE000  }
0x207: {  	[tilespmem:s17], [sflag:$0x1] =	stream.indirect.gather [hbm4b:s0+s21], $0x80, s11, s21, $0xb8;
	[tilespmem:$0x1F380] =	vst v63  }
0x208: {  	_ = 	snop  }
0x209: {  	[tilespmem:s22], [sflag:$0x2] =	stream.indirect.gather [hbm4b:s0+s21], $0x80, s12, s21, $0xb8;
	[tilespmem:$0x1F380] =	vst v63  }
0x20a: {  	v2 =	vld [tilespmem:$0x1F200];
	_ =	sdelay $0x7  }
0x20b: {  	[tilespmem:v2+s31+$0x0] =	vst.idx.add.f32.msk $0xffff, v1  }
0x20c: {  	v2 =	vld [tilespmem:$0x1F210];
	_ =	sdelay $0x7  }
0x20d: {  	[tilespmem:v2+s31+$0x0] =	vst.idx.add.f32.msk $0xffff, v1  }
0x20e: {  	v2 =	vld [tilespmem:$0x1F220];
	_ =	sdelay $0x7  }
0x20f: {  	[tilespmem:v2+s31+$0x0] =	vst.idx.add.f32.msk $0xffff, v1  }
0x210: {  	v2 =	vld [tilespmem:$0x1F230];
	_ =	sdelay $0x7  }
0x211: {  	[tilespmem:v2+s31+$0x0] =	vst.idx.add.f32.msk $0xffff, v1  }
0x212: {  	v2 =	vld [tilespmem:$0x1F240];
	_ =	sdelay $0x7  }
0x213: {  	[tilespmem:v2+s31+$0x0] =	vst.idx.add.f32.msk $0xffff, v1  }
0x214: {  	v2 =	vld [tilespmem:$0x1F250];
	_ =	sdelay $0x7  }
0x215: {  	[tilespmem:v2+s31+$0x0] =	vst.idx.add.f32.msk $0xffff, v1  }
0x216: {  	v2 =	vld [tilespmem:$0x1F260];
	_ =	sdelay $0x7  }
0x217: {  	[tilespmem:v2+s31+$0x0] =	vst.idx.add.f32.msk $0xffff, v1  }
0x218: {  	v2 =	vld [tilespmem:$0x1F270];
	_ =	sdelay $0x7  }
0x219: {  	[tilespmem:v2+s31+$0x0] =	vst.idx.add.f32.msk $0xffff, v1  }
0x21a: {  	[spmem:s2] =	stream.indirect.scatter.add.f32 [tilespmem:s29], [sflag:$0x5], $0x80, s13, s1, $0xb8;
	[tilespmem:$0x1F380] =	vst v63  }
0x21b: {  	_ =	swait.ge [sflag:s18], $0x4000  }
0x21c: {  	[sflag:s18] =	ssyncset.done $0x0  }
0x21d: {  	[sflag:s18] =	ssyncadd.s32 $0xFFFFC000  }
0x21e: {  	_ =	swait.ge [sflag:s26], $0x2000  }
0x21f: {  	[sflag:s26] =	ssyncset.done $0x0  }
0x220: {  	[sflag:s26] =	ssyncadd.s32 $0xFFFFE000  }
0x221: {  	_ =	swait.ge [sflag:s28], $0x2000  }
0x222: {  	[sflag:s28] =	ssyncset.done $0x0  }
0x223: {  	[sflag:s28] =	ssyncadd.s32 $0xFFFFE000  }
0x224: {  	[tilespmem:s29], [sflag:$0x3] =	stream.indirect.gather [hbm4b:s0+s21], $0x80, s14, s21, $0xb8;
	[tilespmem:$0x1F380] =	vst v63  }
0x225: {  	_ = 	snop  }
0x226: {  	[tilespmem:s30], [sflag:$0x4] =	stream.indirect.gather [hbm4b:s0+s21], $0x80, s15, s21, $0xb8;
	[tilespmem:$0x1F380] =	vst v63  }
0x227: {  	v2 =	vld [tilespmem:$0x1F280];
	_ =	sdelay $0x7  }
0x228: {  	[tilespmem:v2+s31+$0x0] =	vst.idx.add.f32.msk $0xffff, v1  }
0x229: {  	v2 =	vld [tilespmem:$0x1F290];
	_ =	sdelay $0x7  }
0x22a: {  	[tilespmem:v2+s31+$0x0] =	vst.idx.add.f32.msk $0xffff, v1  }
0x22b: {  	v2 =	vld [tilespmem:$0x1F2A0];
	_ =	sdelay $0x7  }
0x22c: {  	[tilespmem:v2+s31+$0x0] =	vst.idx.add.f32.msk $0xffff, v1  }
0x22d: {  	v2 =	vld [tilespmem:$0x1F2B0];
	_ =	sdelay $0x7  }
0x22e: {  	[tilespmem:v2+s31+$0x0] =	vst.idx.add.f32.msk $0xffff, v1  }
0x22f: {  	v2 =	vld [tilespmem:$0x1F2C0];
	_ =	sdelay $0x7  }
0x230: {  	[tilespmem:v2+s31+$0x0] =	vst.idx.add.f32.msk $0xffff, v1  }
0x231: {  	v2 =	vld [tilespmem:$0x1F2D0];
	_ =	sdelay $0x7  }
0x232: {  	[tilespmem:v2+s31+$0x0] =	vst.idx.add.f32.msk $0xffff, v1  }
0x233: {  	v2 =	vld [tilespmem:$0x1F2E0];
	_ =	sdelay $0x7  }
0x234: {  	[tilespmem:v2+s31+$0x0] =	vst.idx.add.f32.msk $0xffff, v1  }
0x235: {  	v2 =	vld [tilespmem:$0x1F2F0];
	_ =	sdelay $0x7  }
0x236: {  	[tilespmem:v2+s31+$0x0] =	vst.idx.add.f32.msk $0xffff, v1  }
0x237: {  	[spmem:s2] =	stream.indirect.scatter.add.f32 [tilespmem:s17], [sflag:$0x5], $0x80, s16, s1, $0xb8;
	[tilespmem:$0x1F380] =	vst v63  }
0x238: {  	_ =	swait.ge [sflag:s18], $0x4000  }
0x239: {  	[sflag:s18] =	ssyncset.done $0x0  }
0x23a: {  	[sflag:s18] =	ssyncadd.s32 $0xFFFFC000  }
0x23b: {  	_ =	swait.ge [sflag:s3], $0x2000  }
0x23c: {  	[sflag:s3] =	ssyncset.done $0x0  }
0x23d: {  	[sflag:s3] =	ssyncadd.s32 $0xFFFFE000  }
0x23e: {  	_ =	swait.ge [sflag:s7], $0x2000  }
0x23f: {  	[sflag:s7] =	ssyncset.done $0x0  }
0x240: {  	[sflag:s7] =	ssyncadd.s32 $0xFFFFE000  }
0x241: {  	v2 =	vld [tilespmem:$0x1F300];
	_ =	sdelay $0x7  }
0x242: {  	[tilespmem:v2+s31+$0x0] =	vst.idx.add.f32.msk $0xffff, v1  }
0x243: {  	v2 =	vld [tilespmem:$0x1F310];
	_ =	sdelay $0x7  }
0x244: {  	[tilespmem:v2+s31+$0x0] =	vst.idx.add.f32.msk $0xffff, v1  }
0x245: {  	v2 =	vld [tilespmem:$0x1F320];
	_ =	sdelay $0x7  }
0x246: {  	[tilespmem:v2+s31+$0x0] =	vst.idx.add.f32.msk $0xffff, v1  }
0x247: {  	v2 =	vld [tilespmem:$0x1F330];
	_ =	sdelay $0x7  }
0x248: {  	[tilespmem:v2+s31+$0x0] =	vst.idx.add.f32.msk $0xffff, v1  }
0x249: {  	v2 =	vld [tilespmem:$0x1F340];
	_ =	sdelay $0x7  }
0x24a: {  	[tilespmem:v2+s31+$0x0] =	vst.idx.add.f32.msk $0xffff, v1  }
0x24b: {  	v2 =	vld [tilespmem:$0x1F350];
	_ =	sdelay $0x7  }
0x24c: {  	[tilespmem:v2+s31+$0x0] =	vst.idx.add.f32.msk $0xffff, v1  }
0x24d: {  	v2 =	vld [tilespmem:$0x1F360];
	_ =	sdelay $0x7  }
0x24e: {  	[tilespmem:v2+s31+$0x0] =	vst.idx.add.f32.msk $0xffff, v1  }
0x24f: {  	v2 =	vld [tilespmem:$0x1F370];
	_ =	sdelay $0x6  }
0x250: {  	p0 =	sne.s32 s25, $0x400  }
.Ltmp2:
0x251: {  	[tilespmem:v2+s31+$0x0] =	vst.idx.add.f32.msk $0xffff, v1;
	(pc) =	sbr.rel @p0 .LBB2_6-.Ltmp2, $4  }
0x252: {  	[spmem:s2] =	stream.indirect.scatter.add.f32 [tilespmem:s29], [sflag:$0x5], $0x80, s23, s1, $0xb8;
	[tilespmem:$0x1F380] =	vst v63  }
0x253: {  	_ =	swait.ge [sflag:s18], $0x4000  }
0x254: {  	[sflag:s18] =	ssyncset.done $0x0  }
0x255: {  	s25 =	sadd.s32 $0x100, s25;
	[sflag:s18] =	ssyncadd.s32 $0xFFFFC000  }
0x256: {  	[bflag:$0x0] =	sbarrier.arrive $0xFFFF  }
0x257: {  	s6 =	sld [smem:$0x7E9]  }
0x258: {  	s5 =	stileid.u32;
	s25 =	sld [smem:$0x7E5]  }
0x259: {  	s5 =	sshll.u32 s5, $0x6  }
0x25a: {  	s5 =	sor.u32 $0x1C05, s5;
	s6 =	sshrl.u32 s6, $0x3  }
0x25b: {  	[hbm:s25], [sflag:s5] =	dma.local [spmem:s6], $0x800  }
0x25c: {  	_ =	swait.ge [sflag:s18], $0x800  }
0x25d: {  	s6 =	sld [smem:$0x7EB]  }
0x25e: {  	s25 =	sld [smem:$0x7FB]  }
0x25f: {  	[sflag:s18] =	ssyncset.done $0x0  }
0x260: {  	[sflag:s18] =	ssyncadd.s32 $0xFFFFF800  }
0x261: {  	[hbm:s6], [sflag:s5] =	dma.local [spmem:s25], $0x800  }
0x262: {  	_ =	swait.ge [sflag:s18], $0x800  }
0x263: {  	s6 =	sld [smem:$0x7EE]  }
0x264: {  	s25 =	sld [smem:$0x7FC]  }
0x265: {  	[sflag:s18] =	ssyncset.done $0x0  }
0x266: {  	[sflag:s18] =	ssyncadd.s32 $0xFFFFF800  }
0x267: {  	[hbm:s6], [sflag:s5] =	dma.local [spmem:s25], $0x800  }
0x268: {  	_ =	swait.ge [sflag:s18], $0x800  }
0x269: {  	s6 =	sld [smem:$0x7F4]  }
0x26a: {  	s25 =	sld [smem:$0x7FD]  }
0x26b: {  	[sflag:s18] =	ssyncset.done $0x0  }
0x26c: {  	[sflag:s18] =	ssyncadd.s32 $0xFFFFF800  }
0x26d: {  	[hbm:s6], [sflag:s5] =	dma.local [spmem:s25], $0x800  }
0x26e: {  	_ =	swait.ge [sflag:s18], $0x800  }
0x26f: {  	s25 =	sld [smem:$0x7E2];
	_ =	sdelay $0x2  }
0x270: {  	s6 =	sshrl.u32 s25, $0x3;
	s25 =	sld [smem:$0x7E3]  }
0x271: {  	[sflag:s18] =	ssyncset.done $0x0  }
0x272: {  	[sflag:s18] =	ssyncadd.s32 $0xFFFFF800  }
0x273: {  	[hbm:s25], [sflag:s5] =	dma.local [spmem:s6], $0x780  }
0x274: {  	_ =	swait.ge [sflag:s18], $0x780  }
0x275: {  	s6 =	sld [smem:$0x7E4]  }
0x276: {  	[sflag:s18] =	ssyncset.done $0x0  }
0x277: {  	s25 =	simm.s32 $0x400;
	[sflag:s18] =	ssyncadd.s32 $0xFFFFF880  }
0x278: {  	[hbm4b:s6+s1] =	stream.strided.scatter [tilespmem:s31], [sflag:$0x5], $0x2780, s25, s1, $0x38;
	[tilespmem:$0x1F380] =	vst v63  }
0x279: {  	_ =	swait.ge [sflag:s18], $0x2780  }
0x27a: {  	s25 =	sld [smem:$0x7E6];
	_ =	sdelay $0x1  }
0x27b: {  	s24 =	sadd.s32 $0x1, s24  }
0x27c: {  	p0 =	sne.s32 s24, s25  }
.Ltmp3:
0x27d: {  	_ = 	snop;
	(pc) =	sbr.rel @p0 .LBB2_1-.Ltmp3, $3  }
0x27e: {  	_ =	sdelay $0x1  }
0x27f: {  	[sflag:s18] =	ssyncset.done $0x0  }
0x280: {  	[sflag:s18] =	ssyncadd.s32 $0xFFFFD880  }
0x281: {  	_ =	sfence.sel $0x180000  }
0x282: {  	[bflag:$0x0] =	sbarrier.arrive $0xFFFF  }
0x283: {  	_ =	strace $0x90000047  }
0x284: {  	s0 =	stileid.u32;
	[bflag:$0x2] =	sbarrier.arrive $0xFFFF  }
0x285: {  	p0 =	sne.s32 s0, $0x0;
	s0 =	rddreg [dreg:$0x6]  }
0x286: {  	s0 =	sadd.s32 @!p0 $0x100000, s0  }
0x287: {  	[sflag:s0] =	ssyncadd.tile.s32 @!p0 $0x1;
	_ =	shalt  }
.Lfunc_end2:
_tile_overlayer_lowered:
.L_overlay_start_2:
0x288: {  	(tag) =	ssettag $0x2  }
0x289: {  	s0 =	rddreg [dreg:$0x0];
	s2 =	stileid.u32  }
0x28a: {  	s1 =	rddreg [dreg:$0x1];
	p0 =	sne.s32 s2, $0x0  }
0x28b: {  	s3 =	rddreg [dreg:$0x2];
	[bflag:$0x3] =	sbarrier.arrive $0xFFFF;
	s2 =	simm.s32 @!p0 $0x1C05  }
0x28c: {  	[timem:s3], [sflag:s2] =	dma.local @!p0 [hbm:s0], s1  }
0x28d: {  	s0 =	simm.s32 @!p0 $0x5  }
0x28e: {  	_ =	swait.ge @!p0 [sflag:s0], s1  }
0x28f: {  	s1 =	ssub.s32 @!p0 $0x0, s1;
	[sflag:s0] =	ssyncset.done @!p0 $0x0  }
0x290: {  	[sflag:s0] =	ssyncadd.s32 @!p0 s1  }
0x291: {  	[bflag:$0x3] =	sbarrier.arrive $0xFFFF  }
0x292: {  	_ =	shalt  }

</sc_bundles>
